<compile_context>
chip_gen: v7x
topology: tpu7x:2x2x1
jax: 0.10.2.dev20260603
libtpu: 0.0.44.dev20260713+nightly
codegen_flags: <defaults>
</compile_context>

<pallas_src>
import functools

import jax
import jax.numpy as jnp
from jax import lax
from jax.experimental import pallas as pl
from jax.experimental.pallas import tpu as pltpu
from jax.experimental.pallas import tpu_sc as plsc

N = 10000
E = 320000
G = 64
D = 128
H = 128
HH = H // 2
EPS = 1e-5

NC = 2
NS = 16
CHUNK = 128
NCH = 160
PER_SUB = NCH * CHUNK
EPAD = NS * PER_SUB
ACC_ROWS = 10240
ROWS_PER_SUB = ACC_ROWS // NS
DUMMY = N

_MESH = dict(core_axis_name="c", subcore_axis_name="s")
_CP = pltpu.CompilerParams(use_tc_tiling_on_sc=False)



def _zero_vmem_block(buf, nrows, ncols):
    @pl.loop(0, nrows)
    def _(r):
        @pl.loop(0, ncols // 16)
        def _(cc):
            buf[r, pl.ds(cc * 16, 16)] = jnp.zeros((16,), jnp.float32)


def _sc_degree(dst3):
    @functools.partial(
        pl.kernel,
        out_type=jax.ShapeDtypeStruct((NC, ACC_ROWS, 16), jnp.float32),
        mesh=plsc.VectorSubcoreMesh(**_MESH),
        scratch_types=[
            pltpu.VMEM((NCH, CHUNK), jnp.int32),
            pltpu.VMEM((CHUNK, 16), jnp.float32),
            pltpu.VMEM_SHARED((ACC_ROWS, 16), jnp.float32),
        ],
        compiler_params=_CP,
    )
    def k(dst_hbm, out_hbm, dstall, ones_v, acc):
        c = lax.axis_index("c")
        s = lax.axis_index("s")
        pltpu.sync_copy(dst_hbm.at[s], dstall)
        _zero_vmem_block(ones_v, CHUNK, 16)
        @pl.loop(0, ROWS_PER_SUB // CHUNK)
        def _(i):
            pltpu.sync_copy(ones_v, acc.at[pl.ds(s * ROWS_PER_SUB + i * CHUNK, CHUNK)])
        @pl.loop(0, CHUNK)
        def _(r):
            ones_v[r, pl.ds(0, 16)] = jnp.ones((16,), jnp.float32)
        plsc.subcore_barrier()
        half = NCH // NC
        @pl.loop(0, half)
        def _(ch):
            pltpu.sync_copy(ones_v, acc.at[dstall.at[c * half + ch]], add=True)
        plsc.subcore_barrier()
        pltpu.sync_copy(acc.at[pl.ds(s * ROWS_PER_SUB, ROWS_PER_SUB)],
                        out_hbm.at[c].at[pl.ds(s * ROWS_PER_SUB, ROWS_PER_SUB)])

    return k(dst3)


def _sc_aggregate(h_split, src3, dst3):
    @functools.partial(
        pl.kernel,
        out_type=jax.ShapeDtypeStruct((NC, ACC_ROWS, HH), jnp.float32),
        mesh=plsc.VectorSubcoreMesh(**_MESH),
        scratch_types=[
            pltpu.VMEM((NCH, CHUNK), jnp.int32),
            pltpu.VMEM((NCH, CHUNK), jnp.int32),
            pltpu.VMEM((CHUNK, HH), jnp.float32),
            pltpu.VMEM((CHUNK, HH), jnp.float32),
            pltpu.VMEM_SHARED((ACC_ROWS, HH), jnp.float32),
            pltpu.SemaphoreType.DMA,
            pltpu.SemaphoreType.DMA,
            pltpu.SemaphoreType.DMA,
        ],
        compiler_params=_CP,
    )
    def k(h_hbm, src_hbm, dst_hbm, out_hbm, srcall, dstall, rows0, rows1,
          acc, sem0, sem1, semi):
        c = lax.axis_index("c")
        s = lax.axis_index("s")
        my_h = h_hbm.at[c]
        pltpu.async_copy(src_hbm.at[s], srcall, semi)
        pltpu.async_copy(dst_hbm.at[s], dstall, semi)
        _zero_vmem_block(rows0, CHUNK, HH)
        @pl.loop(0, ROWS_PER_SUB // CHUNK)
        def _(i):
            pltpu.sync_copy(rows0, acc.at[pl.ds(s * ROWS_PER_SUB + i * CHUNK, CHUNK)])
        pltpu.make_async_copy(src_hbm.at[s], srcall, semi).wait()
        pltpu.make_async_copy(dst_hbm.at[s], dstall, semi).wait()
        plsc.subcore_barrier()

        pltpu.async_copy(my_h.at[srcall.at[0]], rows0, sem0)
        @pl.loop(0, NCH // 2)
        def _(i):
            c0 = i * 2
            pltpu.async_copy(my_h.at[srcall.at[c0 + 1]], rows1, sem1)
            pltpu.make_async_copy(my_h.at[srcall.at[c0]], rows0, sem0).wait()
            pltpu.sync_copy(rows0, acc.at[dstall.at[c0]], add=True)
            @pl.when(i < NCH // 2 - 1)
            def _():
                pltpu.async_copy(my_h.at[srcall.at[c0 + 2]], rows0, sem0)
            pltpu.make_async_copy(my_h.at[srcall.at[c0 + 1]], rows1, sem1).wait()
            pltpu.sync_copy(rows1, acc.at[dstall.at[c0 + 1]], add=True)

        plsc.subcore_barrier()
        pltpu.sync_copy(acc.at[pl.ds(s * ROWS_PER_SUB, ROWS_PER_SUB)],
                        out_hbm.at[c].at[pl.ds(s * ROWS_PER_SUB, ROWS_PER_SUB)])

    return k(h_split, src3, dst3)




def _split3(a):
    a1 = a.astype(jnp.bfloat16)
    r = a - a1.astype(jnp.float32)
    a2 = r.astype(jnp.bfloat16)
    a3 = (r - a2.astype(jnp.float32)).astype(jnp.bfloat16)
    return a1, a2, a3


def _split_store(o_ref, t):
    o_ref[0] = t[:, :HH]
    o_ref[1] = t[:, HH:]


def _mm_prescale_body(deg_ref, x_ref, w_ref, o_ref, dinv_ref):
    deg = deg_ref[0, :N, 0:1] + deg_ref[1, :N, 0:1] + 1.0
    dinv = 1.0 / jnp.sqrt(deg)
    dinv_ref[...] = dinv
    h = jnp.dot(x_ref[...], w_ref[...], preferred_element_type=jnp.float32)
    _split_store(o_ref, h * dinv)


def _tc_mm_prescale(deg_parts, x, w):
    return pl.pallas_call(
        _mm_prescale_body,
        out_shape=(jax.ShapeDtypeStruct((NC, N, HH), jnp.float32),
                   jax.ShapeDtypeStruct((N, 1), jnp.float32)),
        compiler_params=pltpu.CompilerParams(
            vmem_limit_bytes=100 * 1024 * 1024),
    )(deg_parts, x, w)


def _post_bn_relu(a_ref, s_ref, dinv_ref, b_ref, g_ref, be_ref):
    dinv = dinv_ref[...]
    agg = jnp.concatenate([a_ref[0, :N, :] + s_ref[0], a_ref[1, :N, :] + s_ref[1]],
                          axis=1)
    t = dinv * agg + b_ref[...]
    mu = jnp.mean(t, axis=0, keepdims=True)
    var = jnp.mean((t - mu) ** 2, axis=0, keepdims=True)
    t = g_ref[...] * (t - mu) / jnp.sqrt(var + EPS) + be_ref[...]
    return jnp.maximum(t, 0.0), dinv


def _layer_body(a_ref, s_ref, dinv_ref, b_ref, g_ref, be_ref, w_ref, o_ref):
    r, dinv = _post_bn_relu(a_ref, s_ref, dinv_ref, b_ref, g_ref, be_ref)
    h = jnp.dot(r, w_ref[...], preferred_element_type=jnp.float32) * dinv
    _split_store(o_ref, h)


def _tc_layer(a_parts, s, dinv, b, g, be, w_next):
    return pl.pallas_call(
        _layer_body,
        out_shape=jax.ShapeDtypeStruct((NC, N, HH), jnp.float32),
        compiler_params=pltpu.CompilerParams(
            vmem_limit_bytes=100 * 1024 * 1024),
    )(a_parts, s, dinv, b, g, be, w_next)


def _final_body(a_ref, s_ref, dinv_ref, b_ref, g_ref, be_ref, batch_ref,
                w1_ref, b1_ref, w2_ref, b2_ref, o_ref):
    r, _ = _post_bn_relu(a_ref, s_ref, dinv_ref, b_ref, g_ref, be_ref)
    gid = lax.broadcasted_iota(jnp.int32, (N, G), 1)
    onehot = (batch_ref[...] == gid).astype(jnp.float32)
    dn = (((0,), (0,)), ((), ()))
    r1, r2, r3 = _split3(r)
    oh = onehot.astype(jnp.bfloat16)
    dd = lambda u, v: lax.dot_general(u, v, dn, preferred_element_type=jnp.float32)
    sums = (dd(oh, r3) + dd(oh, r2)) + dd(oh, r1)
    counts = lax.dot_general(onehot, jnp.ones((N, 1), jnp.float32), dn,
                             preferred_element_type=jnp.float32)
    pooled = sums / jnp.maximum(counts, 1.0)
    z = jnp.maximum(jnp.dot(pooled, w1_ref[...],
                            preferred_element_type=jnp.float32)
                    + b1_ref[...], 0.0)
    o_ref[...] = (jnp.dot(z, w2_ref[...],
                          preferred_element_type=jnp.float32)
                  + b2_ref[...])


def _tc_final(a_parts, s, dinv, b, g, be, batch2d, lin1_W, lin1_b,
              lin2_W, lin2_b):
    return pl.pallas_call(
        _final_body,
        out_shape=jax.ShapeDtypeStruct((G, 1), jnp.float32),
        compiler_params=pltpu.CompilerParams(
            vmem_limit_bytes=100 * 1024 * 1024),
    )(a_parts, s, dinv, b, g, be, batch2d, lin1_W, lin1_b, lin2_W, lin2_b)



def kernel(x, edge_index, batch, W0, b0, g0, be0, W1, b1, g1, be1,
           W2, b2, g2, be2, lin1_W, lin1_b, lin2_W, lin2_b):
    src = edge_index[0].astype(jnp.int32)
    dst = edge_index[1].astype(jnp.int32)
    pad = EPAD - E
    src3 = jnp.concatenate([src, jnp.zeros((pad,), jnp.int32)]
                           ).reshape(NS, NCH, CHUNK)
    dst3 = jnp.concatenate([dst, jnp.full((pad,), DUMMY, jnp.int32)]
                           ).reshape(NS, NCH, CHUNK)
    batch2d = batch.astype(jnp.int32).reshape(N, 1)

    deg_parts = _sc_degree(dst3)
    s1, dinv = _tc_mm_prescale(deg_parts, x, W0)

    a1 = _sc_aggregate(s1, src3, dst3)
    s2 = _tc_layer(a1, s1, dinv, b0, g0, be0, W1)
    a2 = _sc_aggregate(s2, src3, dst3)
    s3 = _tc_layer(a2, s2, dinv, b1, g1, be1, W2)
    a3 = _sc_aggregate(s3, src3, dst3)
    return _tc_final(a3, s3, dinv, b2, g2, be2, batch2d,
                     lin1_W, lin1_b, lin2_W, lin2_b)

# --- scband reference (transcript-rebuilt; emitter-appended) ---
"""Pipeline reference for scband-gnnmodel-23373212025374 (READ-ONLY COPY).

The authoritative reference and input builder live on the scoring server;
editing this copy changes nothing except your own understanding.
"""

import jax, jax.numpy as jnp
import numpy as np

N = 10000
E = 320000
G = 64
D = 128
H = 128
EPS = 1e-5


def setup_inputs(seed: int = 0):
    key = jax.random.key(seed)
    ks = jax.random.split(key, 24)
    inp = {}
    inp["x"] = jax.random.normal(ks[0], (N, D), dtype=jnp.float32)
    inp["edge_index"] = jax.random.randint(ks[1], (2, E), 0, N, dtype=jnp.int32).astype(jnp.int64)
    inp["batch"] = jnp.sort(jax.random.randint(ks[2], (N,), 0, G, dtype=jnp.int32)).astype(jnp.int64)
    dims_in = [D, H, H]
    for i in range(3):
        inp[f"W{i}"] = jax.random.normal(ks[3 + i], (dims_in[i], H), dtype=jnp.float32) * 0.05
        inp[f"b{i}"] = jnp.zeros((H,), dtype=jnp.float32)
        inp[f"g{i}"] = jnp.ones((H,), dtype=jnp.float32)
        inp[f"be{i}"] = jnp.zeros((H,), dtype=jnp.float32)
    inp["lin1_W"] = jax.random.normal(ks[10], (H, H // 2), dtype=jnp.float32) * 0.05
    inp["lin1_b"] = jnp.zeros((H // 2,), dtype=jnp.float32)
    inp["lin2_W"] = jax.random.normal(ks[11], (H // 2, 1), dtype=jnp.float32) * 0.05
    inp["lin2_b"] = jnp.zeros((1,), dtype=jnp.float32)
    return inp


def _gcn_conv(x, src, dst, W, b):
    h = x @ W
    deg = jnp.zeros((x.shape[0],), dtype=x.dtype).at[dst].add(1.0)
    dinv = jnp.where(deg > 0, 1.0 / jnp.sqrt(deg), 0.0)
    norm = dinv[src] * dinv[dst]
    out = jnp.zeros_like(h).at[dst].add(h[src] * norm[:, None])
    return out + b


def _bn(x, g, b):
    mu = jnp.mean(x, axis=0)
    var = jnp.var(x, axis=0)
    return g * (x - mu) / jnp.sqrt(var + EPS) + b


def reference(x, edge_index, batch, W0, b0, g0, be0, W1, b1, g1, be1, W2, b2, g2, be2, lin1_W, lin1_b, lin2_W, lin2_b):
    n = x.shape[0]
    loops = jnp.arange(n, dtype=edge_index.dtype)
    src = jnp.concatenate([edge_index[0], loops])
    dst = jnp.concatenate([edge_index[1], loops])
    params = [(W0, b0, g0, be0), (W1, b1, g1, be1), (W2, b2, g2, be2)]
    h = x
    for W, b, g, be in params:
        h = _gcn_conv(h, src, dst, W, b)
        h = _bn(h, g, be)
        h = jax.nn.relu(h)
    sums = jnp.zeros((G, h.shape[1]), dtype=h.dtype).at[batch].add(h)
    counts = jnp.zeros((G,), dtype=h.dtype).at[batch].add(1.0)
    pooled = sums / jnp.maximum(counts, 1.0)[:, None]
    z = jax.nn.relu(pooled @ lin1_W + lin1_b)
    out = z @ lin2_W + lin2_b
    return out

if __name__ == "__main__":
    import jax
    _d = setup_inputs()
    print(jax.jit(kernel)(*tuple(_d.values())))

</pallas_src>

<mosaic_0001>
#map = affine_map<(d0, d1) -> (0, 0, 0)>
module attributes {stable_mosaic.version = 14 : i64} {
  func.func @k(%arg0: i32, %arg1: i32, %arg2: memref<2x10000x64xf32, #tpu.memory_space<hbm>>, %arg3: memref<16x160x128xi32, #tpu.memory_space<hbm>>, %arg4: memref<16x160x128xi32, #tpu.memory_space<hbm>>, %arg5: memref<2x10240x64xf32, #tpu.memory_space<hbm>>, %arg6: memref<160x128xi32, #tpu.memory_space<vmem>>, %arg7: memref<160x128xi32, #tpu.memory_space<vmem>>, %arg8: memref<128x64xf32, #tpu.memory_space<vmem>>, %arg9: memref<128x64xf32, #tpu.memory_space<vmem>>, %arg10: memref<10240x64xf32, #tpu.memory_space<vmem_shared>>, %arg11: memref<!tpu.dma_semaphore, #tpu.memory_space<semaphore_mem>>, %arg12: memref<!tpu.dma_semaphore, #tpu.memory_space<semaphore_mem>>, %arg13: memref<!tpu.dma_semaphore, #tpu.memory_space<semaphore_mem>>) attributes {dimension_semantics = [#tpu.dimension_semantics<core_parallel>, #tpu.dimension_semantics<subcore_parallel>], iteration_bounds = array<i64: 2, 16>, scalar_prefetch = 0 : i64, scratch_operands = 8 : i64, tpu.core_type = #tpu.core_type<sc_vector_subcore>, window_params = [{transform_indices = #map}, {transform_indices = #map}, {transform_indices = #map}, {transform_indices = #map}]} {
    %dma_start3A = arith.constant 0 : i32
    %dma_start3A_0 = arith.constant 0 : i32
    %dma_start3A_1 = tpu.memref_slice %arg3[%arg1, %dma_start3A, %dma_start3A_0] : memref<16x160x128xi32, #tpu.memory_space<hbm>> -> memref<1x160x128xi32, #tpu.memory_space<hbm>>
    %dma_start3A_2 = tpu.memref_squeeze %dma_start3A_1 : memref<1x160x128xi32, #tpu.memory_space<hbm>> -> memref<160x128xi32, #tpu.memory_space<hbm>>
    %dma_start3A_3 = arith.constant 0 : i32
    %dma_start3A_4 = arith.constant 0 : i32
    %dma_start3A_5 = tpu.memref_slice %arg3[%arg1, %dma_start3A_3, %dma_start3A_4] : memref<16x160x128xi32, #tpu.memory_space<hbm>> -> memref<1x160x128xi32, #tpu.memory_space<hbm>>
    %dma_start3A_6 = tpu.memref_squeeze %dma_start3A_5 : memref<1x160x128xi32, #tpu.memory_space<hbm>> -> memref<160x128xi32, #tpu.memory_space<hbm>>
    tpu.enqueue_dma source(%dma_start3A_6 : memref<160x128xi32, #tpu.memory_space<hbm>>) target(%arg6 : memref<160x128xi32, #tpu.memory_space<vmem>>) target_semaphore(%arg13 : memref<!tpu.dma_semaphore, #tpu.memory_space<semaphore_mem>>)
    %dma_start3A_7 = arith.constant 0 : i32
    %dma_start3A_8 = arith.constant 0 : i32
    %dma_start3A_9 = tpu.memref_slice %arg4[%arg1, %dma_start3A_7, %dma_start3A_8] : memref<16x160x128xi32, #tpu.memory_space<hbm>> -> memref<1x160x128xi32, #tpu.memory_space<hbm>>
    %dma_start3A_10 = tpu.memref_squeeze %dma_start3A_9 : memref<1x160x128xi32, #tpu.memory_space<hbm>> -> memref<160x128xi32, #tpu.memory_space<hbm>>
    %dma_start3A_11 = arith.constant 0 : i32
    %dma_start3A_12 = arith.constant 0 : i32
    %dma_start3A_13 = tpu.memref_slice %arg4[%arg1, %dma_start3A_11, %dma_start3A_12] : memref<16x160x128xi32, #tpu.memory_space<hbm>> -> memref<1x160x128xi32, #tpu.memory_space<hbm>>
    %dma_start3A_14 = tpu.memref_squeeze %dma_start3A_13 : memref<1x160x128xi32, #tpu.memory_space<hbm>> -> memref<160x128xi32, #tpu.memory_space<hbm>>
    tpu.enqueue_dma source(%dma_start3A_14 : memref<160x128xi32, #tpu.memory_space<hbm>>) target(%arg7 : memref<160x128xi32, #tpu.memory_space<vmem>>) target_semaphore(%arg13 : memref<!tpu.dma_semaphore, #tpu.memory_space<semaphore_mem>>)
    %scan3A = arith.constant 0 : i32
    %scan3A_15 = arith.constant 128 : i32
    %scan3A_16 = arith.addi %scan3A, %scan3A_15 : i32
    %scan3A_17 = arith.constant 1 : i32
    scf.for %scan3A_59 = %scan3A to %scan3A_16 step %scan3A_17  : i32 {
      %mul3A_60 = arith.constant 1 : i32
      %mul3A_61 = arith.muli %scan3A_59, %mul3A_60 : i32
      %add3A = arith.constant 0 : i32
      %add3A_62 = arith.addi %add3A, %mul3A_61 : i32
      %scan3A_63 = arith.constant 0 : i32
      %scan3A_64 = arith.constant 4 : i32
      %scan3A_65 = arith.addi %scan3A_63, %scan3A_64 : i32
      %scan3A_66 = arith.constant 1 : i32
      scf.for %scan3A_68 = %scan3A_63 to %scan3A_65 step %scan3A_66  : i32 {
        %mul3A_69 = arith.constant 1 : i32
        %mul3A_70 = arith.muli %scan3A_68, %mul3A_69 : i32
        %add3A_71 = arith.constant 0 : i32
        %add3A_72 = arith.addi %add3A_71, %mul3A_70 : i32
        %broadcast_in_dim3A = arith.constant 0.000000e+00 : f32
        %broadcast_in_dim3A_73 = vector.broadcast %broadcast_in_dim3A : f32 to vector<16xf32>
        %mul3A_74 = arith.constant 16 : i32
        %mul3A_75 = arith.muli %add3A_72, %mul3A_74 : i32
        %swap3A = arith.index_cast %add3A_62 : i32 to index
        %swap3A_76 = arith.index_cast %mul3A_75 : i32 to index
        %swap3A_77 = tpu.vector_load %arg8[%swap3A, %swap3A_76] {strides = array<i32>} : memref<128x64xf32, #tpu.memory_space<vmem>>, vector<1x16xf32>,
        %swap3A_78 = vector.shape_cast %swap3A_77 : vector<1x16xf32> to vector<16xf32>
        %swap3A_79 = vector.shape_cast %broadcast_in_dim3A_73 : vector<16xf32> to vector<1x16xf32>
        tpu.vector_store %arg8[%swap3A, %swap3A_76], %swap3A_79 {strides = array<i32>} : memref<128x64xf32, #tpu.memory_space<vmem>>, vector<1x16xf32>,
      }
      %scan3A_67 = arith.constant 4 : i32
    }
    %scan3A_18 = arith.constant 128 : i32
    %scan3A_19 = arith.constant 0 : i32
    %scan3A_20 = arith.constant 5 : i32
    %scan3A_21 = arith.addi %scan3A_19, %scan3A_20 : i32
    %scan3A_22 = arith.constant 1 : i32
    scf.for %scan3A_59 = %scan3A_19 to %scan3A_21 step %scan3A_22  : i32 {
      %mul3A_60 = arith.constant 1 : i32
      %mul3A_61 = arith.muli %scan3A_59, %mul3A_60 : i32
      %add3A = arith.constant 0 : i32
      %add3A_62 = arith.addi %add3A, %mul3A_61 : i32
      %mul3A_63 = arith.constant 640 : i32
      %mul3A_64 = arith.muli %arg1, %mul3A_63 : i32
      %mul3A_65 = arith.constant 128 : i32
      %mul3A_66 = arith.muli %add3A_62, %mul3A_65 : i32
      %add3A_67 = arith.addi %mul3A_64, %mul3A_66 : i32
      "tpu.region"() ({
        %run_scoped3A = tpu.sem_alloc : memref<!tpu.dma_semaphore, #tpu.memory_space<semaphore_mem>>
        %dma_start3A_68 = arith.constant 0 : i32
        %dma_start3A_69 = tpu.memref_slice %arg10[%add3A_67, %dma_start3A_68] : memref<10240x64xf32, #tpu.memory_space<vmem_shared>> -> memref<128x64xf32, #tpu.memory_space<vmem_shared>>
        %dma_start3A_70 = arith.constant 0 : i32
        %dma_start3A_71 = tpu.memref_slice %arg10[%add3A_67, %dma_start3A_70] : memref<10240x64xf32, #tpu.memory_space<vmem_shared>> -> memref<128x64xf32, #tpu.memory_space<vmem_shared>>
        tpu.enqueue_dma source(%arg8 : memref<128x64xf32, #tpu.memory_space<vmem>>) target(%dma_start3A_71 : memref<128x64xf32, #tpu.memory_space<vmem_shared>>) target_semaphore(%run_scoped3A : memref<!tpu.dma_semaphore, #tpu.memory_space<semaphore_mem>>)
        %dma_wait3A_72 = arith.constant 0 : i32
        %dma_wait3A_73 = tpu.memref_slice %arg10[%add3A_67, %dma_wait3A_72] : memref<10240x64xf32, #tpu.memory_space<vmem_shared>> -> memref<128x64xf32, #tpu.memory_space<vmem_shared>>
        %dma_wait3A_74 = arith.constant 0 : i32
        %dma_wait3A_75 = tpu.memref_slice %arg10[%add3A_67, %dma_wait3A_74] : memref<10240x64xf32, #tpu.memory_space<vmem_shared>> -> memref<128x64xf32, #tpu.memory_space<vmem_shared>>
        tpu.wait_dma2 semaphore(%run_scoped3A : memref<!tpu.dma_semaphore, #tpu.memory_space<semaphore_mem>>) src(%arg8 : memref<128x64xf32, #tpu.memory_space<vmem>>) dst(%dma_wait3A_75 : memref<128x64xf32, #tpu.memory_space<vmem_shared>>)
        tpu.yield
      }) : () -> ()
    }
    %scan3A_23 = arith.constant 5 : i32
    %dma_wait3A = arith.constant 0 : i32
    %dma_wait3A_24 = arith.constant 0 : i32
    %dma_wait3A_25 = tpu.memref_slice %arg3[%arg1, %dma_wait3A, %dma_wait3A_24] : memref<16x160x128xi32, #tpu.memory_space<hbm>> -> memref<1x160x128xi32, #tpu.memory_space<hbm>>
    %dma_wait3A_26 = tpu.memref_squeeze %dma_wait3A_25 : memref<1x160x128xi32, #tpu.memory_space<hbm>> -> memref<160x128xi32, #tpu.memory_space<hbm>>
    %dma_wait3A_27 = arith.constant 0 : i32
    %dma_wait3A_28 = arith.constant 0 : i32
    %dma_wait3A_29 = tpu.memref_slice %arg3[%arg1, %dma_wait3A_27, %dma_wait3A_28] : memref<16x160x128xi32, #tpu.memory_space<hbm>> -> memref<1x160x128xi32, #tpu.memory_space<hbm>>
    %dma_wait3A_30 = tpu.memref_squeeze %dma_wait3A_29 : memref<1x160x128xi32, #tpu.memory_space<hbm>> -> memref<160x128xi32, #tpu.memory_space<hbm>>
    tpu.wait_dma2 semaphore(%arg13 : memref<!tpu.dma_semaphore, #tpu.memory_space<semaphore_mem>>) src(%dma_wait3A_30 : memref<160x128xi32, #tpu.memory_space<hbm>>) dst(%arg6 : memref<160x128xi32, #tpu.memory_space<vmem>>)
    %dma_wait3A_31 = arith.constant 0 : i32
    %dma_wait3A_32 = arith.constant 0 : i32
    %dma_wait3A_33 = tpu.memref_slice %arg4[%arg1, %dma_wait3A_31, %dma_wait3A_32] : memref<16x160x128xi32, #tpu.memory_space<hbm>> -> memref<1x160x128xi32, #tpu.memory_space<hbm>>
    %dma_wait3A_34 = tpu.memref_squeeze %dma_wait3A_33 : memref<1x160x128xi32, #tpu.memory_space<hbm>> -> memref<160x128xi32, #tpu.memory_space<hbm>>
    %dma_wait3A_35 = arith.constant 0 : i32
    %dma_wait3A_36 = arith.constant 0 : i32
    %dma_wait3A_37 = tpu.memref_slice %arg4[%arg1, %dma_wait3A_35, %dma_wait3A_36] : memref<16x160x128xi32, #tpu.memory_space<hbm>> -> memref<1x160x128xi32, #tpu.memory_space<hbm>>
    %dma_wait3A_38 = tpu.memref_squeeze %dma_wait3A_37 : memref<1x160x128xi32, #tpu.memory_space<hbm>> -> memref<160x128xi32, #tpu.memory_space<hbm>>
    tpu.wait_dma2 semaphore(%arg13 : memref<!tpu.dma_semaphore, #tpu.memory_space<semaphore_mem>>) src(%dma_wait3A_38 : memref<160x128xi32, #tpu.memory_space<hbm>>) dst(%arg7 : memref<160x128xi32, #tpu.memory_space<vmem>>)
    %barrier3A = arith.constant 0 : index
    tpu.barrier barrier_id(%barrier3A)
    %dma_start3A_39 = arith.constant 0 : i32
    %dma_start3A_40 = arith.constant 0 : i32
    %dma_start3A_41 = tpu.memref_slice %arg6[%dma_start3A_39, %dma_start3A_40] : memref<160x128xi32, #tpu.memory_space<vmem>> -> memref<1x128xi32, #tpu.memory_space<vmem>>
    %dma_start3A_42 = tpu.memref_squeeze %dma_start3A_41 : memref<1x128xi32, #tpu.memory_space<vmem>> -> memref<128xi32, #tpu.memory_space<vmem>>
    %dma_start3A_43 = arith.constant 0 : i32
    %dma_start3A_44 = arith.constant 0 : i32
    %dma_start3A_45 = tpu.memref_slice %arg2[%arg0, %dma_start3A_43, %dma_start3A_44] : memref<2x10000x64xf32, #tpu.memory_space<hbm>> -> memref<1x10000x64xf32, #tpu.memory_space<hbm>>
    %dma_start3A_46 = tpu.memref_squeeze %dma_start3A_45 : memref<1x10000x64xf32, #tpu.memory_space<hbm>> -> memref<10000x64xf32, #tpu.memory_space<hbm>>
    %dma_start3A_47 = arith.constant 0 : i32
    %dma_start3A_48 = arith.constant 0 : i32
    %dma_start3A_49 = tpu.memref_slice %dma_start3A_46[%dma_start3A_47, %dma_start3A_48] : memref<10000x64xf32, #tpu.memory_space<hbm>> -> memref<10000x64xf32, #tpu.memory_space<hbm>>
    tpu.enqueue_indirect_dma source(%dma_start3A_49 : memref<10000x64xf32, #tpu.memory_space<hbm>>) target(%arg8 : memref<128x64xf32, #tpu.memory_space<vmem>>) offsets(%dma_start3A_42 : memref<128xi32, #tpu.memory_space<vmem>>) semaphore(%arg11 : memref<!tpu.dma_semaphore, #tpu.memory_space<semaphore_mem>>)
    %scan3A_50 = arith.constant 0 : i32
    %scan3A_51 = arith.constant 80 : i32
    %scan3A_52 = arith.addi %scan3A_50, %scan3A_51 : i32
    %scan3A_53 = arith.constant 1 : i32
    scf.for %scan3A_59 = %scan3A_50 to %scan3A_52 step %scan3A_53  : i32 {
      %mul3A_60 = arith.constant 1 : i32
      %mul3A_61 = arith.muli %scan3A_59, %mul3A_60 : i32
      %add3A = arith.constant 0 : i32
      %add3A_62 = arith.addi %add3A, %mul3A_61 : i32
      %mul3A_63 = arith.constant 2 : i32
      %mul3A_64 = arith.muli %add3A_62, %mul3A_63 : i32
      %add3A_65 = arith.constant 1 : i32
      %add3A_66 = arith.addi %mul3A_64, %add3A_65 : i32
      %dma_start3A_67 = arith.constant 0 : i32
      %dma_start3A_68 = tpu.memref_slice %arg6[%add3A_66, %dma_start3A_67] : memref<160x128xi32, #tpu.memory_space<vmem>> -> memref<1x128xi32, #tpu.memory_space<vmem>>
      %dma_start3A_69 = tpu.memref_squeeze %dma_start3A_68 : memref<1x128xi32, #tpu.memory_space<vmem>> -> memref<128xi32, #tpu.memory_space<vmem>>
      %dma_start3A_70 = arith.constant 0 : i32
      %dma_start3A_71 = arith.constant 0 : i32
      %dma_start3A_72 = tpu.memref_slice %arg2[%arg0, %dma_start3A_70, %dma_start3A_71] : memref<2x10000x64xf32, #tpu.memory_space<hbm>> -> memref<1x10000x64xf32, #tpu.memory_space<hbm>>
      %dma_start3A_73 = tpu.memref_squeeze %dma_start3A_72 : memref<1x10000x64xf32, #tpu.memory_space<hbm>> -> memref<10000x64xf32, #tpu.memory_space<hbm>>
      %dma_start3A_74 = arith.constant 0 : i32
      %dma_start3A_75 = arith.constant 0 : i32
      %dma_start3A_76 = tpu.memref_slice %dma_start3A_73[%dma_start3A_74, %dma_start3A_75] : memref<10000x64xf32, #tpu.memory_space<hbm>> -> memref<10000x64xf32, #tpu.memory_space<hbm>>
      tpu.enqueue_indirect_dma source(%dma_start3A_76 : memref<10000x64xf32, #tpu.memory_space<hbm>>) target(%arg9 : memref<128x64xf32, #tpu.memory_space<vmem>>) offsets(%dma_start3A_69 : memref<128xi32, #tpu.memory_space<vmem>>) semaphore(%arg12 : memref<!tpu.dma_semaphore, #tpu.memory_space<semaphore_mem>>)
      %dma_wait3A_77 = arith.constant 0 : i32
      %dma_wait3A_78 = tpu.memref_slice %arg6[%mul3A_64, %dma_wait3A_77] : memref<160x128xi32, #tpu.memory_space<vmem>> -> memref<1x128xi32, #tpu.memory_space<vmem>>
      %dma_wait3A_79 = tpu.memref_squeeze %dma_wait3A_78 : memref<1x128xi32, #tpu.memory_space<vmem>> -> memref<128xi32, #tpu.memory_space<vmem>>
      %dma_wait3A_80 = arith.constant 0 : i32
      %dma_wait3A_81 = arith.constant 0 : i32
      %dma_wait3A_82 = tpu.memref_slice %arg2[%arg0, %dma_wait3A_80, %dma_wait3A_81] : memref<2x10000x64xf32, #tpu.memory_space<hbm>> -> memref<1x10000x64xf32, #tpu.memory_space<hbm>>
      %dma_wait3A_83 = tpu.memref_squeeze %dma_wait3A_82 : memref<1x10000x64xf32, #tpu.memory_space<hbm>> -> memref<10000x64xf32, #tpu.memory_space<hbm>>
      %dma_wait3A_84 = arith.constant 0 : i32
      %dma_wait3A_85 = arith.constant 0 : i32
      %dma_wait3A_86 = tpu.memref_slice %dma_wait3A_83[%dma_wait3A_84, %dma_wait3A_85] : memref<10000x64xf32, #tpu.memory_space<hbm>> -> memref<10000x64xf32, #tpu.memory_space<hbm>>
      tpu.wait_indirect_dma semaphore(%arg11 : memref<!tpu.dma_semaphore, #tpu.memory_space<semaphore_mem>>) src(%dma_wait3A_86 : memref<10000x64xf32, #tpu.memory_space<hbm>>) dst(%arg8 : memref<128x64xf32, #tpu.memory_space<vmem>>)
      "tpu.region"() ({
        %run_scoped3A = tpu.sem_alloc : memref<!tpu.dma_semaphore, #tpu.memory_space<semaphore_mem>>
        %dma_start3A_103 = arith.constant 0 : i32
        %dma_start3A_104 = tpu.memref_slice %arg7[%mul3A_64, %dma_start3A_103] : memref<160x128xi32, #tpu.memory_space<vmem>> -> memref<1x128xi32, #tpu.memory_space<vmem>>
        %dma_start3A_105 = tpu.memref_squeeze %dma_start3A_104 : memref<1x128xi32, #tpu.memory_space<vmem>> -> memref<128xi32, #tpu.memory_space<vmem>>
        %dma_start3A_106 = arith.constant 0 : i32
        %dma_start3A_107 = arith.constant 0 : i32
        %dma_start3A_108 = tpu.memref_slice %arg10[%dma_start3A_106, %dma_start3A_107] : memref<10240x64xf32, #tpu.memory_space<vmem_shared>> -> memref<10240x64xf32, #tpu.memory_space<vmem_shared>>
        tpu.enqueue_indirect_dma source(%arg8 : memref<128x64xf32, #tpu.memory_space<vmem>>) target(%dma_start3A_108 : memref<10240x64xf32, #tpu.memory_space<vmem_shared>>) offsets(%dma_start3A_105 : memref<128xi32, #tpu.memory_space<vmem>>) semaphore(%run_scoped3A : memref<!tpu.dma_semaphore, #tpu.memory_space<semaphore_mem>>) {add = true}
        %dma_wait3A_109 = arith.constant 0 : i32
        %dma_wait3A_110 = tpu.memref_slice %arg7[%mul3A_64, %dma_wait3A_109] : memref<160x128xi32, #tpu.memory_space<vmem>> -> memref<1x128xi32, #tpu.memory_space<vmem>>
        %dma_wait3A_111 = tpu.memref_squeeze %dma_wait3A_110 : memref<1x128xi32, #tpu.memory_space<vmem>> -> memref<128xi32, #tpu.memory_space<vmem>>
        %dma_wait3A_112 = arith.constant 0 : i32
        %dma_wait3A_113 = arith.constant 0 : i32
        %dma_wait3A_114 = tpu.memref_slice %arg10[%dma_wait3A_112, %dma_wait3A_113] : memref<10240x64xf32, #tpu.memory_space<vmem_shared>> -> memref<10240x64xf32, #tpu.memory_space<vmem_shared>>
        tpu.wait_indirect_dma semaphore(%run_scoped3A : memref<!tpu.dma_semaphore, #tpu.memory_space<semaphore_mem>>) src(%arg8 : memref<128x64xf32, #tpu.memory_space<vmem>>) dst(%dma_wait3A_114 : memref<10240x64xf32, #tpu.memory_space<vmem_shared>>)
        tpu.yield
      }) : () -> ()
      %lt3A = arith.constant 79 : i32
      %lt3A_87 = arith.cmpi slt, %add3A_62, %lt3A : i32
      %convert_element_type3A = arith.extui %lt3A_87 : i1 to i32
      %cond3A = arith.constant 0 : i32
      %cond3A_88 = arith.cmpi ne, %convert_element_type3A, %cond3A : i32
      scf.if %cond3A_88 {
        %add3A_103 = arith.constant 2 : i32
        %add3A_104 = arith.addi %mul3A_64, %add3A_103 : i32
        %dma_start3A_105 = arith.constant 0 : i32
        %dma_start3A_106 = tpu.memref_slice %arg6[%add3A_104, %dma_start3A_105] : memref<160x128xi32, #tpu.memory_space<vmem>> -> memref<1x128xi32, #tpu.memory_space<vmem>>
        %dma_start3A_107 = tpu.memref_squeeze %dma_start3A_106 : memref<1x128xi32, #tpu.memory_space<vmem>> -> memref<128xi32, #tpu.memory_space<vmem>>
        %dma_start3A_108 = arith.constant 0 : i32
        %dma_start3A_109 = arith.constant 0 : i32
        %dma_start3A_110 = tpu.memref_slice %arg2[%arg0, %dma_start3A_108, %dma_start3A_109] : memref<2x10000x64xf32, #tpu.memory_space<hbm>> -> memref<1x10000x64xf32, #tpu.memory_space<hbm>>
        %dma_start3A_111 = tpu.memref_squeeze %dma_start3A_110 : memref<1x10000x64xf32, #tpu.memory_space<hbm>> -> memref<10000x64xf32, #tpu.memory_space<hbm>>
        %dma_start3A_112 = arith.constant 0 : i32
        %dma_start3A_113 = arith.constant 0 : i32
        %dma_start3A_114 = tpu.memref_slice %dma_start3A_111[%dma_start3A_112, %dma_start3A_113] : memref<10000x64xf32, #tpu.memory_space<hbm>> -> memref<10000x64xf32, #tpu.memory_space<hbm>>
        tpu.enqueue_indirect_dma source(%dma_start3A_114 : memref<10000x64xf32, #tpu.memory_space<hbm>>) target(%arg8 : memref<128x64xf32, #tpu.memory_space<vmem>>) offsets(%dma_start3A_107 : memref<128xi32, #tpu.memory_space<vmem>>) semaphore(%arg11 : memref<!tpu.dma_semaphore, #tpu.memory_space<semaphore_mem>>)
      } else {
      }
      %add3A_89 = arith.constant 1 : i32
      %add3A_90 = arith.addi %mul3A_64, %add3A_89 : i32
      %dma_wait3A_91 = arith.constant 0 : i32
      %dma_wait3A_92 = tpu.memref_slice %arg6[%add3A_90, %dma_wait3A_91] : memref<160x128xi32, #tpu.memory_space<vmem>> -> memref<1x128xi32, #tpu.memory_space<vmem>>
      %dma_wait3A_93 = tpu.memref_squeeze %dma_wait3A_92 : memref<1x128xi32, #tpu.memory_space<vmem>> -> memref<128xi32, #tpu.memory_space<vmem>>
      %dma_wait3A_94 = arith.constant 0 : i32
      %dma_wait3A_95 = arith.constant 0 : i32
      %dma_wait3A_96 = tpu.memref_slice %arg2[%arg0, %dma_wait3A_94, %dma_wait3A_95] : memref<2x10000x64xf32, #tpu.memory_space<hbm>> -> memref<1x10000x64xf32, #tpu.memory_space<hbm>>
      %dma_wait3A_97 = tpu.memref_squeeze %dma_wait3A_96 : memref<1x10000x64xf32, #tpu.memory_space<hbm>> -> memref<10000x64xf32, #tpu.memory_space<hbm>>
      %dma_wait3A_98 = arith.constant 0 : i32
      %dma_wait3A_99 = arith.constant 0 : i32
      %dma_wait3A_100 = tpu.memref_slice %dma_wait3A_97[%dma_wait3A_98, %dma_wait3A_99] : memref<10000x64xf32, #tpu.memory_space<hbm>> -> memref<10000x64xf32, #tpu.memory_space<hbm>>
      tpu.wait_indirect_dma semaphore(%arg12 : memref<!tpu.dma_semaphore, #tpu.memory_space<semaphore_mem>>) src(%dma_wait3A_100 : memref<10000x64xf32, #tpu.memory_space<hbm>>) dst(%arg9 : memref<128x64xf32, #tpu.memory_space<vmem>>)
      %add3A_101 = arith.constant 1 : i32
      %add3A_102 = arith.addi %mul3A_64, %add3A_101 : i32
      "tpu.region"() ({
        %run_scoped3A = tpu.sem_alloc : memref<!tpu.dma_semaphore, #tpu.memory_space<semaphore_mem>>
        %dma_start3A_103 = arith.constant 0 : i32
        %dma_start3A_104 = tpu.memref_slice %arg7[%add3A_102, %dma_start3A_103] : memref<160x128xi32, #tpu.memory_space<vmem>> -> memref<1x128xi32, #tpu.memory_space<vmem>>
        %dma_start3A_105 = tpu.memref_squeeze %dma_start3A_104 : memref<1x128xi32, #tpu.memory_space<vmem>> -> memref<128xi32, #tpu.memory_space<vmem>>
        %dma_start3A_106 = arith.constant 0 : i32
        %dma_start3A_107 = arith.constant 0 : i32
        %dma_start3A_108 = tpu.memref_slice %arg10[%dma_start3A_106, %dma_start3A_107] : memref<10240x64xf32, #tpu.memory_space<vmem_shared>> -> memref<10240x64xf32, #tpu.memory_space<vmem_shared>>
        tpu.enqueue_indirect_dma source(%arg9 : memref<128x64xf32, #tpu.memory_space<vmem>>) target(%dma_start3A_108 : memref<10240x64xf32, #tpu.memory_space<vmem_shared>>) offsets(%dma_start3A_105 : memref<128xi32, #tpu.memory_space<vmem>>) semaphore(%run_scoped3A : memref<!tpu.dma_semaphore, #tpu.memory_space<semaphore_mem>>) {add = true}
        %dma_wait3A_109 = arith.constant 0 : i32
        %dma_wait3A_110 = tpu.memref_slice %arg7[%add3A_102, %dma_wait3A_109] : memref<160x128xi32, #tpu.memory_space<vmem>> -> memref<1x128xi32, #tpu.memory_space<vmem>>
        %dma_wait3A_111 = tpu.memref_squeeze %dma_wait3A_110 : memref<1x128xi32, #tpu.memory_space<vmem>> -> memref<128xi32, #tpu.memory_space<vmem>>
        %dma_wait3A_112 = arith.constant 0 : i32
        %dma_wait3A_113 = arith.constant 0 : i32
        %dma_wait3A_114 = tpu.memref_slice %arg10[%dma_wait3A_112, %dma_wait3A_113] : memref<10240x64xf32, #tpu.memory_space<vmem_shared>> -> memref<10240x64xf32, #tpu.memory_space<vmem_shared>>
        tpu.wait_indirect_dma semaphore(%run_scoped3A : memref<!tpu.dma_semaphore, #tpu.memory_space<semaphore_mem>>) src(%arg9 : memref<128x64xf32, #tpu.memory_space<vmem>>) dst(%dma_wait3A_114 : memref<10240x64xf32, #tpu.memory_space<vmem_shared>>)
        tpu.yield
      }) : () -> ()
    }
    %scan3A_54 = arith.constant 80 : i32
    %barrier3A_55 = arith.constant 0 : index
    tpu.barrier barrier_id(%barrier3A_55)
    %mul3A = arith.constant 640 : i32
    %mul3A_56 = arith.muli %arg1, %mul3A : i32
    %mul3A_57 = arith.constant 640 : i32
    %mul3A_58 = arith.muli %arg1, %mul3A_57 : i32
    "tpu.region"() ({
      %run_scoped3A = tpu.sem_alloc : memref<!tpu.dma_semaphore, #tpu.memory_space<semaphore_mem>>
      %dma_start3A_59 = arith.constant 0 : i32
      %dma_start3A_60 = arith.constant 0 : i32
      %dma_start3A_61 = tpu.memref_slice %arg5[%arg0, %dma_start3A_59, %dma_start3A_60] : memref<2x10240x64xf32, #tpu.memory_space<hbm>> -> memref<1x10240x64xf32, #tpu.memory_space<hbm>>
      %dma_start3A_62 = tpu.memref_squeeze %dma_start3A_61 : memref<1x10240x64xf32, #tpu.memory_space<hbm>> -> memref<10240x64xf32, #tpu.memory_space<hbm>>
      %dma_start3A_63 = arith.constant 0 : i32
      %dma_start3A_64 = tpu.memref_slice %dma_start3A_62[%mul3A_58, %dma_start3A_63] : memref<10240x64xf32, #tpu.memory_space<hbm>> -> memref<640x64xf32, #tpu.memory_space<hbm>>
      %dma_start3A_65 = arith.constant 0 : i32
      %dma_start3A_66 = tpu.memref_slice %arg10[%mul3A_56, %dma_start3A_65] : memref<10240x64xf32, #tpu.memory_space<vmem_shared>> -> memref<640x64xf32, #tpu.memory_space<vmem_shared>>
      tpu.enqueue_dma source(%dma_start3A_66 : memref<640x64xf32, #tpu.memory_space<vmem_shared>>) target(%dma_start3A_64 : memref<640x64xf32, #tpu.memory_space<hbm>>) target_semaphore(%run_scoped3A : memref<!tpu.dma_semaphore, #tpu.memory_space<semaphore_mem>>)
      %dma_wait3A_67 = arith.constant 0 : i32
      %dma_wait3A_68 = arith.constant 0 : i32
      %dma_wait3A_69 = tpu.memref_slice %arg5[%arg0, %dma_wait3A_67, %dma_wait3A_68] : memref<2x10240x64xf32, #tpu.memory_space<hbm>> -> memref<1x10240x64xf32, #tpu.memory_space<hbm>>
      %dma_wait3A_70 = tpu.memref_squeeze %dma_wait3A_69 : memref<1x10240x64xf32, #tpu.memory_space<hbm>> -> memref<10240x64xf32, #tpu.memory_space<hbm>>
      %dma_wait3A_71 = arith.constant 0 : i32
      %dma_wait3A_72 = tpu.memref_slice %dma_wait3A_70[%mul3A_58, %dma_wait3A_71] : memref<10240x64xf32, #tpu.memory_space<hbm>> -> memref<640x64xf32, #tpu.memory_space<hbm>>
      %dma_wait3A_73 = arith.constant 0 : i32
      %dma_wait3A_74 = tpu.memref_slice %arg10[%mul3A_56, %dma_wait3A_73] : memref<10240x64xf32, #tpu.memory_space<vmem_shared>> -> memref<640x64xf32, #tpu.memory_space<vmem_shared>>
      tpu.wait_dma2 semaphore(%run_scoped3A : memref<!tpu.dma_semaphore, #tpu.memory_space<semaphore_mem>>) src(%dma_wait3A_74 : memref<640x64xf32, #tpu.memory_space<vmem_shared>>) dst(%dma_wait3A_72 : memref<640x64xf32, #tpu.memory_space<hbm>>)
      tpu.yield
    }) : () -> ()
    return
  }
}

#map = affine_map<(d0, d1) -> (0, 0, 0)>
module attributes {stable_mosaic.version = 14 : i64} {
  func.func @k(%arg0: i32, %arg1: i32, %arg2: memref<16x160x128xi32, #tpu.memory_space<hbm>>, %arg3: memref<2x10240x16xf32, #tpu.memory_space<hbm>>, %arg4: memref<160x128xi32, #tpu.memory_space<vmem>>, %arg5: memref<128x16xf32, #tpu.memory_space<vmem>>, %arg6: memref<10240x16xf32, #tpu.memory_space<vmem_shared>>) attributes {dimension_semantics = [#tpu.dimension_semantics<core_parallel>, #tpu.dimension_semantics<subcore_parallel>], iteration_bounds = array<i64: 2, 16>, scalar_prefetch = 0 : i64, scratch_operands = 3 : i64, tpu.core_type = #tpu.core_type<sc_vector_subcore>, window_params = [{transform_indices = #map}, {transform_indices = #map}]} {
    "tpu.region"() ({
      %run_scoped3A = tpu.sem_alloc : memref<!tpu.dma_semaphore, #tpu.memory_space<semaphore_mem>>
      %dma_start3A = arith.constant 0 : i32
      %dma_start3A_23 = arith.constant 0 : i32
      %dma_start3A_24 = tpu.memref_slice %arg2[%arg1, %dma_start3A, %dma_start3A_23] : memref<16x160x128xi32, #tpu.memory_space<hbm>> -> memref<1x160x128xi32, #tpu.memory_space<hbm>>
      %dma_start3A_25 = tpu.memref_squeeze %dma_start3A_24 : memref<1x160x128xi32, #tpu.memory_space<hbm>> -> memref<160x128xi32, #tpu.memory_space<hbm>>
      %dma_start3A_26 = arith.constant 0 : i32
      %dma_start3A_27 = arith.constant 0 : i32
      %dma_start3A_28 = tpu.memref_slice %arg2[%arg1, %dma_start3A_26, %dma_start3A_27] : memref<16x160x128xi32, #tpu.memory_space<hbm>> -> memref<1x160x128xi32, #tpu.memory_space<hbm>>
      %dma_start3A_29 = tpu.memref_squeeze %dma_start3A_28 : memref<1x160x128xi32, #tpu.memory_space<hbm>> -> memref<160x128xi32, #tpu.memory_space<hbm>>
      tpu.enqueue_dma source(%dma_start3A_29 : memref<160x128xi32, #tpu.memory_space<hbm>>) target(%arg4 : memref<160x128xi32, #tpu.memory_space<vmem>>) target_semaphore(%run_scoped3A : memref<!tpu.dma_semaphore, #tpu.memory_space<semaphore_mem>>)
      %dma_wait3A = arith.constant 0 : i32
      %dma_wait3A_30 = arith.constant 0 : i32
      %dma_wait3A_31 = tpu.memref_slice %arg2[%arg1, %dma_wait3A, %dma_wait3A_30] : memref<16x160x128xi32, #tpu.memory_space<hbm>> -> memref<1x160x128xi32, #tpu.memory_space<hbm>>
      %dma_wait3A_32 = tpu.memref_squeeze %dma_wait3A_31 : memref<1x160x128xi32, #tpu.memory_space<hbm>> -> memref<160x128xi32, #tpu.memory_space<hbm>>
      %dma_wait3A_33 = arith.constant 0 : i32
      %dma_wait3A_34 = arith.constant 0 : i32
      %dma_wait3A_35 = tpu.memref_slice %arg2[%arg1, %dma_wait3A_33, %dma_wait3A_34] : memref<16x160x128xi32, #tpu.memory_space<hbm>> -> memref<1x160x128xi32, #tpu.memory_space<hbm>>
      %dma_wait3A_36 = tpu.memref_squeeze %dma_wait3A_35 : memref<1x160x128xi32, #tpu.memory_space<hbm>> -> memref<160x128xi32, #tpu.memory_space<hbm>>
      tpu.wait_dma2 semaphore(%run_scoped3A : memref<!tpu.dma_semaphore, #tpu.memory_space<semaphore_mem>>) src(%dma_wait3A_36 : memref<160x128xi32, #tpu.memory_space<hbm>>) dst(%arg4 : memref<160x128xi32, #tpu.memory_space<vmem>>)
      tpu.yield
    }) : () -> ()
    %scan3A = arith.constant 0 : i32
    %scan3A_0 = arith.constant 128 : i32
    %scan3A_1 = arith.addi %scan3A, %scan3A_0 : i32
    %scan3A_2 = arith.constant 1 : i32
    scf.for %scan3A_23 = %scan3A to %scan3A_1 step %scan3A_2  : i32 {
      %mul3A_24 = arith.constant 1 : i32
      %mul3A_25 = arith.muli %scan3A_23, %mul3A_24 : i32
      %add3A = arith.constant 0 : i32
      %add3A_26 = arith.addi %add3A, %mul3A_25 : i32
      %scan3A_27 = arith.constant 0 : i32
      %mul3A_28 = arith.constant 1 : i32
      %mul3A_29 = arith.muli %scan3A_27, %mul3A_28 : i32
      %add3A_30 = arith.constant 0 : i32
      %add3A_31 = arith.addi %add3A_30, %mul3A_29 : i32
      %broadcast_in_dim3A = arith.constant 0.000000e+00 : f32
      %broadcast_in_dim3A_32 = vector.broadcast %broadcast_in_dim3A : f32 to vector<16xf32>
      %mul3A_33 = arith.constant 16 : i32
      %mul3A_34 = arith.muli %add3A_31, %mul3A_33 : i32
      %swap3A = arith.index_cast %add3A_26 : i32 to index
      %swap3A_35 = arith.index_cast %mul3A_34 : i32 to index
      %swap3A_36 = tpu.vector_load %arg5[%swap3A, %swap3A_35] {strides = array<i32>} : memref<128x16xf32, #tpu.memory_space<vmem>>, vector<1x16xf32>,
      %swap3A_37 = vector.shape_cast %swap3A_36 : vector<1x16xf32> to vector<16xf32>
      %swap3A_38 = vector.shape_cast %broadcast_in_dim3A_32 : vector<16xf32> to vector<1x16xf32>
      tpu.vector_store %arg5[%swap3A, %swap3A_35], %swap3A_38 {strides = array<i32>} : memref<128x16xf32, #tpu.memory_space<vmem>>, vector<1x16xf32>,
      %scan3A_39 = arith.constant 1 : i32
    }
    %scan3A_3 = arith.constant 128 : i32
    %scan3A_4 = arith.constant 0 : i32
    %scan3A_5 = arith.constant 5 : i32
    %scan3A_6 = arith.addi %scan3A_4, %scan3A_5 : i32
    %scan3A_7 = arith.constant 1 : i32
    scf.for %scan3A_23 = %scan3A_4 to %scan3A_6 step %scan3A_7  : i32 {
      %mul3A_24 = arith.constant 1 : i32
      %mul3A_25 = arith.muli %scan3A_23, %mul3A_24 : i32
      %add3A = arith.constant 0 : i32
      %add3A_26 = arith.addi %add3A, %mul3A_25 : i32
      %mul3A_27 = arith.constant 640 : i32
      %mul3A_28 = arith.muli %arg1, %mul3A_27 : i32
      %mul3A_29 = arith.constant 128 : i32
      %mul3A_30 = arith.muli %add3A_26, %mul3A_29 : i32
      %add3A_31 = arith.addi %mul3A_28, %mul3A_30 : i32
      "tpu.region"() ({
        %run_scoped3A = tpu.sem_alloc : memref<!tpu.dma_semaphore, #tpu.memory_space<semaphore_mem>>
        %dma_start3A = arith.constant 0 : i32
        %dma_start3A_32 = tpu.memref_slice %arg6[%add3A_31, %dma_start3A] : memref<10240x16xf32, #tpu.memory_space<vmem_shared>> -> memref<128x16xf32, #tpu.memory_space<vmem_shared>>
        %dma_start3A_33 = arith.constant 0 : i32
        %dma_start3A_34 = tpu.memref_slice %arg6[%add3A_31, %dma_start3A_33] : memref<10240x16xf32, #tpu.memory_space<vmem_shared>> -> memref<128x16xf32, #tpu.memory_space<vmem_shared>>
        tpu.enqueue_dma source(%arg5 : memref<128x16xf32, #tpu.memory_space<vmem>>) target(%dma_start3A_34 : memref<128x16xf32, #tpu.memory_space<vmem_shared>>) target_semaphore(%run_scoped3A : memref<!tpu.dma_semaphore, #tpu.memory_space<semaphore_mem>>)
        %dma_wait3A = arith.constant 0 : i32
        %dma_wait3A_35 = tpu.memref_slice %arg6[%add3A_31, %dma_wait3A] : memref<10240x16xf32, #tpu.memory_space<vmem_shared>> -> memref<128x16xf32, #tpu.memory_space<vmem_shared>>
        %dma_wait3A_36 = arith.constant 0 : i32
        %dma_wait3A_37 = tpu.memref_slice %arg6[%add3A_31, %dma_wait3A_36] : memref<10240x16xf32, #tpu.memory_space<vmem_shared>> -> memref<128x16xf32, #tpu.memory_space<vmem_shared>>
        tpu.wait_dma2 semaphore(%run_scoped3A : memref<!tpu.dma_semaphore, #tpu.memory_space<semaphore_mem>>) src(%arg5 : memref<128x16xf32, #tpu.memory_space<vmem>>) dst(%dma_wait3A_37 : memref<128x16xf32, #tpu.memory_space<vmem_shared>>)
        tpu.yield
      }) : () -> ()
    }
    %scan3A_8 = arith.constant 5 : i32
    %scan3A_9 = arith.constant 0 : i32
    %scan3A_10 = arith.constant 128 : i32
    %scan3A_11 = arith.addi %scan3A_9, %scan3A_10 : i32
    %scan3A_12 = arith.constant 1 : i32
    scf.for %scan3A_23 = %scan3A_9 to %scan3A_11 step %scan3A_12  : i32 {
      %mul3A_24 = arith.constant 1 : i32
      %mul3A_25 = arith.muli %scan3A_23, %mul3A_24 : i32
      %add3A = arith.constant 0 : i32
      %add3A_26 = arith.addi %add3A, %mul3A_25 : i32
      %broadcast_in_dim3A = arith.constant 1.000000e+00 : f32
      %broadcast_in_dim3A_27 = vector.broadcast %broadcast_in_dim3A : f32 to vector<16xf32>
      %swap3A = arith.index_cast %add3A_26 : i32 to index
      %swap3A_28 = arith.constant 0 : index
      %swap3A_29 = tpu.vector_load %arg5[%swap3A, %swap3A_28] {strides = array<i32>} : memref<128x16xf32, #tpu.memory_space<vmem>>, vector<1x16xf32>,
      %swap3A_30 = vector.shape_cast %swap3A_29 : vector<1x16xf32> to vector<16xf32>
      %swap3A_31 = vector.shape_cast %broadcast_in_dim3A_27 : vector<16xf32> to vector<1x16xf32>
      tpu.vector_store %arg5[%swap3A, %swap3A_28], %swap3A_31 {strides = array<i32>} : memref<128x16xf32, #tpu.memory_space<vmem>>, vector<1x16xf32>,
    }
    %scan3A_13 = arith.constant 128 : i32
    %barrier3A = arith.constant 0 : index
    tpu.barrier barrier_id(%barrier3A)
    %scan3A_14 = arith.constant 0 : i32
    %scan3A_15 = arith.constant 80 : i32
    %scan3A_16 = arith.addi %scan3A_14, %scan3A_15 : i32
    %scan3A_17 = arith.constant 1 : i32
    scf.for %scan3A_23 = %scan3A_14 to %scan3A_16 step %scan3A_17  : i32 {
      %mul3A_24 = arith.constant 1 : i32
      %mul3A_25 = arith.muli %scan3A_23, %mul3A_24 : i32
      %add3A = arith.constant 0 : i32
      %add3A_26 = arith.addi %add3A, %mul3A_25 : i32
      %mul3A_27 = arith.constant 80 : i32
      %mul3A_28 = arith.muli %arg0, %mul3A_27 : i32
      %add3A_29 = arith.addi %mul3A_28, %add3A_26 : i32
      "tpu.region"() ({
        %run_scoped3A = tpu.sem_alloc : memref<!tpu.dma_semaphore, #tpu.memory_space<semaphore_mem>>
        %dma_start3A = arith.constant 0 : i32
        %dma_start3A_30 = tpu.memref_slice %arg4[%add3A_29, %dma_start3A] : memref<160x128xi32, #tpu.memory_space<vmem>> -> memref<1x128xi32, #tpu.memory_space<vmem>>
        %dma_start3A_31 = tpu.memref_squeeze %dma_start3A_30 : memref<1x128xi32, #tpu.memory_space<vmem>> -> memref<128xi32, #tpu.memory_space<vmem>>
        %dma_start3A_32 = arith.constant 0 : i32
        %dma_start3A_33 = arith.constant 0 : i32
        %dma_start3A_34 = tpu.memref_slice %arg6[%dma_start3A_32, %dma_start3A_33] : memref<10240x16xf32, #tpu.memory_space<vmem_shared>> -> memref<10240x16xf32, #tpu.memory_space<vmem_shared>>
        tpu.enqueue_indirect_dma source(%arg5 : memref<128x16xf32, #tpu.memory_space<vmem>>) target(%dma_start3A_34 : memref<10240x16xf32, #tpu.memory_space<vmem_shared>>) offsets(%dma_start3A_31 : memref<128xi32, #tpu.memory_space<vmem>>) semaphore(%run_scoped3A : memref<!tpu.dma_semaphore, #tpu.memory_space<semaphore_mem>>) {add = true}
        %dma_wait3A = arith.constant 0 : i32
        %dma_wait3A_35 = tpu.memref_slice %arg4[%add3A_29, %dma_wait3A] : memref<160x128xi32, #tpu.memory_space<vmem>> -> memref<1x128xi32, #tpu.memory_space<vmem>>
        %dma_wait3A_36 = tpu.memref_squeeze %dma_wait3A_35 : memref<1x128xi32, #tpu.memory_space<vmem>> -> memref<128xi32, #tpu.memory_space<vmem>>
        %dma_wait3A_37 = arith.constant 0 : i32
        %dma_wait3A_38 = arith.constant 0 : i32
        %dma_wait3A_39 = tpu.memref_slice %arg6[%dma_wait3A_37, %dma_wait3A_38] : memref<10240x16xf32, #tpu.memory_space<vmem_shared>> -> memref<10240x16xf32, #tpu.memory_space<vmem_shared>>
        tpu.wait_indirect_dma semaphore(%run_scoped3A : memref<!tpu.dma_semaphore, #tpu.memory_space<semaphore_mem>>) src(%arg5 : memref<128x16xf32, #tpu.memory_space<vmem>>) dst(%dma_wait3A_39 : memref<10240x16xf32, #tpu.memory_space<vmem_shared>>)
        tpu.yield
      }) : () -> ()
    }
    %scan3A_18 = arith.constant 80 : i32
    %barrier3A_19 = arith.constant 0 : index
    tpu.barrier barrier_id(%barrier3A_19)
    %mul3A = arith.constant 640 : i32
    %mul3A_20 = arith.muli %arg1, %mul3A : i32
    %mul3A_21 = arith.constant 640 : i32
    %mul3A_22 = arith.muli %arg1, %mul3A_21 : i32
    "tpu.region"() ({
      %run_scoped3A = tpu.sem_alloc : memref<!tpu.dma_semaphore, #tpu.memory_space<semaphore_mem>>
      %dma_start3A = arith.constant 0 : i32
      %dma_start3A_23 = arith.constant 0 : i32
      %dma_start3A_24 = tpu.memref_slice %arg3[%arg0, %dma_start3A, %dma_start3A_23] : memref<2x10240x16xf32, #tpu.memory_space<hbm>> -> memref<1x10240x16xf32, #tpu.memory_space<hbm>>
      %dma_start3A_25 = tpu.memref_squeeze %dma_start3A_24 : memref<1x10240x16xf32, #tpu.memory_space<hbm>> -> memref<10240x16xf32, #tpu.memory_space<hbm>>
      %dma_start3A_26 = arith.constant 0 : i32
      %dma_start3A_27 = tpu.memref_slice %dma_start3A_25[%mul3A_22, %dma_start3A_26] : memref<10240x16xf32, #tpu.memory_space<hbm>> -> memref<640x16xf32, #tpu.memory_space<hbm>>
      %dma_start3A_28 = arith.constant 0 : i32
      %dma_start3A_29 = tpu.memref_slice %arg6[%mul3A_20, %dma_start3A_28] : memref<10240x16xf32, #tpu.memory_space<vmem_shared>> -> memref<640x16xf32, #tpu.memory_space<vmem_shared>>
      tpu.enqueue_dma source(%dma_start3A_29 : memref<640x16xf32, #tpu.memory_space<vmem_shared>>) target(%dma_start3A_27 : memref<640x16xf32, #tpu.memory_space<hbm>>) target_semaphore(%run_scoped3A : memref<!tpu.dma_semaphore, #tpu.memory_space<semaphore_mem>>)
      %dma_wait3A = arith.constant 0 : i32
      %dma_wait3A_30 = arith.constant 0 : i32
      %dma_wait3A_31 = tpu.memref_slice %arg3[%arg0, %dma_wait3A, %dma_wait3A_30] : memref<2x10240x16xf32, #tpu.memory_space<hbm>> -> memref<1x10240x16xf32, #tpu.memory_space<hbm>>
      %dma_wait3A_32 = tpu.memref_squeeze %dma_wait3A_31 : memref<1x10240x16xf32, #tpu.memory_space<hbm>> -> memref<10240x16xf32, #tpu.memory_space<hbm>>
      %dma_wait3A_33 = arith.constant 0 : i32
      %dma_wait3A_34 = tpu.memref_slice %dma_wait3A_32[%mul3A_22, %dma_wait3A_33] : memref<10240x16xf32, #tpu.memory_space<hbm>> -> memref<640x16xf32, #tpu.memory_space<hbm>>
      %dma_wait3A_35 = arith.constant 0 : i32
      %dma_wait3A_36 = tpu.memref_slice %arg6[%mul3A_20, %dma_wait3A_35] : memref<10240x16xf32, #tpu.memory_space<vmem_shared>> -> memref<640x16xf32, #tpu.memory_space<vmem_shared>>
      tpu.wait_dma2 semaphore(%run_scoped3A : memref<!tpu.dma_semaphore, #tpu.memory_space<semaphore_mem>>) src(%dma_wait3A_36 : memref<640x16xf32, #tpu.memory_space<vmem_shared>>) dst(%dma_wait3A_34 : memref<640x16xf32, #tpu.memory_space<hbm>>)
      tpu.yield
    }) : () -> ()
    return
  }
}

#map = affine_map<(d0, d1) -> (0, 0, 0)>
module attributes {stable_mosaic.version = 14 : i64} {
  func.func @k(%arg0: i32, %arg1: i32, %arg2: memref<2x10000x64xf32, #tpu.memory_space<hbm>>, %arg3: memref<16x160x128xi32, #tpu.memory_space<hbm>>, %arg4: memref<16x160x128xi32, #tpu.memory_space<hbm>>, %arg5: memref<2x10240x64xf32, #tpu.memory_space<hbm>>, %arg6: memref<160x128xi32, #tpu.memory_space<vmem>>, %arg7: memref<160x128xi32, #tpu.memory_space<vmem>>, %arg8: memref<128x64xf32, #tpu.memory_space<vmem>>, %arg9: memref<128x64xf32, #tpu.memory_space<vmem>>, %arg10: memref<10240x64xf32, #tpu.memory_space<vmem_shared>>, %arg11: memref<!tpu.dma_semaphore, #tpu.memory_space<semaphore_mem>>, %arg12: memref<!tpu.dma_semaphore, #tpu.memory_space<semaphore_mem>>, %arg13: memref<!tpu.dma_semaphore, #tpu.memory_space<semaphore_mem>>) attributes {dimension_semantics = [#tpu.dimension_semantics<core_parallel>, #tpu.dimension_semantics<subcore_parallel>], iteration_bounds = array<i64: 2, 16>, scalar_prefetch = 0 : i64, scratch_operands = 8 : i64, tpu.core_type = #tpu.core_type<sc_vector_subcore>, window_params = [{transform_indices = #map}, {transform_indices = #map}, {transform_indices = #map}, {transform_indices = #map}]} {
    %dma_start3A = arith.constant 0 : i32
    %dma_start3A_0 = arith.constant 0 : i32
    %dma_start3A_1 = tpu.memref_slice %arg3[%arg1, %dma_start3A, %dma_start3A_0] : memref<16x160x128xi32, #tpu.memory_space<hbm>> -> memref<1x160x128xi32, #tpu.memory_space<hbm>>
    %dma_start3A_2 = tpu.memref_squeeze %dma_start3A_1 : memref<1x160x128xi32, #tpu.memory_space<hbm>> -> memref<160x128xi32, #tpu.memory_space<hbm>>
    %dma_start3A_3 = arith.constant 0 : i32
    %dma_start3A_4 = arith.constant 0 : i32
    %dma_start3A_5 = tpu.memref_slice %arg3[%arg1, %dma_start3A_3, %dma_start3A_4] : memref<16x160x128xi32, #tpu.memory_space<hbm>> -> memref<1x160x128xi32, #tpu.memory_space<hbm>>
    %dma_start3A_6 = tpu.memref_squeeze %dma_start3A_5 : memref<1x160x128xi32, #tpu.memory_space<hbm>> -> memref<160x128xi32, #tpu.memory_space<hbm>>
    tpu.enqueue_dma source(%dma_start3A_6 : memref<160x128xi32, #tpu.memory_space<hbm>>) target(%arg6 : memref<160x128xi32, #tpu.memory_space<vmem>>) target_semaphore(%arg13 : memref<!tpu.dma_semaphore, #tpu.memory_space<semaphore_mem>>)
    %dma_start3A_7 = arith.constant 0 : i32
    %dma_start3A_8 = arith.constant 0 : i32
    %dma_start3A_9 = tpu.memref_slice %arg4[%arg1, %dma_start3A_7, %dma_start3A_8] : memref<16x160x128xi32, #tpu.memory_space<hbm>> -> memref<1x160x128xi32, #tpu.memory_space<hbm>>
    %dma_start3A_10 = tpu.memref_squeeze %dma_start3A_9 : memref<1x160x128xi32, #tpu.memory_space<hbm>> -> memref<160x128xi32, #tpu.memory_space<hbm>>
    %dma_start3A_11 = arith.constant 0 : i32
    %dma_start3A_12 = arith.constant 0 : i32
    %dma_start3A_13 = tpu.memref_slice %arg4[%arg1, %dma_start3A_11, %dma_start3A_12] : memref<16x160x128xi32, #tpu.memory_space<hbm>> -> memref<1x160x128xi32, #tpu.memory_space<hbm>>
    %dma_start3A_14 = tpu.memref_squeeze %dma_start3A_13 : memref<1x160x128xi32, #tpu.memory_space<hbm>> -> memref<160x128xi32, #tpu.memory_space<hbm>>
    tpu.enqueue_dma source(%dma_start3A_14 : memref<160x128xi32, #tpu.memory_space<hbm>>) target(%arg7 : memref<160x128xi32, #tpu.memory_space<vmem>>) target_semaphore(%arg13 : memref<!tpu.dma_semaphore, #tpu.memory_space<semaphore_mem>>)
    %scan3A = arith.constant 0 : i32
    %scan3A_15 = arith.constant 128 : i32
    %scan3A_16 = arith.addi %scan3A, %scan3A_15 : i32
    %scan3A_17 = arith.constant 1 : i32
    scf.for %scan3A_59 = %scan3A to %scan3A_16 step %scan3A_17  : i32 {
      %mul3A_60 = arith.constant 1 : i32
      %mul3A_61 = arith.muli %scan3A_59, %mul3A_60 : i32
      %add3A = arith.constant 0 : i32
      %add3A_62 = arith.addi %add3A, %mul3A_61 : i32
      %scan3A_63 = arith.constant 0 : i32
      %scan3A_64 = arith.constant 4 : i32
      %scan3A_65 = arith.addi %scan3A_63, %scan3A_64 : i32
      %scan3A_66 = arith.constant 1 : i32
      scf.for %scan3A_68 = %scan3A_63 to %scan3A_65 step %scan3A_66  : i32 {
        %mul3A_69 = arith.constant 1 : i32
        %mul3A_70 = arith.muli %scan3A_68, %mul3A_69 : i32
        %add3A_71 = arith.constant 0 : i32
        %add3A_72 = arith.addi %add3A_71, %mul3A_70 : i32
        %broadcast_in_dim3A = arith.constant 0.000000e+00 : f32
        %broadcast_in_dim3A_73 = vector.broadcast %broadcast_in_dim3A : f32 to vector<16xf32>
        %mul3A_74 = arith.constant 16 : i32
        %mul3A_75 = arith.muli %add3A_72, %mul3A_74 : i32
        %swap3A = arith.index_cast %add3A_62 : i32 to index
        %swap3A_76 = arith.index_cast %mul3A_75 : i32 to index
        %swap3A_77 = tpu.vector_load %arg8[%swap3A, %swap3A_76] {strides = array<i32>} : memref<128x64xf32, #tpu.memory_space<vmem>>, vector<1x16xf32>,
        %swap3A_78 = vector.shape_cast %swap3A_77 : vector<1x16xf32> to vector<16xf32>
        %swap3A_79 = vector.shape_cast %broadcast_in_dim3A_73 : vector<16xf32> to vector<1x16xf32>
        tpu.vector_store %arg8[%swap3A, %swap3A_76], %swap3A_79 {strides = array<i32>} : memref<128x64xf32, #tpu.memory_space<vmem>>, vector<1x16xf32>,
      }
      %scan3A_67 = arith.constant 4 : i32
    }
    %scan3A_18 = arith.constant 128 : i32
    %scan3A_19 = arith.constant 0 : i32
    %scan3A_20 = arith.constant 5 : i32
    %scan3A_21 = arith.addi %scan3A_19, %scan3A_20 : i32
    %scan3A_22 = arith.constant 1 : i32
    scf.for %scan3A_59 = %scan3A_19 to %scan3A_21 step %scan3A_22  : i32 {
      %mul3A_60 = arith.constant 1 : i32
      %mul3A_61 = arith.muli %scan3A_59, %mul3A_60 : i32
      %add3A = arith.constant 0 : i32
      %add3A_62 = arith.addi %add3A, %mul3A_61 : i32
      %mul3A_63 = arith.constant 640 : i32
      %mul3A_64 = arith.muli %arg1, %mul3A_63 : i32
      %mul3A_65 = arith.constant 128 : i32
      %mul3A_66 = arith.muli %add3A_62, %mul3A_65 : i32
      %add3A_67 = arith.addi %mul3A_64, %mul3A_66 : i32
      "tpu.region"() ({
        %run_scoped3A = tpu.sem_alloc : memref<!tpu.dma_semaphore, #tpu.memory_space<semaphore_mem>>
        %dma_start3A_68 = arith.constant 0 : i32
        %dma_start3A_69 = tpu.memref_slice %arg10[%add3A_67, %dma_start3A_68] : memref<10240x64xf32, #tpu.memory_space<vmem_shared>> -> memref<128x64xf32, #tpu.memory_space<vmem_shared>>
        %dma_start3A_70 = arith.constant 0 : i32
        %dma_start3A_71 = tpu.memref_slice %arg10[%add3A_67, %dma_start3A_70] : memref<10240x64xf32, #tpu.memory_space<vmem_shared>> -> memref<128x64xf32, #tpu.memory_space<vmem_shared>>
        tpu.enqueue_dma source(%arg8 : memref<128x64xf32, #tpu.memory_space<vmem>>) target(%dma_start3A_71 : memref<128x64xf32, #tpu.memory_space<vmem_shared>>) target_semaphore(%run_scoped3A : memref<!tpu.dma_semaphore, #tpu.memory_space<semaphore_mem>>)
        %dma_wait3A_72 = arith.constant 0 : i32
        %dma_wait3A_73 = tpu.memref_slice %arg10[%add3A_67, %dma_wait3A_72] : memref<10240x64xf32, #tpu.memory_space<vmem_shared>> -> memref<128x64xf32, #tpu.memory_space<vmem_shared>>
        %dma_wait3A_74 = arith.constant 0 : i32
        %dma_wait3A_75 = tpu.memref_slice %arg10[%add3A_67, %dma_wait3A_74] : memref<10240x64xf32, #tpu.memory_space<vmem_shared>> -> memref<128x64xf32, #tpu.memory_space<vmem_shared>>
        tpu.wait_dma2 semaphore(%run_scoped3A : memref<!tpu.dma_semaphore, #tpu.memory_space<semaphore_mem>>) src(%arg8 : memref<128x64xf32, #tpu.memory_space<vmem>>) dst(%dma_wait3A_75 : memref<128x64xf32, #tpu.memory_space<vmem_shared>>)
        tpu.yield
      }) : () -> ()
    }
    %scan3A_23 = arith.constant 5 : i32
    %dma_wait3A = arith.constant 0 : i32
    %dma_wait3A_24 = arith.constant 0 : i32
    %dma_wait3A_25 = tpu.memref_slice %arg3[%arg1, %dma_wait3A, %dma_wait3A_24] : memref<16x160x128xi32, #tpu.memory_space<hbm>> -> memref<1x160x128xi32, #tpu.memory_space<hbm>>
    %dma_wait3A_26 = tpu.memref_squeeze %dma_wait3A_25 : memref<1x160x128xi32, #tpu.memory_space<hbm>> -> memref<160x128xi32, #tpu.memory_space<hbm>>
    %dma_wait3A_27 = arith.constant 0 : i32
    %dma_wait3A_28 = arith.constant 0 : i32
    %dma_wait3A_29 = tpu.memref_slice %arg3[%arg1, %dma_wait3A_27, %dma_wait3A_28] : memref<16x160x128xi32, #tpu.memory_space<hbm>> -> memref<1x160x128xi32, #tpu.memory_space<hbm>>
    %dma_wait3A_30 = tpu.memref_squeeze %dma_wait3A_29 : memref<1x160x128xi32, #tpu.memory_space<hbm>> -> memref<160x128xi32, #tpu.memory_space<hbm>>
    tpu.wait_dma2 semaphore(%arg13 : memref<!tpu.dma_semaphore, #tpu.memory_space<semaphore_mem>>) src(%dma_wait3A_30 : memref<160x128xi32, #tpu.memory_space<hbm>>) dst(%arg6 : memref<160x128xi32, #tpu.memory_space<vmem>>)
    %dma_wait3A_31 = arith.constant 0 : i32
    %dma_wait3A_32 = arith.constant 0 : i32
    %dma_wait3A_33 = tpu.memref_slice %arg4[%arg1, %dma_wait3A_31, %dma_wait3A_32] : memref<16x160x128xi32, #tpu.memory_space<hbm>> -> memref<1x160x128xi32, #tpu.memory_space<hbm>>
    %dma_wait3A_34 = tpu.memref_squeeze %dma_wait3A_33 : memref<1x160x128xi32, #tpu.memory_space<hbm>> -> memref<160x128xi32, #tpu.memory_space<hbm>>
    %dma_wait3A_35 = arith.constant 0 : i32
    %dma_wait3A_36 = arith.constant 0 : i32
    %dma_wait3A_37 = tpu.memref_slice %arg4[%arg1, %dma_wait3A_35, %dma_wait3A_36] : memref<16x160x128xi32, #tpu.memory_space<hbm>> -> memref<1x160x128xi32, #tpu.memory_space<hbm>>
    %dma_wait3A_38 = tpu.memref_squeeze %dma_wait3A_37 : memref<1x160x128xi32, #tpu.memory_space<hbm>> -> memref<160x128xi32, #tpu.memory_space<hbm>>
    tpu.wait_dma2 semaphore(%arg13 : memref<!tpu.dma_semaphore, #tpu.memory_space<semaphore_mem>>) src(%dma_wait3A_38 : memref<160x128xi32, #tpu.memory_space<hbm>>) dst(%arg7 : memref<160x128xi32, #tpu.memory_space<vmem>>)
    %barrier3A = arith.constant 0 : index
    tpu.barrier barrier_id(%barrier3A)
    %dma_start3A_39 = arith.constant 0 : i32
    %dma_start3A_40 = arith.constant 0 : i32
    %dma_start3A_41 = tpu.memref_slice %arg6[%dma_start3A_39, %dma_start3A_40] : memref<160x128xi32, #tpu.memory_space<vmem>> -> memref<1x128xi32, #tpu.memory_space<vmem>>
    %dma_start3A_42 = tpu.memref_squeeze %dma_start3A_41 : memref<1x128xi32, #tpu.memory_space<vmem>> -> memref<128xi32, #tpu.memory_space<vmem>>
    %dma_start3A_43 = arith.constant 0 : i32
    %dma_start3A_44 = arith.constant 0 : i32
    %dma_start3A_45 = tpu.memref_slice %arg2[%arg0, %dma_start3A_43, %dma_start3A_44] : memref<2x10000x64xf32, #tpu.memory_space<hbm>> -> memref<1x10000x64xf32, #tpu.memory_space<hbm>>
    %dma_start3A_46 = tpu.memref_squeeze %dma_start3A_45 : memref<1x10000x64xf32, #tpu.memory_space<hbm>> -> memref<10000x64xf32, #tpu.memory_space<hbm>>
    %dma_start3A_47 = arith.constant 0 : i32
    %dma_start3A_48 = arith.constant 0 : i32
    %dma_start3A_49 = tpu.memref_slice %dma_start3A_46[%dma_start3A_47, %dma_start3A_48] : memref<10000x64xf32, #tpu.memory_space<hbm>> -> memref<10000x64xf32, #tpu.memory_space<hbm>>
    tpu.enqueue_indirect_dma source(%dma_start3A_49 : memref<10000x64xf32, #tpu.memory_space<hbm>>) target(%arg8 : memref<128x64xf32, #tpu.memory_space<vmem>>) offsets(%dma_start3A_42 : memref<128xi32, #tpu.memory_space<vmem>>) semaphore(%arg11 : memref<!tpu.dma_semaphore, #tpu.memory_space<semaphore_mem>>)
    %scan3A_50 = arith.constant 0 : i32
    %scan3A_51 = arith.constant 80 : i32
    %scan3A_52 = arith.addi %scan3A_50, %scan3A_51 : i32
    %scan3A_53 = arith.constant 1 : i32
    scf.for %scan3A_59 = %scan3A_50 to %scan3A_52 step %scan3A_53  : i32 {
      %mul3A_60 = arith.constant 1 : i32
      %mul3A_61 = arith.muli %scan3A_59, %mul3A_60 : i32
      %add3A = arith.constant 0 : i32
      %add3A_62 = arith.addi %add3A, %mul3A_61 : i32
      %mul3A_63 = arith.constant 2 : i32
      %mul3A_64 = arith.muli %add3A_62, %mul3A_63 : i32
      %add3A_65 = arith.constant 1 : i32
      %add3A_66 = arith.addi %mul3A_64, %add3A_65 : i32
      %dma_start3A_67 = arith.constant 0 : i32
      %dma_start3A_68 = tpu.memref_slice %arg6[%add3A_66, %dma_start3A_67] : memref<160x128xi32, #tpu.memory_space<vmem>> -> memref<1x128xi32, #tpu.memory_space<vmem>>
      %dma_start3A_69 = tpu.memref_squeeze %dma_start3A_68 : memref<1x128xi32, #tpu.memory_space<vmem>> -> memref<128xi32, #tpu.memory_space<vmem>>
      %dma_start3A_70 = arith.constant 0 : i32
      %dma_start3A_71 = arith.constant 0 : i32
      %dma_start3A_72 = tpu.memref_slice %arg2[%arg0, %dma_start3A_70, %dma_start3A_71] : memref<2x10000x64xf32, #tpu.memory_space<hbm>> -> memref<1x10000x64xf32, #tpu.memory_space<hbm>>
      %dma_start3A_73 = tpu.memref_squeeze %dma_start3A_72 : memref<1x10000x64xf32, #tpu.memory_space<hbm>> -> memref<10000x64xf32, #tpu.memory_space<hbm>>
      %dma_start3A_74 = arith.constant 0 : i32
      %dma_start3A_75 = arith.constant 0 : i32
      %dma_start3A_76 = tpu.memref_slice %dma_start3A_73[%dma_start3A_74, %dma_start3A_75] : memref<10000x64xf32, #tpu.memory_space<hbm>> -> memref<10000x64xf32, #tpu.memory_space<hbm>>
      tpu.enqueue_indirect_dma source(%dma_start3A_76 : memref<10000x64xf32, #tpu.memory_space<hbm>>) target(%arg9 : memref<128x64xf32, #tpu.memory_space<vmem>>) offsets(%dma_start3A_69 : memref<128xi32, #tpu.memory_space<vmem>>) semaphore(%arg12 : memref<!tpu.dma_semaphore, #tpu.memory_space<semaphore_mem>>)
      %dma_wait3A_77 = arith.constant 0 : i32
      %dma_wait3A_78 = tpu.memref_slice %arg6[%mul3A_64, %dma_wait3A_77] : memref<160x128xi32, #tpu.memory_space<vmem>> -> memref<1x128xi32, #tpu.memory_space<vmem>>
      %dma_wait3A_79 = tpu.memref_squeeze %dma_wait3A_78 : memref<1x128xi32, #tpu.memory_space<vmem>> -> memref<128xi32, #tpu.memory_space<vmem>>
      %dma_wait3A_80 = arith.constant 0 : i32
      %dma_wait3A_81 = arith.constant 0 : i32
      %dma_wait3A_82 = tpu.memref_slice %arg2[%arg0, %dma_wait3A_80, %dma_wait3A_81] : memref<2x10000x64xf32, #tpu.memory_space<hbm>> -> memref<1x10000x64xf32, #tpu.memory_space<hbm>>
      %dma_wait3A_83 = tpu.memref_squeeze %dma_wait3A_82 : memref<1x10000x64xf32, #tpu.memory_space<hbm>> -> memref<10000x64xf32, #tpu.memory_space<hbm>>
      %dma_wait3A_84 = arith.constant 0 : i32
      %dma_wait3A_85 = arith.constant 0 : i32
      %dma_wait3A_86 = tpu.memref_slice %dma_wait3A_83[%dma_wait3A_84, %dma_wait3A_85] : memref<10000x64xf32, #tpu.memory_space<hbm>> -> memref<10000x64xf32, #tpu.memory_space<hbm>>
      tpu.wait_indirect_dma semaphore(%arg11 : memref<!tpu.dma_semaphore, #tpu.memory_space<semaphore_mem>>) src(%dma_wait3A_86 : memref<10000x64xf32, #tpu.memory_space<hbm>>) dst(%arg8 : memref<128x64xf32, #tpu.memory_space<vmem>>)
      "tpu.region"() ({
        %run_scoped3A = tpu.sem_alloc : memref<!tpu.dma_semaphore, #tpu.memory_space<semaphore_mem>>
        %dma_start3A_103 = arith.constant 0 : i32
        %dma_start3A_104 = tpu.memref_slice %arg7[%mul3A_64, %dma_start3A_103] : memref<160x128xi32, #tpu.memory_space<vmem>> -> memref<1x128xi32, #tpu.memory_space<vmem>>
        %dma_start3A_105 = tpu.memref_squeeze %dma_start3A_104 : memref<1x128xi32, #tpu.memory_space<vmem>> -> memref<128xi32, #tpu.memory_space<vmem>>
        %dma_start3A_106 = arith.constant 0 : i32
        %dma_start3A_107 = arith.constant 0 : i32
        %dma_start3A_108 = tpu.memref_slice %arg10[%dma_start3A_106, %dma_start3A_107] : memref<10240x64xf32, #tpu.memory_space<vmem_shared>> -> memref<10240x64xf32, #tpu.memory_space<vmem_shared>>
        tpu.enqueue_indirect_dma source(%arg8 : memref<128x64xf32, #tpu.memory_space<vmem>>) target(%dma_start3A_108 : memref<10240x64xf32, #tpu.memory_space<vmem_shared>>) offsets(%dma_start3A_105 : memref<128xi32, #tpu.memory_space<vmem>>) semaphore(%run_scoped3A : memref<!tpu.dma_semaphore, #tpu.memory_space<semaphore_mem>>) {add = true}
        %dma_wait3A_109 = arith.constant 0 : i32
        %dma_wait3A_110 = tpu.memref_slice %arg7[%mul3A_64, %dma_wait3A_109] : memref<160x128xi32, #tpu.memory_space<vmem>> -> memref<1x128xi32, #tpu.memory_space<vmem>>
        %dma_wait3A_111 = tpu.memref_squeeze %dma_wait3A_110 : memref<1x128xi32, #tpu.memory_space<vmem>> -> memref<128xi32, #tpu.memory_space<vmem>>
        %dma_wait3A_112 = arith.constant 0 : i32
        %dma_wait3A_113 = arith.constant 0 : i32
        %dma_wait3A_114 = tpu.memref_slice %arg10[%dma_wait3A_112, %dma_wait3A_113] : memref<10240x64xf32, #tpu.memory_space<vmem_shared>> -> memref<10240x64xf32, #tpu.memory_space<vmem_shared>>
        tpu.wait_indirect_dma semaphore(%run_scoped3A : memref<!tpu.dma_semaphore, #tpu.memory_space<semaphore_mem>>) src(%arg8 : memref<128x64xf32, #tpu.memory_space<vmem>>) dst(%dma_wait3A_114 : memref<10240x64xf32, #tpu.memory_space<vmem_shared>>)
        tpu.yield
      }) : () -> ()
      %lt3A = arith.constant 79 : i32
      %lt3A_87 = arith.cmpi slt, %add3A_62, %lt3A : i32
      %convert_element_type3A = arith.extui %lt3A_87 : i1 to i32
      %cond3A = arith.constant 0 : i32
      %cond3A_88 = arith.cmpi ne, %convert_element_type3A, %cond3A : i32
      scf.if %cond3A_88 {
        %add3A_103 = arith.constant 2 : i32
        %add3A_104 = arith.addi %mul3A_64, %add3A_103 : i32
        %dma_start3A_105 = arith.constant 0 : i32
        %dma_start3A_106 = tpu.memref_slice %arg6[%add3A_104, %dma_start3A_105] : memref<160x128xi32, #tpu.memory_space<vmem>> -> memref<1x128xi32, #tpu.memory_space<vmem>>
        %dma_start3A_107 = tpu.memref_squeeze %dma_start3A_106 : memref<1x128xi32, #tpu.memory_space<vmem>> -> memref<128xi32, #tpu.memory_space<vmem>>
        %dma_start3A_108 = arith.constant 0 : i32
        %dma_start3A_109 = arith.constant 0 : i32
        %dma_start3A_110 = tpu.memref_slice %arg2[%arg0, %dma_start3A_108, %dma_start3A_109] : memref<2x10000x64xf32, #tpu.memory_space<hbm>> -> memref<1x10000x64xf32, #tpu.memory_space<hbm>>
        %dma_start3A_111 = tpu.memref_squeeze %dma_start3A_110 : memref<1x10000x64xf32, #tpu.memory_space<hbm>> -> memref<10000x64xf32, #tpu.memory_space<hbm>>
        %dma_start3A_112 = arith.constant 0 : i32
        %dma_start3A_113 = arith.constant 0 : i32
        %dma_start3A_114 = tpu.memref_slice %dma_start3A_111[%dma_start3A_112, %dma_start3A_113] : memref<10000x64xf32, #tpu.memory_space<hbm>> -> memref<10000x64xf32, #tpu.memory_space<hbm>>
        tpu.enqueue_indirect_dma source(%dma_start3A_114 : memref<10000x64xf32, #tpu.memory_space<hbm>>) target(%arg8 : memref<128x64xf32, #tpu.memory_space<vmem>>) offsets(%dma_start3A_107 : memref<128xi32, #tpu.memory_space<vmem>>) semaphore(%arg11 : memref<!tpu.dma_semaphore, #tpu.memory_space<semaphore_mem>>)
      } else {
      }
      %add3A_89 = arith.constant 1 : i32
      %add3A_90 = arith.addi %mul3A_64, %add3A_89 : i32
      %dma_wait3A_91 = arith.constant 0 : i32
      %dma_wait3A_92 = tpu.memref_slice %arg6[%add3A_90, %dma_wait3A_91] : memref<160x128xi32, #tpu.memory_space<vmem>> -> memref<1x128xi32, #tpu.memory_space<vmem>>
      %dma_wait3A_93 = tpu.memref_squeeze %dma_wait3A_92 : memref<1x128xi32, #tpu.memory_space<vmem>> -> memref<128xi32, #tpu.memory_space<vmem>>
      %dma_wait3A_94 = arith.constant 0 : i32
      %dma_wait3A_95 = arith.constant 0 : i32
      %dma_wait3A_96 = tpu.memref_slice %arg2[%arg0, %dma_wait3A_94, %dma_wait3A_95] : memref<2x10000x64xf32, #tpu.memory_space<hbm>> -> memref<1x10000x64xf32, #tpu.memory_space<hbm>>
      %dma_wait3A_97 = tpu.memref_squeeze %dma_wait3A_96 : memref<1x10000x64xf32, #tpu.memory_space<hbm>> -> memref<10000x64xf32, #tpu.memory_space<hbm>>
      %dma_wait3A_98 = arith.constant 0 : i32
      %dma_wait3A_99 = arith.constant 0 : i32
      %dma_wait3A_100 = tpu.memref_slice %dma_wait3A_97[%dma_wait3A_98, %dma_wait3A_99] : memref<10000x64xf32, #tpu.memory_space<hbm>> -> memref<10000x64xf32, #tpu.memory_space<hbm>>
      tpu.wait_indirect_dma semaphore(%arg12 : memref<!tpu.dma_semaphore, #tpu.memory_space<semaphore_mem>>) src(%dma_wait3A_100 : memref<10000x64xf32, #tpu.memory_space<hbm>>) dst(%arg9 : memref<128x64xf32, #tpu.memory_space<vmem>>)
      %add3A_101 = arith.constant 1 : i32
      %add3A_102 = arith.addi %mul3A_64, %add3A_101 : i32
      "tpu.region"() ({
        %run_scoped3A = tpu.sem_alloc : memref<!tpu.dma_semaphore, #tpu.memory_space<semaphore_mem>>
        %dma_start3A_103 = arith.constant 0 : i32
        %dma_start3A_104 = tpu.memref_slice %arg7[%add3A_102, %dma_start3A_103] : memref<160x128xi32, #tpu.memory_space<vmem>> -> memref<1x128xi32, #tpu.memory_space<vmem>>
        %dma_start3A_105 = tpu.memref_squeeze %dma_start3A_104 : memref<1x128xi32, #tpu.memory_space<vmem>> -> memref<128xi32, #tpu.memory_space<vmem>>
        %dma_start3A_106 = arith.constant 0 : i32
        %dma_start3A_107 = arith.constant 0 : i32
        %dma_start3A_108 = tpu.memref_slice %arg10[%dma_start3A_106, %dma_start3A_107] : memref<10240x64xf32, #tpu.memory_space<vmem_shared>> -> memref<10240x64xf32, #tpu.memory_space<vmem_shared>>
        tpu.enqueue_indirect_dma source(%arg9 : memref<128x64xf32, #tpu.memory_space<vmem>>) target(%dma_start3A_108 : memref<10240x64xf32, #tpu.memory_space<vmem_shared>>) offsets(%dma_start3A_105 : memref<128xi32, #tpu.memory_space<vmem>>) semaphore(%run_scoped3A : memref<!tpu.dma_semaphore, #tpu.memory_space<semaphore_mem>>) {add = true}
        %dma_wait3A_109 = arith.constant 0 : i32
        %dma_wait3A_110 = tpu.memref_slice %arg7[%add3A_102, %dma_wait3A_109] : memref<160x128xi32, #tpu.memory_space<vmem>> -> memref<1x128xi32, #tpu.memory_space<vmem>>
        %dma_wait3A_111 = tpu.memref_squeeze %dma_wait3A_110 : memref<1x128xi32, #tpu.memory_space<vmem>> -> memref<128xi32, #tpu.memory_space<vmem>>
        %dma_wait3A_112 = arith.constant 0 : i32
        %dma_wait3A_113 = arith.constant 0 : i32
        %dma_wait3A_114 = tpu.memref_slice %arg10[%dma_wait3A_112, %dma_wait3A_113] : memref<10240x64xf32, #tpu.memory_space<vmem_shared>> -> memref<10240x64xf32, #tpu.memory_space<vmem_shared>>
        tpu.wait_indirect_dma semaphore(%run_scoped3A : memref<!tpu.dma_semaphore, #tpu.memory_space<semaphore_mem>>) src(%arg9 : memref<128x64xf32, #tpu.memory_space<vmem>>) dst(%dma_wait3A_114 : memref<10240x64xf32, #tpu.memory_space<vmem_shared>>)
        tpu.yield
      }) : () -> ()
    }
    %scan3A_54 = arith.constant 80 : i32
    %barrier3A_55 = arith.constant 0 : index
    tpu.barrier barrier_id(%barrier3A_55)
    %mul3A = arith.constant 640 : i32
    %mul3A_56 = arith.muli %arg1, %mul3A : i32
    %mul3A_57 = arith.constant 640 : i32
    %mul3A_58 = arith.muli %arg1, %mul3A_57 : i32
    "tpu.region"() ({
      %run_scoped3A = tpu.sem_alloc : memref<!tpu.dma_semaphore, #tpu.memory_space<semaphore_mem>>
      %dma_start3A_59 = arith.constant 0 : i32
      %dma_start3A_60 = arith.constant 0 : i32
      %dma_start3A_61 = tpu.memref_slice %arg5[%arg0, %dma_start3A_59, %dma_start3A_60] : memref<2x10240x64xf32, #tpu.memory_space<hbm>> -> memref<1x10240x64xf32, #tpu.memory_space<hbm>>
      %dma_start3A_62 = tpu.memref_squeeze %dma_start3A_61 : memref<1x10240x64xf32, #tpu.memory_space<hbm>> -> memref<10240x64xf32, #tpu.memory_space<hbm>>
      %dma_start3A_63 = arith.constant 0 : i32
      %dma_start3A_64 = tpu.memref_slice %dma_start3A_62[%mul3A_58, %dma_start3A_63] : memref<10240x64xf32, #tpu.memory_space<hbm>> -> memref<640x64xf32, #tpu.memory_space<hbm>>
      %dma_start3A_65 = arith.constant 0 : i32
      %dma_start3A_66 = tpu.memref_slice %arg10[%mul3A_56, %dma_start3A_65] : memref<10240x64xf32, #tpu.memory_space<vmem_shared>> -> memref<640x64xf32, #tpu.memory_space<vmem_shared>>
      tpu.enqueue_dma source(%dma_start3A_66 : memref<640x64xf32, #tpu.memory_space<vmem_shared>>) target(%dma_start3A_64 : memref<640x64xf32, #tpu.memory_space<hbm>>) target_semaphore(%run_scoped3A : memref<!tpu.dma_semaphore, #tpu.memory_space<semaphore_mem>>)
      %dma_wait3A_67 = arith.constant 0 : i32
      %dma_wait3A_68 = arith.constant 0 : i32
      %dma_wait3A_69 = tpu.memref_slice %arg5[%arg0, %dma_wait3A_67, %dma_wait3A_68] : memref<2x10240x64xf32, #tpu.memory_space<hbm>> -> memref<1x10240x64xf32, #tpu.memory_space<hbm>>
      %dma_wait3A_70 = tpu.memref_squeeze %dma_wait3A_69 : memref<1x10240x64xf32, #tpu.memory_space<hbm>> -> memref<10240x64xf32, #tpu.memory_space<hbm>>
      %dma_wait3A_71 = arith.constant 0 : i32
      %dma_wait3A_72 = tpu.memref_slice %dma_wait3A_70[%mul3A_58, %dma_wait3A_71] : memref<10240x64xf32, #tpu.memory_space<hbm>> -> memref<640x64xf32, #tpu.memory_space<hbm>>
      %dma_wait3A_73 = arith.constant 0 : i32
      %dma_wait3A_74 = tpu.memref_slice %arg10[%mul3A_56, %dma_wait3A_73] : memref<10240x64xf32, #tpu.memory_space<vmem_shared>> -> memref<640x64xf32, #tpu.memory_space<vmem_shared>>
      tpu.wait_dma2 semaphore(%run_scoped3A : memref<!tpu.dma_semaphore, #tpu.memory_space<semaphore_mem>>) src(%dma_wait3A_74 : memref<640x64xf32, #tpu.memory_space<vmem_shared>>) dst(%dma_wait3A_72 : memref<640x64xf32, #tpu.memory_space<hbm>>)
      tpu.yield
    }) : () -> ()
    return
  }
}

#map = affine_map<(d0, d1) -> (0, 0, 0)>
module attributes {stable_mosaic.version = 14 : i64} {
  func.func @k(%arg0: i32, %arg1: i32, %arg2: memref<2x10000x64xf32, #tpu.memory_space<hbm>>, %arg3: memref<16x160x128xi32, #tpu.memory_space<hbm>>, %arg4: memref<16x160x128xi32, #tpu.memory_space<hbm>>, %arg5: memref<2x10240x64xf32, #tpu.memory_space<hbm>>, %arg6: memref<160x128xi32, #tpu.memory_space<vmem>>, %arg7: memref<160x128xi32, #tpu.memory_space<vmem>>, %arg8: memref<128x64xf32, #tpu.memory_space<vmem>>, %arg9: memref<128x64xf32, #tpu.memory_space<vmem>>, %arg10: memref<10240x64xf32, #tpu.memory_space<vmem_shared>>, %arg11: memref<!tpu.dma_semaphore, #tpu.memory_space<semaphore_mem>>, %arg12: memref<!tpu.dma_semaphore, #tpu.memory_space<semaphore_mem>>, %arg13: memref<!tpu.dma_semaphore, #tpu.memory_space<semaphore_mem>>) attributes {dimension_semantics = [#tpu.dimension_semantics<core_parallel>, #tpu.dimension_semantics<subcore_parallel>], iteration_bounds = array<i64: 2, 16>, scalar_prefetch = 0 : i64, scratch_operands = 8 : i64, tpu.core_type = #tpu.core_type<sc_vector_subcore>, window_params = [{transform_indices = #map}, {transform_indices = #map}, {transform_indices = #map}, {transform_indices = #map}]} {
    %dma_start3A = arith.constant 0 : i32
    %dma_start3A_0 = arith.constant 0 : i32
    %dma_start3A_1 = tpu.memref_slice %arg3[%arg1, %dma_start3A, %dma_start3A_0] : memref<16x160x128xi32, #tpu.memory_space<hbm>> -> memref<1x160x128xi32, #tpu.memory_space<hbm>>
    %dma_start3A_2 = tpu.memref_squeeze %dma_start3A_1 : memref<1x160x128xi32, #tpu.memory_space<hbm>> -> memref<160x128xi32, #tpu.memory_space<hbm>>
    %dma_start3A_3 = arith.constant 0 : i32
    %dma_start3A_4 = arith.constant 0 : i32
    %dma_start3A_5 = tpu.memref_slice %arg3[%arg1, %dma_start3A_3, %dma_start3A_4] : memref<16x160x128xi32, #tpu.memory_space<hbm>> -> memref<1x160x128xi32, #tpu.memory_space<hbm>>
    %dma_start3A_6 = tpu.memref_squeeze %dma_start3A_5 : memref<1x160x128xi32, #tpu.memory_space<hbm>> -> memref<160x128xi32, #tpu.memory_space<hbm>>
    tpu.enqueue_dma source(%dma_start3A_6 : memref<160x128xi32, #tpu.memory_space<hbm>>) target(%arg6 : memref<160x128xi32, #tpu.memory_space<vmem>>) target_semaphore(%arg13 : memref<!tpu.dma_semaphore, #tpu.memory_space<semaphore_mem>>)
    %dma_start3A_7 = arith.constant 0 : i32
    %dma_start3A_8 = arith.constant 0 : i32
    %dma_start3A_9 = tpu.memref_slice %arg4[%arg1, %dma_start3A_7, %dma_start3A_8] : memref<16x160x128xi32, #tpu.memory_space<hbm>> -> memref<1x160x128xi32, #tpu.memory_space<hbm>>
    %dma_start3A_10 = tpu.memref_squeeze %dma_start3A_9 : memref<1x160x128xi32, #tpu.memory_space<hbm>> -> memref<160x128xi32, #tpu.memory_space<hbm>>
    %dma_start3A_11 = arith.constant 0 : i32
    %dma_start3A_12 = arith.constant 0 : i32
    %dma_start3A_13 = tpu.memref_slice %arg4[%arg1, %dma_start3A_11, %dma_start3A_12] : memref<16x160x128xi32, #tpu.memory_space<hbm>> -> memref<1x160x128xi32, #tpu.memory_space<hbm>>
    %dma_start3A_14 = tpu.memref_squeeze %dma_start3A_13 : memref<1x160x128xi32, #tpu.memory_space<hbm>> -> memref<160x128xi32, #tpu.memory_space<hbm>>
    tpu.enqueue_dma source(%dma_start3A_14 : memref<160x128xi32, #tpu.memory_space<hbm>>) target(%arg7 : memref<160x128xi32, #tpu.memory_space<vmem>>) target_semaphore(%arg13 : memref<!tpu.dma_semaphore, #tpu.memory_space<semaphore_mem>>)
    %scan3A = arith.constant 0 : i32
    %scan3A_15 = arith.constant 128 : i32
    %scan3A_16 = arith.addi %scan3A, %scan3A_15 : i32
    %scan3A_17 = arith.constant 1 : i32
    scf.for %scan3A_59 = %scan3A to %scan3A_16 step %scan3A_17  : i32 {
      %mul3A_60 = arith.constant 1 : i32
      %mul3A_61 = arith.muli %scan3A_59, %mul3A_60 : i32
      %add3A = arith.constant 0 : i32
      %add3A_62 = arith.addi %add3A, %mul3A_61 : i32
      %scan3A_63 = arith.constant 0 : i32
      %scan3A_64 = arith.constant 4 : i32
      %scan3A_65 = arith.addi %scan3A_63, %scan3A_64 : i32
      %scan3A_66 = arith.constant 1 : i32
      scf.for %scan3A_68 = %scan3A_63 to %scan3A_65 step %scan3A_66  : i32 {
        %mul3A_69 = arith.constant 1 : i32
        %mul3A_70 = arith.muli %scan3A_68, %mul3A_69 : i32
        %add3A_71 = arith.constant 0 : i32
        %add3A_72 = arith.addi %add3A_71, %mul3A_70 : i32
        %broadcast_in_dim3A = arith.constant 0.000000e+00 : f32
        %broadcast_in_dim3A_73 = vector.broadcast %broadcast_in_dim3A : f32 to vector<16xf32>
        %mul3A_74 = arith.constant 16 : i32
        %mul3A_75 = arith.muli %add3A_72, %mul3A_74 : i32
        %swap3A = arith.index_cast %add3A_62 : i32 to index
        %swap3A_76 = arith.index_cast %mul3A_75 : i32 to index
        %swap3A_77 = tpu.vector_load %arg8[%swap3A, %swap3A_76] {strides = array<i32>} : memref<128x64xf32, #tpu.memory_space<vmem>>, vector<1x16xf32>,
        %swap3A_78 = vector.shape_cast %swap3A_77 : vector<1x16xf32> to vector<16xf32>
        %swap3A_79 = vector.shape_cast %broadcast_in_dim3A_73 : vector<16xf32> to vector<1x16xf32>
        tpu.vector_store %arg8[%swap3A, %swap3A_76], %swap3A_79 {strides = array<i32>} : memref<128x64xf32, #tpu.memory_space<vmem>>, vector<1x16xf32>,
      }
      %scan3A_67 = arith.constant 4 : i32
    }
    %scan3A_18 = arith.constant 128 : i32
    %scan3A_19 = arith.constant 0 : i32
    %scan3A_20 = arith.constant 5 : i32
    %scan3A_21 = arith.addi %scan3A_19, %scan3A_20 : i32
    %scan3A_22 = arith.constant 1 : i32
    scf.for %scan3A_59 = %scan3A_19 to %scan3A_21 step %scan3A_22  : i32 {
      %mul3A_60 = arith.constant 1 : i32
      %mul3A_61 = arith.muli %scan3A_59, %mul3A_60 : i32
      %add3A = arith.constant 0 : i32
      %add3A_62 = arith.addi %add3A, %mul3A_61 : i32
      %mul3A_63 = arith.constant 640 : i32
      %mul3A_64 = arith.muli %arg1, %mul3A_63 : i32
      %mul3A_65 = arith.constant 128 : i32
      %mul3A_66 = arith.muli %add3A_62, %mul3A_65 : i32
      %add3A_67 = arith.addi %mul3A_64, %mul3A_66 : i32
      "tpu.region"() ({
        %run_scoped3A = tpu.sem_alloc : memref<!tpu.dma_semaphore, #tpu.memory_space<semaphore_mem>>
        %dma_start3A_68 = arith.constant 0 : i32
        %dma_start3A_69 = tpu.memref_slice %arg10[%add3A_67, %dma_start3A_68] : memref<10240x64xf32, #tpu.memory_space<vmem_shared>> -> memref<128x64xf32, #tpu.memory_space<vmem_shared>>
        %dma_start3A_70 = arith.constant 0 : i32
        %dma_start3A_71 = tpu.memref_slice %arg10[%add3A_67, %dma_start3A_70] : memref<10240x64xf32, #tpu.memory_space<vmem_shared>> -> memref<128x64xf32, #tpu.memory_space<vmem_shared>>
        tpu.enqueue_dma source(%arg8 : memref<128x64xf32, #tpu.memory_space<vmem>>) target(%dma_start3A_71 : memref<128x64xf32, #tpu.memory_space<vmem_shared>>) target_semaphore(%run_scoped3A : memref<!tpu.dma_semaphore, #tpu.memory_space<semaphore_mem>>)
        %dma_wait3A_72 = arith.constant 0 : i32
        %dma_wait3A_73 = tpu.memref_slice %arg10[%add3A_67, %dma_wait3A_72] : memref<10240x64xf32, #tpu.memory_space<vmem_shared>> -> memref<128x64xf32, #tpu.memory_space<vmem_shared>>
        %dma_wait3A_74 = arith.constant 0 : i32
        %dma_wait3A_75 = tpu.memref_slice %arg10[%add3A_67, %dma_wait3A_74] : memref<10240x64xf32, #tpu.memory_space<vmem_shared>> -> memref<128x64xf32, #tpu.memory_space<vmem_shared>>
        tpu.wait_dma2 semaphore(%run_scoped3A : memref<!tpu.dma_semaphore, #tpu.memory_space<semaphore_mem>>) src(%arg8 : memref<128x64xf32, #tpu.memory_space<vmem>>) dst(%dma_wait3A_75 : memref<128x64xf32, #tpu.memory_space<vmem_shared>>)
        tpu.yield
      }) : () -> ()
    }
    %scan3A_23 = arith.constant 5 : i32
    %dma_wait3A = arith.constant 0 : i32
    %dma_wait3A_24 = arith.constant 0 : i32
    %dma_wait3A_25 = tpu.memref_slice %arg3[%arg1, %dma_wait3A, %dma_wait3A_24] : memref<16x160x128xi32, #tpu.memory_space<hbm>> -> memref<1x160x128xi32, #tpu.memory_space<hbm>>
    %dma_wait3A_26 = tpu.memref_squeeze %dma_wait3A_25 : memref<1x160x128xi32, #tpu.memory_space<hbm>> -> memref<160x128xi32, #tpu.memory_space<hbm>>
    %dma_wait3A_27 = arith.constant 0 : i32
    %dma_wait3A_28 = arith.constant 0 : i32
    %dma_wait3A_29 = tpu.memref_slice %arg3[%arg1, %dma_wait3A_27, %dma_wait3A_28] : memref<16x160x128xi32, #tpu.memory_space<hbm>> -> memref<1x160x128xi32, #tpu.memory_space<hbm>>
    %dma_wait3A_30 = tpu.memref_squeeze %dma_wait3A_29 : memref<1x160x128xi32, #tpu.memory_space<hbm>> -> memref<160x128xi32, #tpu.memory_space<hbm>>
    tpu.wait_dma2 semaphore(%arg13 : memref<!tpu.dma_semaphore, #tpu.memory_space<semaphore_mem>>) src(%dma_wait3A_30 : memref<160x128xi32, #tpu.memory_space<hbm>>) dst(%arg6 : memref<160x128xi32, #tpu.memory_space<vmem>>)
    %dma_wait3A_31 = arith.constant 0 : i32
    %dma_wait3A_32 = arith.constant 0 : i32
    %dma_wait3A_33 = tpu.memref_slice %arg4[%arg1, %dma_wait3A_31, %dma_wait3A_32] : memref<16x160x128xi32, #tpu.memory_space<hbm>> -> memref<1x160x128xi32, #tpu.memory_space<hbm>>
    %dma_wait3A_34 = tpu.memref_squeeze %dma_wait3A_33 : memref<1x160x128xi32, #tpu.memory_space<hbm>> -> memref<160x128xi32, #tpu.memory_space<hbm>>
    %dma_wait3A_35 = arith.constant 0 : i32
    %dma_wait3A_36 = arith.constant 0 : i32
    %dma_wait3A_37 = tpu.memref_slice %arg4[%arg1, %dma_wait3A_35, %dma_wait3A_36] : memref<16x160x128xi32, #tpu.memory_space<hbm>> -> memref<1x160x128xi32, #tpu.memory_space<hbm>>
    %dma_wait3A_38 = tpu.memref_squeeze %dma_wait3A_37 : memref<1x160x128xi32, #tpu.memory_space<hbm>> -> memref<160x128xi32, #tpu.memory_space<hbm>>
    tpu.wait_dma2 semaphore(%arg13 : memref<!tpu.dma_semaphore, #tpu.memory_space<semaphore_mem>>) src(%dma_wait3A_38 : memref<160x128xi32, #tpu.memory_space<hbm>>) dst(%arg7 : memref<160x128xi32, #tpu.memory_space<vmem>>)
    %barrier3A = arith.constant 0 : index
    tpu.barrier barrier_id(%barrier3A)
    %dma_start3A_39 = arith.constant 0 : i32
    %dma_start3A_40 = arith.constant 0 : i32
    %dma_start3A_41 = tpu.memref_slice %arg6[%dma_start3A_39, %dma_start3A_40] : memref<160x128xi32, #tpu.memory_space<vmem>> -> memref<1x128xi32, #tpu.memory_space<vmem>>
    %dma_start3A_42 = tpu.memref_squeeze %dma_start3A_41 : memref<1x128xi32, #tpu.memory_space<vmem>> -> memref<128xi32, #tpu.memory_space<vmem>>
    %dma_start3A_43 = arith.constant 0 : i32
    %dma_start3A_44 = arith.constant 0 : i32
    %dma_start3A_45 = tpu.memref_slice %arg2[%arg0, %dma_start3A_43, %dma_start3A_44] : memref<2x10000x64xf32, #tpu.memory_space<hbm>> -> memref<1x10000x64xf32, #tpu.memory_space<hbm>>
    %dma_start3A_46 = tpu.memref_squeeze %dma_start3A_45 : memref<1x10000x64xf32, #tpu.memory_space<hbm>> -> memref<10000x64xf32, #tpu.memory_space<hbm>>
    %dma_start3A_47 = arith.constant 0 : i32
    %dma_start3A_48 = arith.constant 0 : i32
    %dma_start3A_49 = tpu.memref_slice %dma_start3A_46[%dma_start3A_47, %dma_start3A_48] : memref<10000x64xf32, #tpu.memory_space<hbm>> -> memref<10000x64xf32, #tpu.memory_space<hbm>>
    tpu.enqueue_indirect_dma source(%dma_start3A_49 : memref<10000x64xf32, #tpu.memory_space<hbm>>) target(%arg8 : memref<128x64xf32, #tpu.memory_space<vmem>>) offsets(%dma_start3A_42 : memref<128xi32, #tpu.memory_space<vmem>>) semaphore(%arg11 : memref<!tpu.dma_semaphore, #tpu.memory_space<semaphore_mem>>)
    %scan3A_50 = arith.constant 0 : i32
    %scan3A_51 = arith.constant 80 : i32
    %scan3A_52 = arith.addi %scan3A_50, %scan3A_51 : i32
    %scan3A_53 = arith.constant 1 : i32
    scf.for %scan3A_59 = %scan3A_50 to %scan3A_52 step %scan3A_53  : i32 {
      %mul3A_60 = arith.constant 1 : i32
      %mul3A_61 = arith.muli %scan3A_59, %mul3A_60 : i32
      %add3A = arith.constant 0 : i32
      %add3A_62 = arith.addi %add3A, %mul3A_61 : i32
      %mul3A_63 = arith.constant 2 : i32
      %mul3A_64 = arith.muli %add3A_62, %mul3A_63 : i32
      %add3A_65 = arith.constant 1 : i32
      %add3A_66 = arith.addi %mul3A_64, %add3A_65 : i32
      %dma_start3A_67 = arith.constant 0 : i32
      %dma_start3A_68 = tpu.memref_slice %arg6[%add3A_66, %dma_start3A_67] : memref<160x128xi32, #tpu.memory_space<vmem>> -> memref<1x128xi32, #tpu.memory_space<vmem>>
      %dma_start3A_69 = tpu.memref_squeeze %dma_start3A_68 : memref<1x128xi32, #tpu.memory_space<vmem>> -> memref<128xi32, #tpu.memory_space<vmem>>
      %dma_start3A_70 = arith.constant 0 : i32
      %dma_start3A_71 = arith.constant 0 : i32
      %dma_start3A_72 = tpu.memref_slice %arg2[%arg0, %dma_start3A_70, %dma_start3A_71] : memref<2x10000x64xf32, #tpu.memory_space<hbm>> -> memref<1x10000x64xf32, #tpu.memory_space<hbm>>
      %dma_start3A_73 = tpu.memref_squeeze %dma_start3A_72 : memref<1x10000x64xf32, #tpu.memory_space<hbm>> -> memref<10000x64xf32, #tpu.memory_space<hbm>>
      %dma_start3A_74 = arith.constant 0 : i32
      %dma_start3A_75 = arith.constant 0 : i32
      %dma_start3A_76 = tpu.memref_slice %dma_start3A_73[%dma_start3A_74, %dma_start3A_75] : memref<10000x64xf32, #tpu.memory_space<hbm>> -> memref<10000x64xf32, #tpu.memory_space<hbm>>
      tpu.enqueue_indirect_dma source(%dma_start3A_76 : memref<10000x64xf32, #tpu.memory_space<hbm>>) target(%arg9 : memref<128x64xf32, #tpu.memory_space<vmem>>) offsets(%dma_start3A_69 : memref<128xi32, #tpu.memory_space<vmem>>) semaphore(%arg12 : memref<!tpu.dma_semaphore, #tpu.memory_space<semaphore_mem>>)
      %dma_wait3A_77 = arith.constant 0 : i32
      %dma_wait3A_78 = tpu.memref_slice %arg6[%mul3A_64, %dma_wait3A_77] : memref<160x128xi32, #tpu.memory_space<vmem>> -> memref<1x128xi32, #tpu.memory_space<vmem>>
      %dma_wait3A_79 = tpu.memref_squeeze %dma_wait3A_78 : memref<1x128xi32, #tpu.memory_space<vmem>> -> memref<128xi32, #tpu.memory_space<vmem>>
      %dma_wait3A_80 = arith.constant 0 : i32
      %dma_wait3A_81 = arith.constant 0 : i32
      %dma_wait3A_82 = tpu.memref_slice %arg2[%arg0, %dma_wait3A_80, %dma_wait3A_81] : memref<2x10000x64xf32, #tpu.memory_space<hbm>> -> memref<1x10000x64xf32, #tpu.memory_space<hbm>>
      %dma_wait3A_83 = tpu.memref_squeeze %dma_wait3A_82 : memref<1x10000x64xf32, #tpu.memory_space<hbm>> -> memref<10000x64xf32, #tpu.memory_space<hbm>>
      %dma_wait3A_84 = arith.constant 0 : i32
      %dma_wait3A_85 = arith.constant 0 : i32
      %dma_wait3A_86 = tpu.memref_slice %dma_wait3A_83[%dma_wait3A_84, %dma_wait3A_85] : memref<10000x64xf32, #tpu.memory_space<hbm>> -> memref<10000x64xf32, #tpu.memory_space<hbm>>
      tpu.wait_indirect_dma semaphore(%arg11 : memref<!tpu.dma_semaphore, #tpu.memory_space<semaphore_mem>>) src(%dma_wait3A_86 : memref<10000x64xf32, #tpu.memory_space<hbm>>) dst(%arg8 : memref<128x64xf32, #tpu.memory_space<vmem>>)
      "tpu.region"() ({
        %run_scoped3A = tpu.sem_alloc : memref<!tpu.dma_semaphore, #tpu.memory_space<semaphore_mem>>
        %dma_start3A_103 = arith.constant 0 : i32
        %dma_start3A_104 = tpu.memref_slice %arg7[%mul3A_64, %dma_start3A_103] : memref<160x128xi32, #tpu.memory_space<vmem>> -> memref<1x128xi32, #tpu.memory_space<vmem>>
        %dma_start3A_105 = tpu.memref_squeeze %dma_start3A_104 : memref<1x128xi32, #tpu.memory_space<vmem>> -> memref<128xi32, #tpu.memory_space<vmem>>
        %dma_start3A_106 = arith.constant 0 : i32
        %dma_start3A_107 = arith.constant 0 : i32
        %dma_start3A_108 = tpu.memref_slice %arg10[%dma_start3A_106, %dma_start3A_107] : memref<10240x64xf32, #tpu.memory_space<vmem_shared>> -> memref<10240x64xf32, #tpu.memory_space<vmem_shared>>
        tpu.enqueue_indirect_dma source(%arg8 : memref<128x64xf32, #tpu.memory_space<vmem>>) target(%dma_start3A_108 : memref<10240x64xf32, #tpu.memory_space<vmem_shared>>) offsets(%dma_start3A_105 : memref<128xi32, #tpu.memory_space<vmem>>) semaphore(%run_scoped3A : memref<!tpu.dma_semaphore, #tpu.memory_space<semaphore_mem>>) {add = true}
        %dma_wait3A_109 = arith.constant 0 : i32
        %dma_wait3A_110 = tpu.memref_slice %arg7[%mul3A_64, %dma_wait3A_109] : memref<160x128xi32, #tpu.memory_space<vmem>> -> memref<1x128xi32, #tpu.memory_space<vmem>>
        %dma_wait3A_111 = tpu.memref_squeeze %dma_wait3A_110 : memref<1x128xi32, #tpu.memory_space<vmem>> -> memref<128xi32, #tpu.memory_space<vmem>>
        %dma_wait3A_112 = arith.constant 0 : i32
        %dma_wait3A_113 = arith.constant 0 : i32
        %dma_wait3A_114 = tpu.memref_slice %arg10[%dma_wait3A_112, %dma_wait3A_113] : memref<10240x64xf32, #tpu.memory_space<vmem_shared>> -> memref<10240x64xf32, #tpu.memory_space<vmem_shared>>
        tpu.wait_indirect_dma semaphore(%run_scoped3A : memref<!tpu.dma_semaphore, #tpu.memory_space<semaphore_mem>>) src(%arg8 : memref<128x64xf32, #tpu.memory_space<vmem>>) dst(%dma_wait3A_114 : memref<10240x64xf32, #tpu.memory_space<vmem_shared>>)
        tpu.yield
      }) : () -> ()
      %lt3A = arith.constant 79 : i32
      %lt3A_87 = arith.cmpi slt, %add3A_62, %lt3A : i32
      %convert_element_type3A = arith.extui %lt3A_87 : i1 to i32
      %cond3A = arith.constant 0 : i32
      %cond3A_88 = arith.cmpi ne, %convert_element_type3A, %cond3A : i32
      scf.if %cond3A_88 {
        %add3A_103 = arith.constant 2 : i32
        %add3A_104 = arith.addi %mul3A_64, %add3A_103 : i32
        %dma_start3A_105 = arith.constant 0 : i32
        %dma_start3A_106 = tpu.memref_slice %arg6[%add3A_104, %dma_start3A_105] : memref<160x128xi32, #tpu.memory_space<vmem>> -> memref<1x128xi32, #tpu.memory_space<vmem>>
        %dma_start3A_107 = tpu.memref_squeeze %dma_start3A_106 : memref<1x128xi32, #tpu.memory_space<vmem>> -> memref<128xi32, #tpu.memory_space<vmem>>
        %dma_start3A_108 = arith.constant 0 : i32
        %dma_start3A_109 = arith.constant 0 : i32
        %dma_start3A_110 = tpu.memref_slice %arg2[%arg0, %dma_start3A_108, %dma_start3A_109] : memref<2x10000x64xf32, #tpu.memory_space<hbm>> -> memref<1x10000x64xf32, #tpu.memory_space<hbm>>
        %dma_start3A_111 = tpu.memref_squeeze %dma_start3A_110 : memref<1x10000x64xf32, #tpu.memory_space<hbm>> -> memref<10000x64xf32, #tpu.memory_space<hbm>>
        %dma_start3A_112 = arith.constant 0 : i32
        %dma_start3A_113 = arith.constant 0 : i32
        %dma_start3A_114 = tpu.memref_slice %dma_start3A_111[%dma_start3A_112, %dma_start3A_113] : memref<10000x64xf32, #tpu.memory_space<hbm>> -> memref<10000x64xf32, #tpu.memory_space<hbm>>
        tpu.enqueue_indirect_dma source(%dma_start3A_114 : memref<10000x64xf32, #tpu.memory_space<hbm>>) target(%arg8 : memref<128x64xf32, #tpu.memory_space<vmem>>) offsets(%dma_start3A_107 : memref<128xi32, #tpu.memory_space<vmem>>) semaphore(%arg11 : memref<!tpu.dma_semaphore, #tpu.memory_space<semaphore_mem>>)
      } else {
      }
      %add3A_89 = arith.constant 1 : i32
      %add3A_90 = arith.addi %mul3A_64, %add3A_89 : i32
      %dma_wait3A_91 = arith.constant 0 : i32
      %dma_wait3A_92 = tpu.memref_slice %arg6[%add3A_90, %dma_wait3A_91] : memref<160x128xi32, #tpu.memory_space<vmem>> -> memref<1x128xi32, #tpu.memory_space<vmem>>
      %dma_wait3A_93 = tpu.memref_squeeze %dma_wait3A_92 : memref<1x128xi32, #tpu.memory_space<vmem>> -> memref<128xi32, #tpu.memory_space<vmem>>
      %dma_wait3A_94 = arith.constant 0 : i32
      %dma_wait3A_95 = arith.constant 0 : i32
      %dma_wait3A_96 = tpu.memref_slice %arg2[%arg0, %dma_wait3A_94, %dma_wait3A_95] : memref<2x10000x64xf32, #tpu.memory_space<hbm>> -> memref<1x10000x64xf32, #tpu.memory_space<hbm>>
      %dma_wait3A_97 = tpu.memref_squeeze %dma_wait3A_96 : memref<1x10000x64xf32, #tpu.memory_space<hbm>> -> memref<10000x64xf32, #tpu.memory_space<hbm>>
      %dma_wait3A_98 = arith.constant 0 : i32
      %dma_wait3A_99 = arith.constant 0 : i32
      %dma_wait3A_100 = tpu.memref_slice %dma_wait3A_97[%dma_wait3A_98, %dma_wait3A_99] : memref<10000x64xf32, #tpu.memory_space<hbm>> -> memref<10000x64xf32, #tpu.memory_space<hbm>>
      tpu.wait_indirect_dma semaphore(%arg12 : memref<!tpu.dma_semaphore, #tpu.memory_space<semaphore_mem>>) src(%dma_wait3A_100 : memref<10000x64xf32, #tpu.memory_space<hbm>>) dst(%arg9 : memref<128x64xf32, #tpu.memory_space<vmem>>)
      %add3A_101 = arith.constant 1 : i32
      %add3A_102 = arith.addi %mul3A_64, %add3A_101 : i32
      "tpu.region"() ({
        %run_scoped3A = tpu.sem_alloc : memref<!tpu.dma_semaphore, #tpu.memory_space<semaphore_mem>>
        %dma_start3A_103 = arith.constant 0 : i32
        %dma_start3A_104 = tpu.memref_slice %arg7[%add3A_102, %dma_start3A_103] : memref<160x128xi32, #tpu.memory_space<vmem>> -> memref<1x128xi32, #tpu.memory_space<vmem>>
        %dma_start3A_105 = tpu.memref_squeeze %dma_start3A_104 : memref<1x128xi32, #tpu.memory_space<vmem>> -> memref<128xi32, #tpu.memory_space<vmem>>
        %dma_start3A_106 = arith.constant 0 : i32
        %dma_start3A_107 = arith.constant 0 : i32
        %dma_start3A_108 = tpu.memref_slice %arg10[%dma_start3A_106, %dma_start3A_107] : memref<10240x64xf32, #tpu.memory_space<vmem_shared>> -> memref<10240x64xf32, #tpu.memory_space<vmem_shared>>
        tpu.enqueue_indirect_dma source(%arg9 : memref<128x64xf32, #tpu.memory_space<vmem>>) target(%dma_start3A_108 : memref<10240x64xf32, #tpu.memory_space<vmem_shared>>) offsets(%dma_start3A_105 : memref<128xi32, #tpu.memory_space<vmem>>) semaphore(%run_scoped3A : memref<!tpu.dma_semaphore, #tpu.memory_space<semaphore_mem>>) {add = true}
        %dma_wait3A_109 = arith.constant 0 : i32
        %dma_wait3A_110 = tpu.memref_slice %arg7[%add3A_102, %dma_wait3A_109] : memref<160x128xi32, #tpu.memory_space<vmem>> -> memref<1x128xi32, #tpu.memory_space<vmem>>
        %dma_wait3A_111 = tpu.memref_squeeze %dma_wait3A_110 : memref<1x128xi32, #tpu.memory_space<vmem>> -> memref<128xi32, #tpu.memory_space<vmem>>
        %dma_wait3A_112 = arith.constant 0 : i32
        %dma_wait3A_113 = arith.constant 0 : i32
        %dma_wait3A_114 = tpu.memref_slice %arg10[%dma_wait3A_112, %dma_wait3A_113] : memref<10240x64xf32, #tpu.memory_space<vmem_shared>> -> memref<10240x64xf32, #tpu.memory_space<vmem_shared>>
        tpu.wait_indirect_dma semaphore(%run_scoped3A : memref<!tpu.dma_semaphore, #tpu.memory_space<semaphore_mem>>) src(%arg9 : memref<128x64xf32, #tpu.memory_space<vmem>>) dst(%dma_wait3A_114 : memref<10240x64xf32, #tpu.memory_space<vmem_shared>>)
        tpu.yield
      }) : () -> ()
    }
    %scan3A_54 = arith.constant 80 : i32
    %barrier3A_55 = arith.constant 0 : index
    tpu.barrier barrier_id(%barrier3A_55)
    %mul3A = arith.constant 640 : i32
    %mul3A_56 = arith.muli %arg1, %mul3A : i32
    %mul3A_57 = arith.constant 640 : i32
    %mul3A_58 = arith.muli %arg1, %mul3A_57 : i32
    "tpu.region"() ({
      %run_scoped3A = tpu.sem_alloc : memref<!tpu.dma_semaphore, #tpu.memory_space<semaphore_mem>>
      %dma_start3A_59 = arith.constant 0 : i32
      %dma_start3A_60 = arith.constant 0 : i32
      %dma_start3A_61 = tpu.memref_slice %arg5[%arg0, %dma_start3A_59, %dma_start3A_60] : memref<2x10240x64xf32, #tpu.memory_space<hbm>> -> memref<1x10240x64xf32, #tpu.memory_space<hbm>>
      %dma_start3A_62 = tpu.memref_squeeze %dma_start3A_61 : memref<1x10240x64xf32, #tpu.memory_space<hbm>> -> memref<10240x64xf32, #tpu.memory_space<hbm>>
      %dma_start3A_63 = arith.constant 0 : i32
      %dma_start3A_64 = tpu.memref_slice %dma_start3A_62[%mul3A_58, %dma_start3A_63] : memref<10240x64xf32, #tpu.memory_space<hbm>> -> memref<640x64xf32, #tpu.memory_space<hbm>>
      %dma_start3A_65 = arith.constant 0 : i32
      %dma_start3A_66 = tpu.memref_slice %arg10[%mul3A_56, %dma_start3A_65] : memref<10240x64xf32, #tpu.memory_space<vmem_shared>> -> memref<640x64xf32, #tpu.memory_space<vmem_shared>>
      tpu.enqueue_dma source(%dma_start3A_66 : memref<640x64xf32, #tpu.memory_space<vmem_shared>>) target(%dma_start3A_64 : memref<640x64xf32, #tpu.memory_space<hbm>>) target_semaphore(%run_scoped3A : memref<!tpu.dma_semaphore, #tpu.memory_space<semaphore_mem>>)
      %dma_wait3A_67 = arith.constant 0 : i32
      %dma_wait3A_68 = arith.constant 0 : i32
      %dma_wait3A_69 = tpu.memref_slice %arg5[%arg0, %dma_wait3A_67, %dma_wait3A_68] : memref<2x10240x64xf32, #tpu.memory_space<hbm>> -> memref<1x10240x64xf32, #tpu.memory_space<hbm>>
      %dma_wait3A_70 = tpu.memref_squeeze %dma_wait3A_69 : memref<1x10240x64xf32, #tpu.memory_space<hbm>> -> memref<10240x64xf32, #tpu.memory_space<hbm>>
      %dma_wait3A_71 = arith.constant 0 : i32
      %dma_wait3A_72 = tpu.memref_slice %dma_wait3A_70[%mul3A_58, %dma_wait3A_71] : memref<10240x64xf32, #tpu.memory_space<hbm>> -> memref<640x64xf32, #tpu.memory_space<hbm>>
      %dma_wait3A_73 = arith.constant 0 : i32
      %dma_wait3A_74 = tpu.memref_slice %arg10[%mul3A_56, %dma_wait3A_73] : memref<10240x64xf32, #tpu.memory_space<vmem_shared>> -> memref<640x64xf32, #tpu.memory_space<vmem_shared>>
      tpu.wait_dma2 semaphore(%run_scoped3A : memref<!tpu.dma_semaphore, #tpu.memory_space<semaphore_mem>>) src(%dma_wait3A_74 : memref<640x64xf32, #tpu.memory_space<vmem_shared>>) dst(%dma_wait3A_72 : memref<640x64xf32, #tpu.memory_space<hbm>>)
      tpu.yield
    }) : () -> ()
    return
  }
}

module attributes {stable_mosaic.version = 14 : i64} {
  func.func @_mm_prescale_body(%arg0: memref<2x10240x16xf32, #tpu.memory_space<vmem>>, %arg1: memref<10000x128xf32, #tpu.memory_space<vmem>>, %arg2: memref<128x128xf32, #tpu.memory_space<vmem>>, %arg3: memref<2x10000x64xf32, #tpu.memory_space<vmem>>, %arg4: memref<10000x1xf32, #tpu.memory_space<vmem>>) attributes {dimension_semantics = [], scalar_prefetch = 0 : i64, scratch_operands = 0 : i64, tpu.core_type = #tpu.core_type<tc>} {
    %get3A = arith.constant 0 : index
    %get3A_0 = arith.constant 0 : index
    %get3A_1 = arith.constant 0 : index
    %get3A_2 = vector.load %arg0[%get3A, %get3A_0, %get3A_1] : memref<2x10240x16xf32, #tpu.memory_space<vmem>>, vector<1x10000x1xf32>
    %get3A_3 = vector.shape_cast %get3A_2 : vector<1x10000x1xf32> to vector<10000x1xf32>
    %get3A_4 = arith.constant 1 : index
    %get3A_5 = arith.constant 0 : index
    %get3A_6 = arith.constant 0 : index
    %get3A_7 = vector.load %arg0[%get3A_4, %get3A_5, %get3A_6] : memref<2x10240x16xf32, #tpu.memory_space<vmem>>, vector<1x10000x1xf32>
    %get3A_8 = vector.shape_cast %get3A_7 : vector<1x10000x1xf32> to vector<10000x1xf32>
    %add3A = arith.addf %get3A_3, %get3A_8 : vector<10000x1xf32>
    %add3A_9 = arith.constant 1.000000e+00 : f32
    %add3A_10 = vector.broadcast %add3A_9 : f32 to vector<10000x1xf32>
    %add3A_11 = arith.addf %add3A, %add3A_10 : vector<10000x1xf32>
    %sqrt3A = math.sqrt %add3A_11 : vector<10000x1xf32>
    %div3A = arith.constant 1.000000e+00 : f32
    %div3A_12 = vector.broadcast %div3A : f32 to vector<10000x1xf32>
    %div3A_13 = arith.divf %div3A_12, %sqrt3A : vector<10000x1xf32>
    %swap3A = arith.constant 0 : index
    %swap3A_14 = arith.constant 0 : index
    %swap3A_15 = vector.load %arg4[%swap3A, %swap3A_14] : memref<10000x1xf32, #tpu.memory_space<vmem>>, vector<10000x1xf32>
    tpu.vector_store %arg4[%swap3A, %swap3A_14], %div3A_13 {strides = array<i32>} : memref<10000x1xf32, #tpu.memory_space<vmem>>, vector<10000x1xf32>,
    %get3A_16 = arith.constant 0 : index
    %get3A_17 = arith.constant 0 : index
    %get3A_18 = vector.load %arg1[%get3A_16, %get3A_17] : memref<10000x128xf32, #tpu.memory_space<vmem>>, vector<10000x128xf32>
    %get3A_19 = arith.constant 0 : index
    %get3A_20 = arith.constant 0 : index
    %get3A_21 = vector.load %arg2[%get3A_19, %get3A_20] : memref<128x128xf32, #tpu.memory_space<vmem>>, vector<128x128xf32>
    %dot_general3A = arith.constant dense<0.000000e+00> : vector<10000x128xf32>
    %dot_general3A_22 = tpu.matmul %get3A_18, %get3A_21, %dot_general3A {dimension_numbers = #tpu.dot_dimension_numbers<[1], [0], [0], [1], [0, 0, 1, 1], [], []>, transpose_lhs_hint = false} : vector<10000x128xf32>, vector<128x128xf32>, vector<10000x128xf32> -> vector<10000x128xf32>
    %mul3A = vector.broadcast %div3A_13 : vector<10000x1xf32> to vector<10000x128xf32>
    %mul3A_23 = arith.mulf %dot_general3A_22, %mul3A : vector<10000x128xf32>
    %slice3A = vector.extract_strided_slice %mul3A_23 {offsets = [0, 0], sizes = [10000, 64], strides = [1, 1]} : vector<10000x128xf32> to vector<10000x64xf32>
    %swap3A_24 = arith.constant 0 : index
    %swap3A_25 = arith.constant 0 : index
    %swap3A_26 = arith.constant 0 : index
    %swap3A_27 = vector.load %arg3[%swap3A_24, %swap3A_25, %swap3A_26] : memref<2x10000x64xf32, #tpu.memory_space<vmem>>, vector<1x10000x64xf32>
    %swap3A_28 = vector.shape_cast %swap3A_27 : vector<1x10000x64xf32> to vector<10000x64xf32>
    %swap3A_29 = vector.shape_cast %slice3A : vector<10000x64xf32> to vector<1x10000x64xf32>
    tpu.vector_store %arg3[%swap3A_24, %swap3A_25, %swap3A_26], %swap3A_29 {strides = array<i32>} : memref<2x10000x64xf32, #tpu.memory_space<vmem>>, vector<1x10000x64xf32>,
    %slice3A_30 = vector.extract_strided_slice %mul3A_23 {offsets = [0, 64], sizes = [10000, 64], strides = [1, 1]} : vector<10000x128xf32> to vector<10000x64xf32>
    %swap3A_31 = arith.constant 1 : index
    %swap3A_32 = arith.constant 0 : index
    %swap3A_33 = arith.constant 0 : index
    %swap3A_34 = vector.load %arg3[%swap3A_31, %swap3A_32, %swap3A_33] : memref<2x10000x64xf32, #tpu.memory_space<vmem>>, vector<1x10000x64xf32>
    %swap3A_35 = vector.shape_cast %swap3A_34 : vector<1x10000x64xf32> to vector<10000x64xf32>
    %swap3A_36 = vector.shape_cast %slice3A_30 : vector<10000x64xf32> to vector<1x10000x64xf32>
    tpu.vector_store %arg3[%swap3A_31, %swap3A_32, %swap3A_33], %swap3A_36 {strides = array<i32>} : memref<2x10000x64xf32, #tpu.memory_space<vmem>>, vector<1x10000x64xf32>,
    return
  }
}

module attributes {stable_mosaic.version = 14 : i64} {
  func.func @_layer_body(%arg0: memref<2x10240x64xf32, #tpu.memory_space<vmem>>, %arg1: memref<2x10000x64xf32, #tpu.memory_space<vmem>>, %arg2: memref<10000x1xf32, #tpu.memory_space<vmem>>, %arg3: memref<128xf32, #tpu.memory_space<vmem>>, %arg4: memref<128xf32, #tpu.memory_space<vmem>>, %arg5: memref<128xf32, #tpu.memory_space<vmem>>, %arg6: memref<128x128xf32, #tpu.memory_space<vmem>>, %arg7: memref<2x10000x64xf32, #tpu.memory_space<vmem>>) attributes {dimension_semantics = [], scalar_prefetch = 0 : i64, scratch_operands = 0 : i64, tpu.core_type = #tpu.core_type<tc>} {
    %get3A = arith.constant 0 : index
    %get3A_0 = arith.constant 0 : index
    %get3A_1 = vector.load %arg2[%get3A, %get3A_0] : memref<10000x1xf32, #tpu.memory_space<vmem>>, vector<10000x1xf32>
    %get3A_2 = arith.constant 0 : index
    %get3A_3 = arith.constant 0 : index
    %get3A_4 = arith.constant 0 : index
    %get3A_5 = vector.load %arg0[%get3A_2, %get3A_3, %get3A_4] : memref<2x10240x64xf32, #tpu.memory_space<vmem>>, vector<1x10000x64xf32>
    %get3A_6 = vector.shape_cast %get3A_5 : vector<1x10000x64xf32> to vector<10000x64xf32>
    %get3A_7 = arith.constant 0 : index
    %get3A_8 = arith.constant 0 : index
    %get3A_9 = arith.constant 0 : index
    %get3A_10 = vector.load %arg1[%get3A_7, %get3A_8, %get3A_9] : memref<2x10000x64xf32, #tpu.memory_space<vmem>>, vector<1x10000x64xf32>
    %get3A_11 = vector.shape_cast %get3A_10 : vector<1x10000x64xf32> to vector<10000x64xf32>
    %add3A = arith.addf %get3A_6, %get3A_11 : vector<10000x64xf32>
    %get3A_12 = arith.constant 1 : index
    %get3A_13 = arith.constant 0 : index
    %get3A_14 = arith.constant 0 : index
    %get3A_15 = vector.load %arg0[%get3A_12, %get3A_13, %get3A_14] : memref<2x10240x64xf32, #tpu.memory_space<vmem>>, vector<1x10000x64xf32>
    %get3A_16 = vector.shape_cast %get3A_15 : vector<1x10000x64xf32> to vector<10000x64xf32>
    %get3A_17 = arith.constant 1 : index
    %get3A_18 = arith.constant 0 : index
    %get3A_19 = arith.constant 0 : index
    %get3A_20 = vector.load %arg1[%get3A_17, %get3A_18, %get3A_19] : memref<2x10000x64xf32, #tpu.memory_space<vmem>>, vector<1x10000x64xf32>
    %get3A_21 = vector.shape_cast %get3A_20 : vector<1x10000x64xf32> to vector<10000x64xf32>
    %add3A_22 = arith.addf %get3A_16, %get3A_21 : vector<10000x64xf32>
    %concatenate3A = tpu.concatenate %add3A, %add3A_22 in 1 : vector<10000x64xf32>, vector<10000x64xf32> -> vector<10000x128xf32>
    %mul3A = vector.broadcast %get3A_1 : vector<10000x1xf32> to vector<10000x128xf32>
    %mul3A_23 = arith.mulf %mul3A, %concatenate3A : vector<10000x128xf32>
    %get3A_24 = arith.constant 0 : index
    %get3A_25 = vector.load %arg3[%get3A_24] : memref<128xf32, #tpu.memory_space<vmem>>, vector<128xf32>
    %broadcast_in_dim3A = vector.shape_cast %get3A_25 : vector<128xf32> to vector<1x128xf32>
    %add3A_26 = vector.broadcast %broadcast_in_dim3A : vector<1x128xf32> to vector<10000x128xf32>
    %add3A_27 = arith.addf %mul3A_23, %add3A_26 : vector<10000x128xf32>
    %reduce_sum3A = arith.constant dense<0.000000e+00> : vector<128xf32>
    %reduce_sum3A_28 = vector.multi_reduction <add>, %add3A_27, %reduce_sum3A [0] : vector<10000x128xf32> to vector<128xf32>
    %broadcast_in_dim3A_29 = vector.shape_cast %reduce_sum3A_28 : vector<128xf32> to vector<1x128xf32>
    %div3A = arith.constant 1.000000e+04 : f32
    %div3A_30 = vector.broadcast %div3A : f32 to vector<1x128xf32>
    %div3A_31 = arith.divf %broadcast_in_dim3A_29, %div3A_30 : vector<1x128xf32>
    %sub3A = vector.broadcast %div3A_31 : vector<1x128xf32> to vector<10000x128xf32>
    %sub3A_32 = arith.subf %add3A_27, %sub3A : vector<10000x128xf32>
    %integer_pow3A = arith.mulf %sub3A_32, %sub3A_32 : vector<10000x128xf32>
    %reduce_sum3A_33 = arith.constant dense<0.000000e+00> : vector<128xf32>
    %reduce_sum3A_34 = vector.multi_reduction <add>, %integer_pow3A, %reduce_sum3A_33 [0] : vector<10000x128xf32> to vector<128xf32>
    %broadcast_in_dim3A_35 = vector.shape_cast %reduce_sum3A_34 : vector<128xf32> to vector<1x128xf32>
    %div3A_36 = arith.constant 1.000000e+04 : f32
    %div3A_37 = vector.broadcast %div3A_36 : f32 to vector<1x128xf32>
    %div3A_38 = arith.divf %broadcast_in_dim3A_35, %div3A_37 : vector<1x128xf32>
    %get3A_39 = arith.constant 0 : index
    %get3A_40 = vector.load %arg4[%get3A_39] : memref<128xf32, #tpu.memory_space<vmem>>, vector<128xf32>
    %sub3A_41 = vector.broadcast %div3A_31 : vector<1x128xf32> to vector<10000x128xf32>
    %sub3A_42 = arith.subf %add3A_27, %sub3A_41 : vector<10000x128xf32>
    %broadcast_in_dim3A_43 = vector.shape_cast %get3A_40 : vector<128xf32> to vector<1x128xf32>
    %mul3A_44 = vector.broadcast %broadcast_in_dim3A_43 : vector<1x128xf32> to vector<10000x128xf32>
    %mul3A_45 = arith.mulf %mul3A_44, %sub3A_42 : vector<10000x128xf32>
    %add3A_46 = arith.constant 9.99999974E-6 : f32
    %add3A_47 = vector.broadcast %add3A_46 : f32 to vector<1x128xf32>
    %add3A_48 = arith.addf %div3A_38, %add3A_47 : vector<1x128xf32>
    %sqrt3A = math.sqrt %add3A_48 : vector<1x128xf32>
    %div3A_49 = vector.broadcast %sqrt3A : vector<1x128xf32> to vector<10000x128xf32>
    %div3A_50 = arith.divf %mul3A_45, %div3A_49 : vector<10000x128xf32>
    %get3A_51 = arith.constant 0 : index
    %get3A_52 = vector.load %arg5[%get3A_51] : memref<128xf32, #tpu.memory_space<vmem>>, vector<128xf32>
    %broadcast_in_dim3A_53 = vector.shape_cast %get3A_52 : vector<128xf32> to vector<1x128xf32>
    %add3A_54 = vector.broadcast %broadcast_in_dim3A_53 : vector<1x128xf32> to vector<10000x128xf32>
    %add3A_55 = arith.addf %div3A_50, %add3A_54 : vector<10000x128xf32>
    %max3A = arith.constant 0.000000e+00 : f32
    %max3A_56 = vector.broadcast %max3A : f32 to vector<10000x128xf32>
    %max3A_57 = arith.maximumf %add3A_55, %max3A_56 : vector<10000x128xf32>
    %get3A_58 = arith.constant 0 : index
    %get3A_59 = arith.constant 0 : index
    %get3A_60 = vector.load %arg6[%get3A_58, %get3A_59] : memref<128x128xf32, #tpu.memory_space<vmem>>, vector<128x128xf32>
    %dot_general3A = arith.constant dense<0.000000e+00> : vector<10000x128xf32>
    %dot_general3A_61 = tpu.matmul %max3A_57, %get3A_60, %dot_general3A {dimension_numbers = #tpu.dot_dimension_numbers<[1], [0], [0], [1], [0, 0, 1, 1], [], []>, transpose_lhs_hint = false} : vector<10000x128xf32>, vector<128x128xf32>, vector<10000x128xf32> -> vector<10000x128xf32>
    %mul3A_62 = vector.broadcast %get3A_1 : vector<10000x1xf32> to vector<10000x128xf32>
    %mul3A_63 = arith.mulf %dot_general3A_61, %mul3A_62 : vector<10000x128xf32>
    %slice3A = vector.extract_strided_slice %mul3A_63 {offsets = [0, 0], sizes = [10000, 64], strides = [1, 1]} : vector<10000x128xf32> to vector<10000x64xf32>
    %swap3A = arith.constant 0 : index
    %swap3A_64 = arith.constant 0 : index
    %swap3A_65 = arith.constant 0 : index
    %swap3A_66 = vector.load %arg7[%swap3A, %swap3A_64, %swap3A_65] : memref<2x10000x64xf32, #tpu.memory_space<vmem>>, vector<1x10000x64xf32>
    %swap3A_67 = vector.shape_cast %swap3A_66 : vector<1x10000x64xf32> to vector<10000x64xf32>
    %swap3A_68 = vector.shape_cast %slice3A : vector<10000x64xf32> to vector<1x10000x64xf32>
    tpu.vector_store %arg7[%swap3A, %swap3A_64, %swap3A_65], %swap3A_68 {strides = array<i32>} : memref<2x10000x64xf32, #tpu.memory_space<vmem>>, vector<1x10000x64xf32>,
    %slice3A_69 = vector.extract_strided_slice %mul3A_63 {offsets = [0, 64], sizes = [10000, 64], strides = [1, 1]} : vector<10000x128xf32> to vector<10000x64xf32>
    %swap3A_70 = arith.constant 1 : index
    %swap3A_71 = arith.constant 0 : index
    %swap3A_72 = arith.constant 0 : index
    %swap3A_73 = vector.load %arg7[%swap3A_70, %swap3A_71, %swap3A_72] : memref<2x10000x64xf32, #tpu.memory_space<vmem>>, vector<1x10000x64xf32>
    %swap3A_74 = vector.shape_cast %swap3A_73 : vector<1x10000x64xf32> to vector<10000x64xf32>
    %swap3A_75 = vector.shape_cast %slice3A_69 : vector<10000x64xf32> to vector<1x10000x64xf32>
    tpu.vector_store %arg7[%swap3A_70, %swap3A_71, %swap3A_72], %swap3A_75 {strides = array<i32>} : memref<2x10000x64xf32, #tpu.memory_space<vmem>>, vector<1x10000x64xf32>,
    return
  }
}

module attributes {stable_mosaic.version = 14 : i64} {
  func.func @_final_body(%arg0: memref<2x10240x64xf32, #tpu.memory_space<vmem>>, %arg1: memref<2x10000x64xf32, #tpu.memory_space<vmem>>, %arg2: memref<10000x1xf32, #tpu.memory_space<vmem>>, %arg3: memref<128xf32, #tpu.memory_space<vmem>>, %arg4: memref<128xf32, #tpu.memory_space<vmem>>, %arg5: memref<128xf32, #tpu.memory_space<vmem>>, %arg6: memref<10000x1xi32, #tpu.memory_space<vmem>>, %arg7: memref<128x64xf32, #tpu.memory_space<vmem>>, %arg8: memref<64xf32, #tpu.memory_space<vmem>>, %arg9: memref<64x1xf32, #tpu.memory_space<vmem>>, %arg10: memref<1xf32, #tpu.memory_space<vmem>>, %arg11: memref<64x1xf32, #tpu.memory_space<vmem>>) attributes {dimension_semantics = [], scalar_prefetch = 0 : i64, scratch_operands = 0 : i64, tpu.core_type = #tpu.core_type<tc>} {
    %get3A = arith.constant 0 : index
    %get3A_0 = arith.constant 0 : index
    %get3A_1 = vector.load %arg2[%get3A, %get3A_0] : memref<10000x1xf32, #tpu.memory_space<vmem>>, vector<10000x1xf32>
    %get3A_2 = arith.constant 0 : index
    %get3A_3 = arith.constant 0 : index
    %get3A_4 = arith.constant 0 : index
    %get3A_5 = vector.load %arg0[%get3A_2, %get3A_3, %get3A_4] : memref<2x10240x64xf32, #tpu.memory_space<vmem>>, vector<1x10000x64xf32>
    %get3A_6 = vector.shape_cast %get3A_5 : vector<1x10000x64xf32> to vector<10000x64xf32>
    %get3A_7 = arith.constant 0 : index
    %get3A_8 = arith.constant 0 : index
    %get3A_9 = arith.constant 0 : index
    %get3A_10 = vector.load %arg1[%get3A_7, %get3A_8, %get3A_9] : memref<2x10000x64xf32, #tpu.memory_space<vmem>>, vector<1x10000x64xf32>
    %get3A_11 = vector.shape_cast %get3A_10 : vector<1x10000x64xf32> to vector<10000x64xf32>
    %add3A = arith.addf %get3A_6, %get3A_11 : vector<10000x64xf32>
    %get3A_12 = arith.constant 1 : index
    %get3A_13 = arith.constant 0 : index
    %get3A_14 = arith.constant 0 : index
    %get3A_15 = vector.load %arg0[%get3A_12, %get3A_13, %get3A_14] : memref<2x10240x64xf32, #tpu.memory_space<vmem>>, vector<1x10000x64xf32>
    %get3A_16 = vector.shape_cast %get3A_15 : vector<1x10000x64xf32> to vector<10000x64xf32>
    %get3A_17 = arith.constant 1 : index
    %get3A_18 = arith.constant 0 : index
    %get3A_19 = arith.constant 0 : index
    %get3A_20 = vector.load %arg1[%get3A_17, %get3A_18, %get3A_19] : memref<2x10000x64xf32, #tpu.memory_space<vmem>>, vector<1x10000x64xf32>
    %get3A_21 = vector.shape_cast %get3A_20 : vector<1x10000x64xf32> to vector<10000x64xf32>
    %add3A_22 = arith.addf %get3A_16, %get3A_21 : vector<10000x64xf32>
    %concatenate3A = tpu.concatenate %add3A, %add3A_22 in 1 : vector<10000x64xf32>, vector<10000x64xf32> -> vector<10000x128xf32>
    %mul3A = vector.broadcast %get3A_1 : vector<10000x1xf32> to vector<10000x128xf32>
    %mul3A_23 = arith.mulf %mul3A, %concatenate3A : vector<10000x128xf32>
    %get3A_24 = arith.constant 0 : index
    %get3A_25 = vector.load %arg3[%get3A_24] : memref<128xf32, #tpu.memory_space<vmem>>, vector<128xf32>
    %broadcast_in_dim3A = vector.shape_cast %get3A_25 : vector<128xf32> to vector<1x128xf32>
    %add3A_26 = vector.broadcast %broadcast_in_dim3A : vector<1x128xf32> to vector<10000x128xf32>
    %add3A_27 = arith.addf %mul3A_23, %add3A_26 : vector<10000x128xf32>
    %reduce_sum3A = arith.constant dense<0.000000e+00> : vector<128xf32>
    %reduce_sum3A_28 = vector.multi_reduction <add>, %add3A_27, %reduce_sum3A [0] : vector<10000x128xf32> to vector<128xf32>
    %broadcast_in_dim3A_29 = vector.shape_cast %reduce_sum3A_28 : vector<128xf32> to vector<1x128xf32>
    %div3A = arith.constant 1.000000e+04 : f32
    %div3A_30 = vector.broadcast %div3A : f32 to vector<1x128xf32>
    %div3A_31 = arith.divf %broadcast_in_dim3A_29, %div3A_30 : vector<1x128xf32>
    %sub3A = vector.broadcast %div3A_31 : vector<1x128xf32> to vector<10000x128xf32>
    %sub3A_32 = arith.subf %add3A_27, %sub3A : vector<10000x128xf32>
    %integer_pow3A = arith.mulf %sub3A_32, %sub3A_32 : vector<10000x128xf32>
    %reduce_sum3A_33 = arith.constant dense<0.000000e+00> : vector<128xf32>
    %reduce_sum3A_34 = vector.multi_reduction <add>, %integer_pow3A, %reduce_sum3A_33 [0] : vector<10000x128xf32> to vector<128xf32>
    %broadcast_in_dim3A_35 = vector.shape_cast %reduce_sum3A_34 : vector<128xf32> to vector<1x128xf32>
    %div3A_36 = arith.constant 1.000000e+04 : f32
    %div3A_37 = vector.broadcast %div3A_36 : f32 to vector<1x128xf32>
    %div3A_38 = arith.divf %broadcast_in_dim3A_35, %div3A_37 : vector<1x128xf32>
    %get3A_39 = arith.constant 0 : index
    %get3A_40 = vector.load %arg4[%get3A_39] : memref<128xf32, #tpu.memory_space<vmem>>, vector<128xf32>
    %sub3A_41 = vector.broadcast %div3A_31 : vector<1x128xf32> to vector<10000x128xf32>
    %sub3A_42 = arith.subf %add3A_27, %sub3A_41 : vector<10000x128xf32>
    %broadcast_in_dim3A_43 = vector.shape_cast %get3A_40 : vector<128xf32> to vector<1x128xf32>
    %mul3A_44 = vector.broadcast %broadcast_in_dim3A_43 : vector<1x128xf32> to vector<10000x128xf32>
    %mul3A_45 = arith.mulf %mul3A_44, %sub3A_42 : vector<10000x128xf32>
    %add3A_46 = arith.constant 9.99999974E-6 : f32
    %add3A_47 = vector.broadcast %add3A_46 : f32 to vector<1x128xf32>
    %add3A_48 = arith.addf %div3A_38, %add3A_47 : vector<1x128xf32>
    %sqrt3A = math.sqrt %add3A_48 : vector<1x128xf32>
    %div3A_49 = vector.broadcast %sqrt3A : vector<1x128xf32> to vector<10000x128xf32>
    %div3A_50 = arith.divf %mul3A_45, %div3A_49 : vector<10000x128xf32>
    %get3A_51 = arith.constant 0 : index
    %get3A_52 = vector.load %arg5[%get3A_51] : memref<128xf32, #tpu.memory_space<vmem>>, vector<128xf32>
    %broadcast_in_dim3A_53 = vector.shape_cast %get3A_52 : vector<128xf32> to vector<1x128xf32>
    %add3A_54 = vector.broadcast %broadcast_in_dim3A_53 : vector<1x128xf32> to vector<10000x128xf32>
    %add3A_55 = arith.addf %div3A_50, %add3A_54 : vector<10000x128xf32>
    %max3A = arith.constant 0.000000e+00 : f32
    %max3A_56 = vector.broadcast %max3A : f32 to vector<10000x128xf32>
    %max3A_57 = arith.maximumf %add3A_55, %max3A_56 : vector<10000x128xf32>
    %iota3A = tpu.iota {dimensions = array<i32: 1>} : vector<10000x64xi32>
    %get3A_58 = arith.constant 0 : index
    %get3A_59 = arith.constant 0 : index
    %get3A_60 = vector.load %arg6[%get3A_58, %get3A_59] : memref<10000x1xi32, #tpu.memory_space<vmem>>, vector<10000x1xi32>
    %eq3A = vector.broadcast %get3A_60 : vector<10000x1xi32> to vector<10000x64xi32>
    %eq3A_61 = arith.cmpi eq, %eq3A, %iota3A : vector<10000x64xi32>
    %convert_element_type3A = arith.extui %eq3A_61 : vector<10000x64xi1> to vector<10000x64xi32>
    %convert_element_type3A_62 = arith.sitofp %convert_element_type3A : vector<10000x64xi32> to vector<10000x64xf32>
    %convert_element_type3A_63 = arith.truncf %max3A_57 : vector<10000x128xf32> to vector<10000x128xbf16>
    %convert_element_type3A_64 = arith.extf %convert_element_type3A_63 : vector<10000x128xbf16> to vector<10000x128xf32>
    %sub3A_65 = arith.subf %max3A_57, %convert_element_type3A_64 : vector<10000x128xf32>
    %convert_element_type3A_66 = arith.truncf %sub3A_65 : vector<10000x128xf32> to vector<10000x128xbf16>
    %convert_element_type3A_67 = arith.extf %convert_element_type3A_66 : vector<10000x128xbf16> to vector<10000x128xf32>
    %sub3A_68 = arith.subf %sub3A_65, %convert_element_type3A_67 : vector<10000x128xf32>
    %convert_element_type3A_69 = arith.truncf %sub3A_68 : vector<10000x128xf32> to vector<10000x128xbf16>
    %convert_element_type3A_70 = arith.truncf %convert_element_type3A_62 : vector<10000x64xf32> to vector<10000x64xbf16>
    %dot_general3A = arith.constant dense<0.000000e+00> : vector<64x128xf32>
    %dot_general3A_71 = tpu.matmul %convert_element_type3A_70, %convert_element_type3A_69, %dot_general3A {dimension_numbers = #tpu.dot_dimension_numbers<[0], [0], [1], [1], [0, 1, 1, 1], [], []>, transpose_lhs_hint = false} : vector<10000x64xbf16>, vector<10000x128xbf16>, vector<64x128xf32> -> vector<64x128xf32>
    %dot_general3A_72 = arith.constant dense<0.000000e+00> : vector<64x128xf32>
    %dot_general3A_73 = tpu.matmul %convert_element_type3A_70, %convert_element_type3A_66, %dot_general3A_72 {dimension_numbers = #tpu.dot_dimension_numbers<[0], [0], [1], [1], [0, 1, 1, 1], [], []>, transpose_lhs_hint = false} : vector<10000x64xbf16>, vector<10000x128xbf16>, vector<64x128xf32> -> vector<64x128xf32>
    %add3A_74 = arith.addf %dot_general3A_71, %dot_general3A_73 : vector<64x128xf32>
    %dot_general3A_75 = arith.constant dense<0.000000e+00> : vector<64x128xf32>
    %dot_general3A_76 = tpu.matmul %convert_element_type3A_70, %convert_element_type3A_63, %dot_general3A_75 {dimension_numbers = #tpu.dot_dimension_numbers<[0], [0], [1], [1], [0, 1, 1, 1], [], []>, transpose_lhs_hint = false} : vector<10000x64xbf16>, vector<10000x128xbf16>, vector<64x128xf32> -> vector<64x128xf32>
    %add3A_77 = arith.addf %add3A_74, %dot_general3A_76 : vector<64x128xf32>
    %broadcast_in_dim3A_78 = arith.constant 1.000000e+00 : f32
    %broadcast_in_dim3A_79 = vector.broadcast %broadcast_in_dim3A_78 : f32 to vector<10000x1xf32>
    %dot_general3A_80 = arith.constant dense<0.000000e+00> : vector<64x1xf32>
    %dot_general3A_81 = tpu.matmul %convert_element_type3A_62, %broadcast_in_dim3A_79, %dot_general3A_80 {dimension_numbers = #tpu.dot_dimension_numbers<[0], [0], [1], [1], [0, 1, 1, 1], [], []>, transpose_lhs_hint = false} : vector<10000x64xf32>, vector<10000x1xf32>, vector<64x1xf32> -> vector<64x1xf32>
    %max3A_82 = arith.constant 1.000000e+00 : f32
    %max3A_83 = vector.broadcast %max3A_82 : f32 to vector<64x1xf32>
    %max3A_84 = arith.maximumf %dot_general3A_81, %max3A_83 : vector<64x1xf32>
    %div3A_85 = vector.broadcast %max3A_84 : vector<64x1xf32> to vector<64x128xf32>
    %div3A_86 = arith.divf %add3A_77, %div3A_85 : vector<64x128xf32>
    %get3A_87 = arith.constant 0 : index
    %get3A_88 = arith.constant 0 : index
    %get3A_89 = vector.load %arg7[%get3A_87, %get3A_88] : memref<128x64xf32, #tpu.memory_space<vmem>>, vector<128x64xf32>
    %dot_general3A_90 = arith.constant dense<0.000000e+00> : vector<64x64xf32>
    %dot_general3A_91 = tpu.matmul %div3A_86, %get3A_89, %dot_general3A_90 {dimension_numbers = #tpu.dot_dimension_numbers<[1], [0], [0], [1], [0, 0, 1, 1], [], []>, transpose_lhs_hint = false} : vector<64x128xf32>, vector<128x64xf32>, vector<64x64xf32> -> vector<64x64xf32>
    %get3A_92 = arith.constant 0 : index
    %get3A_93 = vector.load %arg8[%get3A_92] : memref<64xf32, #tpu.memory_space<vmem>>, vector<64xf32>
    %broadcast_in_dim3A_94 = vector.shape_cast %get3A_93 : vector<64xf32> to vector<1x64xf32>
    %add3A_95 = vector.broadcast %broadcast_in_dim3A_94 : vector<1x64xf32> to vector<64x64xf32>
    %add3A_96 = arith.addf %dot_general3A_91, %add3A_95 : vector<64x64xf32>
    %max3A_97 = arith.constant 0.000000e+00 : f32
    %max3A_98 = vector.broadcast %max3A_97 : f32 to vector<64x64xf32>
    %max3A_99 = arith.maximumf %add3A_96, %max3A_98 : vector<64x64xf32>
    %get3A_100 = arith.constant 0 : index
    %get3A_101 = arith.constant 0 : index
    %get3A_102 = vector.load %arg9[%get3A_100, %get3A_101] : memref<64x1xf32, #tpu.memory_space<vmem>>, vector<64x1xf32>
    %dot_general3A_103 = arith.constant dense<0.000000e+00> : vector<64x1xf32>
    %dot_general3A_104 = tpu.matmul %max3A_99, %get3A_102, %dot_general3A_103 {dimension_numbers = #tpu.dot_dimension_numbers<[1], [0], [0], [1], [0, 0, 1, 1], [], []>, transpose_lhs_hint = false} : vector<64x64xf32>, vector<64x1xf32>, vector<64x1xf32> -> vector<64x1xf32>
    %get3A_105 = arith.constant 0 : index
    %get3A_106 = vector.load %arg10[%get3A_105] : memref<1xf32, #tpu.memory_space<vmem>>, vector<1xf32>
    %broadcast_in_dim3A_107 = vector.shape_cast %get3A_106 : vector<1xf32> to vector<1x1xf32>
    %add3A_108 = vector.broadcast %broadcast_in_dim3A_107 : vector<1x1xf32> to vector<64x1xf32>
    %add3A_109 = arith.addf %dot_general3A_104, %add3A_108 : vector<64x1xf32>
    %swap3A = arith.constant 0 : index
    %swap3A_110 = arith.constant 0 : index
    %swap3A_111 = vector.load %arg11[%swap3A, %swap3A_110] : memref<64x1xf32, #tpu.memory_space<vmem>>, vector<64x1xf32>
    tpu.vector_store %arg11[%swap3A, %swap3A_110], %add3A_109 {strides = array<i32>} : memref<64x1xf32, #tpu.memory_space<vmem>>, vector<64x1xf32>,
    return
  }
}

</mosaic_0001>

<sc_bundles>
// kernel: kernel.10.cloned.1.call-start
scs
__scs_entry_jumppad:
0x0: {  	(pc) =	sbr.rel $0x88, $3  }
0x1: {  	(tag) =	ssettag $0x0;
	lr =	simm.s32 $0x1  }
0x2: {  	[smem:$0x3F8E] =	sst lr;
	_ =	strace $0xD0000000  }
0x3: {  	_ = 	snop  }
0x4: {  	_ = 	snop  }
0x5: {  	_ = 	snop  }
0x6: {  	_ = 	snop  }
0x7: {  	_ = 	snop  }
__scs_overlays_trampoline_lowered:
0x8: {  	[smem:$0x3F9D] =	sst s0  }
0x9: {  	[smem:$0x3F9E] =	sst s1  }
0xa: {  	[smem:$0x3F9F] =	sst s2  }
0xb: {  	[smem:$0x3FA0] =	sst s3  }
0xc: {  	[smem:$0x3FA1] =	sst s4  }
0xd: {  	[smem:$0x3FA2] =	sst s5  }
0xe: {  	[smem:$0x3FA3] =	sst s6  }
0xf: {  	[smem:$0x3FA4] =	sst s7  }
0x10: {  	[smem:$0x3FA5] =	sst s8  }
0x11: {  	[smem:$0x3FA6] =	sst s9;
	s0 =	simm.s32 @!p0 $0x0  }
0x12: {  	s1 =	sld [smem:$0x3F8C];
	s0 =	simm.s32 @p0 $0x1  }
0x13: {  	[smem:$0x3FA7] =	sst s0;
	s0 =	simm.s32 @!p1 $0x0  }
0x14: {  	s2 =	sld [smem:$0x3F8B];
	s0 =	simm.s32 @p1 $0x1  }
0x15: {  	[smem:$0x3FA8] =	sst s0;
	s0 =	simm.s32 @!p2 $0x0  }
0x16: {  	s3 =	sld [smem:$0x3FDB];
	s0 =	simm.s32 @p2 $0x1  }
0x17: {  	s4 =	simm.s32 $0x1BF5;
	[smem:$0x3FAA] =	sst s0  }
0x18: {  	s0 =	sld [smem:$0x3F8D];
	_ =	swait.ge [sflag:s4], $0x0  }
0x19: {  	s7 =	sld [smem:$0x3F8E]  }
0x1a: {  	s8 =	sadd.s32 $0xFFFFE003, lr  }
0x1b: {  	s9 =	sadd.s32 $0xFFFFFEF7, lr;
	s5 =	simm.s32 $0xFFFFFFFF;
	p2 =	slt.u32 s8, $0xFFFFF086  }
0x1c: {  	p1 =	slt.u32 s9, $0xF7A;
	s5 =	simm.s32 @!p2 $0x0  }
0x1d: {  	s5 =	simm.s32 @p1 $0x1;
	p0 =	seq.s32 s7, s2  }
0x1e: {  	s7 =	smul.u32 @!p0 $0xF7A, s2;
	p2 =	seq.s32 @!p0 s5, $0x0  }
0x1f: {  	s9 =	smul.u32 $0xF7A, s1;
	s8 =	simm.s32 @!p0 $0x1BF5;
	p2 =	por !p2, p0  }
0x20: {  	[sflag:s8] =	ssyncset.s32 @!p0 $0xFFFFF086;
	s6 =	sadd.s32 @!p0 s3, s7;
	s7 =	simm.s32 @!p0 $0x108  }
0x21: {  	s3 =	sadd.s32 s3, s9;
	s6 =	sadd.s32 @!p0 $0x88, s6;
	s7 =	simm.s32 @p2 $0x1082  }
0x22: {  	[simem:s7], [sflag:s8] =	dma.local @!p0 [hbm:s6], $0xF7A  }
0x23: {  	s9 =	sor.u32 $0xD0000000, s2;
	s6 =	simm.s32 $0x108;
	_ =	swait.ge @!p0 [sflag:s8], $0x0  }
0x24: {  	s3 =	sadd.s32 $0x88, s3;
	s6 =	simm.s32 @!p1 $0x1082;
	[sflag:s4] =	ssyncset.s32 $0xFFFFF086  }
0x25: {  	[simem:s6], [sflag:s4] =	dma.local [hbm:s3], $0xF7A  }
0x26: {  	[smem:$0x3F8E] =	sst s1;
	(tag) =	ssettag s2;
	_ =	strace s9  }
0x27: {  	s1 =	sld [smem:$0x3F9E]  }
0x28: {  	s2 =	sld [smem:$0x3F9F]  }
0x29: {  	s4 =	sld [smem:$0x3FA1]  }
0x2a: {  	p0 =	seq.s32 s5, $0x0;
	s5 =	sld [smem:$0x3FA2]  }
0x2b: {  	s6 =	sld [smem:$0x3FA3]  }
0x2c: {  	s7 =	sld [smem:$0x3FA4]  }
0x2d: {  	s3 =	simm.s32 $0x108;
	s8 =	sld [smem:$0x3FA5]  }
0x2e: {  	s3 =	simm.s32 @!p0 $0x1082;
	s9 =	sld [smem:$0x3FA6]  }
0x2f: {  	lr =	sadd.s32 s0, s3;
	s0 =	sld [smem:$0x3F9D]  }
0x30: {  	s3 =	sld [smem:$0x3FA0]  }
0x31: {  	[smem:$0x3FA9] =	sst s10  }
0x32: {  	s10 =	sld [smem:$0x3FA7];
	_ =	sdelay $0x3  }
0x33: {  	p0 =	seq.s32 s10, $0x1;
	s10 =	sld [smem:$0x3FA9];
	_ =	sdelay $0x3  }
0x34: {  	[smem:$0x3FA9] =	sst s10  }
0x35: {  	s10 =	sld [smem:$0x3FA8];
	_ =	sdelay $0x3  }
0x36: {  	p1 =	seq.s32 s10, $0x1;
	s10 =	sld [smem:$0x3FA9];
	_ =	sdelay $0x3  }
0x37: {  	[smem:$0x3FA9] =	sst s10  }
0x38: {  	s10 =	sld [smem:$0x3FAA]  }
0x39: {  	_ = 	snop;
	(pc) =	sbr.ind lr, $3  }
0x3a: {  	_ = 	snop  }
0x3b: {  	_ = 	snop  }
0x3c: {  	p2 =	seq.s32 s10, $0x1;
	s10 =	sld [smem:$0x3FA9]  }
0x3d: {  	_ =	shalt  }
0x3e: {  	_ =	shalt  }
0x3f: {  	_ =	shalt  }
0x40: {  	_ =	shalt  }
0x41: {  	_ =	shalt  }
0x42: {  	_ =	shalt  }
0x43: {  	_ =	shalt  }
0x44: {  	_ =	shalt  }
0x45: {  	_ =	shalt  }
0x46: {  	_ =	shalt  }
0x47: {  	_ =	shalt  }
0x48: {  	_ =	shalt  }
0x49: {  	_ =	shalt  }
0x4a: {  	_ =	shalt  }
0x4b: {  	_ =	shalt  }
0x4c: {  	_ =	shalt  }
0x4d: {  	_ =	shalt  }
0x4e: {  	_ =	shalt  }
0x4f: {  	_ =	shalt  }
0x50: {  	_ =	shalt  }
0x51: {  	_ =	shalt  }
0x52: {  	_ =	shalt  }
0x53: {  	_ =	shalt  }
0x54: {  	_ =	shalt  }
0x55: {  	_ =	shalt  }
0x56: {  	_ =	shalt  }
0x57: {  	_ =	shalt  }
0x58: {  	_ =	shalt  }
0x59: {  	_ =	shalt  }
0x5a: {  	_ =	shalt  }
0x5b: {  	_ =	shalt  }
0x5c: {  	_ =	shalt  }
0x5d: {  	_ =	shalt  }
0x5e: {  	_ =	shalt  }
0x5f: {  	_ =	shalt  }
0x60: {  	_ =	shalt  }
0x61: {  	_ =	shalt  }
0x62: {  	_ =	shalt  }
0x63: {  	_ =	shalt  }
0x64: {  	_ =	shalt  }
0x65: {  	_ =	shalt  }
0x66: {  	_ =	shalt  }
0x67: {  	_ =	shalt  }
0x68: {  	_ =	shalt  }
0x69: {  	_ =	shalt  }
0x6a: {  	_ =	shalt  }
0x6b: {  	_ =	shalt  }
0x6c: {  	_ =	shalt  }
0x6d: {  	_ =	shalt  }
0x6e: {  	_ =	shalt  }
0x6f: {  	_ =	shalt  }
0x70: {  	_ =	shalt  }
0x71: {  	_ =	shalt  }
0x72: {  	_ =	shalt  }
0x73: {  	_ =	shalt  }
0x74: {  	_ =	shalt  }
0x75: {  	_ =	shalt  }
0x76: {  	_ =	shalt  }
0x77: {  	_ =	shalt  }
0x78: {  	_ =	shalt  }
0x79: {  	_ =	shalt  }
0x7a: {  	_ =	shalt  }
0x7b: {  	_ =	shalt  }
0x7c: {  	_ =	shalt  }
0x7d: {  	_ =	shalt  }
0x7e: {  	_ =	shalt  }
0x7f: {  	_ =	shalt  }
0x80: {  	_ =	shalt  }
0x81: {  	_ =	shalt  }
0x82: {  	_ =	shalt  }
0x83: {  	_ =	shalt  }
0x84: {  	_ =	shalt  }
0x85: {  	_ =	shalt  }
0x86: {  	_ =	shalt  }
0x87: {  	_ =	shalt  }
.Lfunc_end0:
.L_simem_size_0:
called_computation_lowered:
.L_overlay_start_0:
0x88: {  	s2 =	sld [smem:$0x3FD9]  }
0x89: {  	s3 =	sld [smem:$0x3FFE];
	_ =	sdelay $0x1  }
0x8a: {  	s1 =	srdreg.scid  }
0x8b: {  	s0 =	sand.u32 $0x1, s1  }
0x8c: {  	s16 =	sshll.u32 s0, $0xA;
	s2 =	sadd.s32 s3, s2  }
0x8d: {  	s2 =	sadd.s32 s2, s16  }
0x8e: {  	[smem:$0x3FB5] =	sst s2  }
0x8f: {  	_ = 	snop  }
0x90: {  	(tm) =	ssettm $0x1  }
0x91: {  	s17 =	sld [smem:$0x3FFB];
	_ =	sdelay $0x3  }
0x92: {  	_ =	strace s17  }
0x93: {  	s2 =	sld [smem:$0x3FFC];
	_ =	sdelay $0x3  }
0x94: {  	_ =	strace s2  }
0x95: {  	s2 =	sld [smem:$0x3FFD];
	_ =	sdelay $0x3  }
0x96: {  	_ =	strace s2  }
0x97: {  	_ =	strace $0x8FFFFFFF  }
0x98: {  	s18 =	sld [smem:$0x3FDB];
	_ =	sdelay $0x1  }
0x99: {  	s19 =	simm.s32 $_scs_section_size  }
0x9a: {  	s4 =	simm.s32 $_size__tile_overlayer_lowered;
	s5 =	simm.s32 $_tile_overlayer_lowered  }
0x9b: {  	s22 =	simm.s32 $0x1BFF;
	s21 =	sshll.u32 s5, $0x1;
	s2 =	sadd.s32 s19, s18  }
0x9c: {  	s6 =	simm.s32 $0x0;
	s20 =	sshll.u32 s4, $0x1;
	s4 =	sadd.s32 s21, s2  }
0x9d: {  	[timem:s6], [sflag:s22] =	dma.local [hbm:s4], s20  }
0x9e: {  	_ =	swait.ge [sflag:s22], s20  }
0x9f: {  	s3 =	ssub.s32 $0x0, s20;
	[sflag:s22] =	ssyncset.done $0x0  }
0xa0: {  	[sflag:s22] =	ssyncadd.s32 s3;
	_ =	sdelay $0x1  }
0xa1: {  	s23 =	simm.s32 $0x1B8B  }
0xa2: {  	_ =	swait.ge [sflag:s23], $0x1  }
0xa3: {  	[sflag:s23] =	ssyncset.done $0x0  }
0xa4: {  	s25 =	simm.s32 $0x1B8E;
	s24 =	sld [smem:$0x3FFE];
	[sflag:s23] =	ssyncadd.s32 $0xFFFFFFFF  }
0xa5: {  	s26 =	simm.s32 $execute0_lowered;
	[smem:$0x3FD2] =	sst s25  }
0xa6: {  	s4 =	sshll.u32 s26, $0x1;
	_ =	strace $0x80000046;
	[dreg:$0x1] =	wrdreg $0xFFFFFFFF  }
0xa7: {  	s28 =	simm.s32 $_size_execute0_lowered;
	s2 =	sadd.s32 s2, s4;
	[dreg:$0x0] =	wrdreg $0x0  }
0xa8: {  	s4 =	sshll.u32 s28, $0x1;
	[dreg:$0x2] =	wrdreg s2  }
0xa9: {  	[dreg:$0x3] =	wrdreg s4  }
0xaa: {  	[dreg:$0x4] =	wrdreg $0xC0  }
0xab: {  	_ =	task [dreg:s6], $0x5FFFF  }
0xac: {  	[dreg:$0x1] =	wrdreg $0xFFFFFFFF  }
0xad: {  	[dreg:$0x0] =	wrdreg $0x60  }
0xae: {  	[dreg:$0x2] =	wrdreg s24  }
0xaf: {  	[dreg:$0x3] =	wrdreg $0x58000  }
0xb0: {  	[dreg:$0x4] =	wrdreg $0x9  }
0xb1: {  	_ =	task.clear_ibuf [dreg:s6], $0x5FFFF;
	_ =	strace $0x90000046  }
0xb2: {  	s29 =	simm.s32 $0x9;
	_ =	strace $0x80000048  }
0xb3: {  	_ =	swait.ge [sflag:s29], $0x1  }
0xb4: {  	[sflag:s29] =	ssyncadd.s32 $0xFFFFFFFF  }
0xb5: {  	_ =	strace $0x90000048  }
0xb6: {  	_ =	sfence  }
0xb7: {  	s30 =	sld [smem:$0x0];
	_ =	sdelay $0x2  }
0xb8: {  	s31 =	sshll.u32 s1, $0xD;
	s1 =	sshrl.u32 s1, $0x2  }
0xb9: {  	s3 =	sand.u32 $0x4000, s31;
	s1 =	sadd.s32 s1, s30  }
0xba: {  	s0 =	sor.u32 s3, s0;
	s1 =	sshll.u32 s1, $0x11  }
0xbb: {  	s0 =	sor.u32 s1, s0  }
0xbc: {  	s0 =	sadd.s32 $0x8F2B, s0  }
0xbd: {  	[sflag:s0] =	ssyncadd.remote.s32 $0x1  }
0xbe: {  	_ =	sfence.sel $0xFFFF  }
0xbf: {  	[dreg:$0x0] =	wrdreg $0xFFFFFFFF;
	(pc) =	sbr.abs _section_cstart, $3  }
0xc0: {  	[dreg:$0x1] =	wrdreg $0xFFFFFFFF  }
0xc1: {  	_ =	task.clear_ibuf [dreg:s6], $0x2FFFF;
	_ =	strace $0x9FFFFFFF  }
0xc2: {  	(tm) =	ssettm $0x7FFFFFFF  }
0xc3: {  	_ =	shalt  }
tec
execute0_lowered:
.L_overlay_start_1:
0x0: {  	(tag) =	ssettag $0x1  }
0x1: {  	s4 =	rddreg [dreg:$0x0]  }
0x2: {  	s2 =	rddreg [dreg:$0x1]  }
0x3: {  	s0 =	rddreg [dreg:$0x2]  }
0x4: {  	s1 =	stileid.u32;
	s5 =	srdreg.scid;
	s3 =	simm.s32 $0x0  }
0x5: {  	s12 =	simm.s32 $0x1;
	s13 =	simm.s32 $0x5000;
	s6 =	smul.u32 $0xA00, s1  }
0x6: {  	s14 =	simm.s32 $0x80;
	s18 =	simm.s32 $0x0;
	s7 =	smul.u32 $0xA000, s1  }
0x7: {  	s8 =	sand.u32 $0x1, s5;
	[smem:$0x7FF] =	sst s3;
	s10 =	smul.u32 $0x2800, s1  }
0x8: {  	s31 =	sshll.u32 s1, $0x6;
	s5 =	smul.u32 $0x5000, s8;
	_ =	strace $0x80000047  }
0x9: {  	s28 =	ssub.s32 $0x2, s8;
	s30 =	smul.u32 $0xA000, s8;
	s6 =	sadd.s32 s6, s4  }
0xa: {  	s29 =	sshrl.u32 s28, $0x1;
	s7 =	sshrl.u32 s7, $0x2;
	s16 =	sshrl.u32 s10, $0x3  }
0xb: {  	s17 =	sadd.s32 s10, s2;
	s9 =	sadd.s32 s5, s4;
	s11 =	ssub.s32 s28, s29  }
0xc: {  	s4 =	sadd.s32 $0x1000, s6;
	s5 =	sadd.s32 s7, s2;
	s17 =	sshrl.u32 s17, $0x3  }
0xd: {  	s15 =	sadd.s32 $0xB000, s9;
	s6 =	smax.u32 s11, $0x1;
	s7 =	sadd.s32 $0x800, s5  }
0xe: {  	s8 =	sadd.s32 $0x1000, s5;
	s9 =	sadd.s32 $0x1800, s5;
	s10 =	sadd.s32 $0x2000, s5  }
0xf: {  	v0 =	vimm.f32 $0.0e+00;
	v1 =	vimm.f32 $1.000000000e+00;
	s11 =	sshrl.u32 s30, $0x2;
	s15 =	sadd.s32 s16, s15;
	s16 =	sor.u32 $0x1C01, s31  }
.LBB2_1:
0x10: {  	[tilespmem:s3], [sflag:$0x1] =	stream.linear.gather [hbm4b:s4+s3], $0x5000, $0x38;
	[tilespmem:$0x8000] =	vst v63  }
0x11: {  	_ =	swait.ge [sflag:s12], $0x5000  }
0x12: {  	[sflag:s12] =	ssyncset.done $0x0  }
0x13: {  	s19 =	simm.s32 $0x40;
	s20 =	simm.s32 $0x0;
	[sflag:s12] =	ssyncadd.s32 $0xFFFFB000  }
.LBB2_2:
0x14: {  	p0 =	sne.s32 s19, $0x1FC0;
	[tilespmem:s20+$0x5000] =	vst v0;
	s20 =	smov.u32 s19;
	s19 =	sadd.s32 $0x40, s19  }
.Ltmp0:
0x15: {  	(pc) =	sbr.rel @p0 .LBB2_2-.Ltmp0, $2  }
0x16: {  	_ =	sdelay $0x2  }
0x17: {  	s20 =	sshra.s32 s20, $0x2  }
0x18: {  	[tilespmem:s20+$0x5000] =	vst v0  }
0x19: {  	[spmem:s5] =	stream.linear.scatter [tilespmem:s13], [sflag:$0x1], $0x800, $0x38;
	[tilespmem:$0x8000] =	vst v63  }
0x1a: {  	_ =	swait.ge [sflag:s12], $0x800  }
0x1b: {  	[sflag:s12] =	ssyncset.done $0x0  }
0x1c: {  	[sflag:s12] =	ssyncadd.s32 $0xFFFFF800  }
0x1d: {  	[spmem:s7] =	stream.linear.scatter [tilespmem:s13], [sflag:$0x1], $0x800, $0x38;
	[tilespmem:$0x8000] =	vst v63  }
0x1e: {  	_ =	swait.ge [sflag:s12], $0x800  }
0x1f: {  	[sflag:s12] =	ssyncset.done $0x0  }
0x20: {  	[sflag:s12] =	ssyncadd.s32 $0xFFFFF800  }
0x21: {  	[spmem:s8] =	stream.linear.scatter [tilespmem:s13], [sflag:$0x1], $0x800, $0x38;
	[tilespmem:$0x8000] =	vst v63  }
0x22: {  	_ =	swait.ge [sflag:s12], $0x800  }
0x23: {  	[sflag:s12] =	ssyncset.done $0x0  }
0x24: {  	[sflag:s12] =	ssyncadd.s32 $0xFFFFF800  }
0x25: {  	[spmem:s9] =	stream.linear.scatter [tilespmem:s13], [sflag:$0x1], $0x800, $0x38;
	[tilespmem:$0x8000] =	vst v63  }
0x26: {  	_ =	swait.ge [sflag:s12], $0x800  }
0x27: {  	[sflag:s12] =	ssyncset.done $0x0  }
0x28: {  	[sflag:s12] =	ssyncadd.s32 $0xFFFFF800  }
0x29: {  	[spmem:s10] =	stream.linear.scatter [tilespmem:s13], [sflag:$0x1], $0x800, $0x38;
	[tilespmem:$0x8000] =	vst v63  }
0x2a: {  	_ =	swait.ge [sflag:s12], $0x800  }
0x2b: {  	[sflag:s12] =	ssyncset.done $0x0  }
0x2c: {  	s19 =	simm.s32 $0x40;
	s20 =	simm.s32 $0x0;
	[sflag:s12] =	ssyncadd.s32 $0xFFFFF800  }
.LBB2_4:
0x2d: {  	p0 =	sne.s32 s19, $0x1FC0;
	[tilespmem:s20+$0x5000] =	vst v1;
	s20 =	smov.u32 s19;
	s19 =	sadd.s32 $0x40, s19  }
.Ltmp1:
0x2e: {  	(pc) =	sbr.rel @p0 .LBB2_4-.Ltmp1, $2  }
0x2f: {  	_ =	sdelay $0x2  }
0x30: {  	s20 =	sshra.s32 s20, $0x2  }
0x31: {  	[tilespmem:s20+$0x5000] =	vst v1  }
0x32: {  	s19 =	sadd.s32 $0x0, s11;
	[bflag:$0x0] =	sbarrier.arrive $0xFFFF  }
0x33: {  	[spmem:s2] =	stream.indirect.scatter.add.f32 [tilespmem:s13], [sflag:$0x1], $0x10, s19, s14, $0xb8;
	[tilespmem:$0x8000] =	vst v63  }
0x34: {  	s19 =	simm.s32 $0x200;
	_ =	swait.ge [sflag:s12], $0x800  }
.LBB2_6:
0x35: {  	s20 =	sshra.s32 s19, $0x2;
	[sflag:s12] =	ssyncset.done $0x0;
	p0 =	sne.s32 s19, $0x9E00  }
.Ltmp2:
0x36: {  	s20 =	sadd.s32 s20, s11;
	[sflag:s12] =	ssyncadd.s32 $0xFFFFF800;
	(pc) =	sbr.rel @p0 .LBB2_6-.Ltmp2, $3  }
0x37: {  	[spmem:s2] =	stream.indirect.scatter.add.f32 [tilespmem:s13], [sflag:$0x1], $0x10, s20, s14, $0xb8;
	[tilespmem:$0x8000] =	vst v63  }
0x38: {  	s19 =	sadd.s32 $0x200, s19;
	_ =	sdelay $0x1  }
0x39: {  	_ =	swait.ge [sflag:s12], $0x800  }
0x3a: {  	[sflag:s12] =	ssyncset.done $0x0;
	s18 =	sadd.s32 $0x1, s18  }
0x3b: {  	[sflag:s12] =	ssyncadd.s32 $0xFFFFF800;
	p0 =	sne.s32 s18, s6  }
.Ltmp3:
0x3c: {  	[bflag:$0x0] =	sbarrier.arrive $0xFFFF;
	(pc) =	sbr.rel @p0 .LBB2_1-.Ltmp3, $4  }
0x3d: {  	[hbm:s15], [sflag:s16] =	dma.local [spmem:s17], $0x500  }
0x3e: {  	_ =	swait.ge [sflag:s12], $0x500  }
0x3f: {  	[sflag:s12] =	ssyncset.done $0x0  }
0x40: {  	[sflag:s12] =	ssyncadd.s32 $0xFFFFFB00  }
0x41: {  	_ =	sfence.sel $0x180000  }
0x42: {  	[bflag:$0x0] =	sbarrier.arrive $0xFFFF  }
0x43: {  	p0 =	sne.s32 s1, $0x0;
	_ =	strace $0x90000047  }
0x44: {  	s0 =	sadd.s32 @!p0 $0x100000, s0;
	[bflag:$0x2] =	sbarrier.arrive $0xFFFF  }
0x45: {  	[sflag:s0] =	ssyncadd.tile.s32 @!p0 $0x1;
	_ =	shalt  }
.Lfunc_end2:
_tile_overlayer_lowered:
.L_overlay_start_2:
0x46: {  	(tag) =	ssettag $0x2  }
0x47: {  	s0 =	rddreg [dreg:$0x0];
	s2 =	stileid.u32  }
0x48: {  	s1 =	rddreg [dreg:$0x1];
	p0 =	sne.s32 s2, $0x0  }
0x49: {  	s3 =	rddreg [dreg:$0x2];
	[bflag:$0x3] =	sbarrier.arrive $0xFFFF;
	s2 =	simm.s32 @!p0 $0x1C01  }
0x4a: {  	[timem:s3], [sflag:s2] =	dma.local @!p0 [hbm:s0], s1  }
0x4b: {  	s0 =	simm.s32 @!p0 $0x1  }
0x4c: {  	_ =	swait.ge @!p0 [sflag:s0], s1  }
0x4d: {  	s1 =	ssub.s32 @!p0 $0x0, s1;
	[sflag:s0] =	ssyncset.done @!p0 $0x0  }
0x4e: {  	[sflag:s0] =	ssyncadd.s32 @!p0 s1  }
0x4f: {  	[bflag:$0x3] =	sbarrier.arrive $0xFFFF  }
0x50: {  	_ =	shalt  }

// kernel: kernel.13.cloned.1.call-start
scs
__scs_entry_jumppad:
0x0: {  	(pc) =	sbr.rel $0x88, $3  }
0x1: {  	(tag) =	ssettag $0x0;
	lr =	simm.s32 $0x1  }
0x2: {  	[smem:$0x3F8E] =	sst lr;
	_ =	strace $0xD0000000  }
0x3: {  	_ = 	snop  }
0x4: {  	_ = 	snop  }
0x5: {  	_ = 	snop  }
0x6: {  	_ = 	snop  }
0x7: {  	_ = 	snop  }
__scs_overlays_trampoline_lowered:
0x8: {  	[smem:$0x3F9D] =	sst s0  }
0x9: {  	[smem:$0x3F9E] =	sst s1  }
0xa: {  	[smem:$0x3F9F] =	sst s2  }
0xb: {  	[smem:$0x3FA0] =	sst s3  }
0xc: {  	[smem:$0x3FA1] =	sst s4  }
0xd: {  	[smem:$0x3FA2] =	sst s5  }
0xe: {  	[smem:$0x3FA3] =	sst s6  }
0xf: {  	[smem:$0x3FA4] =	sst s7  }
0x10: {  	[smem:$0x3FA5] =	sst s8  }
0x11: {  	[smem:$0x3FA6] =	sst s9;
	s0 =	simm.s32 @!p0 $0x0  }
0x12: {  	s1 =	sld [smem:$0x3F8C];
	s0 =	simm.s32 @p0 $0x1  }
0x13: {  	[smem:$0x3FA7] =	sst s0;
	s0 =	simm.s32 @!p1 $0x0  }
0x14: {  	s2 =	sld [smem:$0x3F8B];
	s0 =	simm.s32 @p1 $0x1  }
0x15: {  	[smem:$0x3FA8] =	sst s0;
	s0 =	simm.s32 @!p2 $0x0  }
0x16: {  	s3 =	sld [smem:$0x3FDB];
	s0 =	simm.s32 @p2 $0x1  }
0x17: {  	s4 =	simm.s32 $0x1BF5;
	[smem:$0x3FAA] =	sst s0  }
0x18: {  	s0 =	sld [smem:$0x3F8D];
	_ =	swait.ge [sflag:s4], $0x0  }
0x19: {  	s7 =	sld [smem:$0x3F8E]  }
0x1a: {  	s8 =	sadd.s32 $0xFFFFE003, lr  }
0x1b: {  	s9 =	sadd.s32 $0xFFFFFEF7, lr;
	s5 =	simm.s32 $0xFFFFFFFF;
	p2 =	slt.u32 s8, $0xFFFFF086  }
0x1c: {  	p1 =	slt.u32 s9, $0xF7A;
	s5 =	simm.s32 @!p2 $0x0  }
0x1d: {  	s5 =	simm.s32 @p1 $0x1;
	p0 =	seq.s32 s7, s2  }
0x1e: {  	s7 =	smul.u32 @!p0 $0xF7A, s2;
	p2 =	seq.s32 @!p0 s5, $0x0  }
0x1f: {  	s9 =	smul.u32 $0xF7A, s1;
	s8 =	simm.s32 @!p0 $0x1BF5;
	p2 =	por !p2, p0  }
0x20: {  	[sflag:s8] =	ssyncset.s32 @!p0 $0xFFFFF086;
	s6 =	sadd.s32 @!p0 s3, s7;
	s7 =	simm.s32 @!p0 $0x108  }
0x21: {  	s3 =	sadd.s32 s3, s9;
	s6 =	sadd.s32 @!p0 $0x88, s6;
	s7 =	simm.s32 @p2 $0x1082  }
0x22: {  	[simem:s7], [sflag:s8] =	dma.local @!p0 [hbm:s6], $0xF7A  }
0x23: {  	s9 =	sor.u32 $0xD0000000, s2;
	s6 =	simm.s32 $0x108;
	_ =	swait.ge @!p0 [sflag:s8], $0x0  }
0x24: {  	s3 =	sadd.s32 $0x88, s3;
	s6 =	simm.s32 @!p1 $0x1082;
	[sflag:s4] =	ssyncset.s32 $0xFFFFF086  }
0x25: {  	[simem:s6], [sflag:s4] =	dma.local [hbm:s3], $0xF7A  }
0x26: {  	[smem:$0x3F8E] =	sst s1;
	(tag) =	ssettag s2;
	_ =	strace s9  }
0x27: {  	s1 =	sld [smem:$0x3F9E]  }
0x28: {  	s2 =	sld [smem:$0x3F9F]  }
0x29: {  	s4 =	sld [smem:$0x3FA1]  }
0x2a: {  	p0 =	seq.s32 s5, $0x0;
	s5 =	sld [smem:$0x3FA2]  }
0x2b: {  	s6 =	sld [smem:$0x3FA3]  }
0x2c: {  	s7 =	sld [smem:$0x3FA4]  }
0x2d: {  	s3 =	simm.s32 $0x108;
	s8 =	sld [smem:$0x3FA5]  }
0x2e: {  	s3 =	simm.s32 @!p0 $0x1082;
	s9 =	sld [smem:$0x3FA6]  }
0x2f: {  	lr =	sadd.s32 s0, s3;
	s0 =	sld [smem:$0x3F9D]  }
0x30: {  	s3 =	sld [smem:$0x3FA0]  }
0x31: {  	[smem:$0x3FA9] =	sst s10  }
0x32: {  	s10 =	sld [smem:$0x3FA7];
	_ =	sdelay $0x3  }
0x33: {  	p0 =	seq.s32 s10, $0x1;
	s10 =	sld [smem:$0x3FA9];
	_ =	sdelay $0x3  }
0x34: {  	[smem:$0x3FA9] =	sst s10  }
0x35: {  	s10 =	sld [smem:$0x3FA8];
	_ =	sdelay $0x3  }
0x36: {  	p1 =	seq.s32 s10, $0x1;
	s10 =	sld [smem:$0x3FA9];
	_ =	sdelay $0x3  }
0x37: {  	[smem:$0x3FA9] =	sst s10  }
0x38: {  	s10 =	sld [smem:$0x3FAA]  }
0x39: {  	_ = 	snop;
	(pc) =	sbr.ind lr, $3  }
0x3a: {  	_ = 	snop  }
0x3b: {  	_ = 	snop  }
0x3c: {  	p2 =	seq.s32 s10, $0x1;
	s10 =	sld [smem:$0x3FA9]  }
0x3d: {  	_ =	shalt  }
0x3e: {  	_ =	shalt  }
0x3f: {  	_ =	shalt  }
0x40: {  	_ =	shalt  }
0x41: {  	_ =	shalt  }
0x42: {  	_ =	shalt  }
0x43: {  	_ =	shalt  }
0x44: {  	_ =	shalt  }
0x45: {  	_ =	shalt  }
0x46: {  	_ =	shalt  }
0x47: {  	_ =	shalt  }
0x48: {  	_ =	shalt  }
0x49: {  	_ =	shalt  }
0x4a: {  	_ =	shalt  }
0x4b: {  	_ =	shalt  }
0x4c: {  	_ =	shalt  }
0x4d: {  	_ =	shalt  }
0x4e: {  	_ =	shalt  }
0x4f: {  	_ =	shalt  }
0x50: {  	_ =	shalt  }
0x51: {  	_ =	shalt  }
0x52: {  	_ =	shalt  }
0x53: {  	_ =	shalt  }
0x54: {  	_ =	shalt  }
0x55: {  	_ =	shalt  }
0x56: {  	_ =	shalt  }
0x57: {  	_ =	shalt  }
0x58: {  	_ =	shalt  }
0x59: {  	_ =	shalt  }
0x5a: {  	_ =	shalt  }
0x5b: {  	_ =	shalt  }
0x5c: {  	_ =	shalt  }
0x5d: {  	_ =	shalt  }
0x5e: {  	_ =	shalt  }
0x5f: {  	_ =	shalt  }
0x60: {  	_ =	shalt  }
0x61: {  	_ =	shalt  }
0x62: {  	_ =	shalt  }
0x63: {  	_ =	shalt  }
0x64: {  	_ =	shalt  }
0x65: {  	_ =	shalt  }
0x66: {  	_ =	shalt  }
0x67: {  	_ =	shalt  }
0x68: {  	_ =	shalt  }
0x69: {  	_ =	shalt  }
0x6a: {  	_ =	shalt  }
0x6b: {  	_ =	shalt  }
0x6c: {  	_ =	shalt  }
0x6d: {  	_ =	shalt  }
0x6e: {  	_ =	shalt  }
0x6f: {  	_ =	shalt  }
0x70: {  	_ =	shalt  }
0x71: {  	_ =	shalt  }
0x72: {  	_ =	shalt  }
0x73: {  	_ =	shalt  }
0x74: {  	_ =	shalt  }
0x75: {  	_ =	shalt  }
0x76: {  	_ =	shalt  }
0x77: {  	_ =	shalt  }
0x78: {  	_ =	shalt  }
0x79: {  	_ =	shalt  }
0x7a: {  	_ =	shalt  }
0x7b: {  	_ =	shalt  }
0x7c: {  	_ =	shalt  }
0x7d: {  	_ =	shalt  }
0x7e: {  	_ =	shalt  }
0x7f: {  	_ =	shalt  }
0x80: {  	_ =	shalt  }
0x81: {  	_ =	shalt  }
0x82: {  	_ =	shalt  }
0x83: {  	_ =	shalt  }
0x84: {  	_ =	shalt  }
0x85: {  	_ =	shalt  }
0x86: {  	_ =	shalt  }
0x87: {  	_ =	shalt  }
.Lfunc_end0:
.L_simem_size_0:
called_computation.1_lowered:
.L_overlay_start_0:
0x88: {  	s2 =	sld [smem:$0x3FD9]  }
0x89: {  	s3 =	sld [smem:$0x3FFE];
	_ =	sdelay $0x1  }
0x8a: {  	s1 =	srdreg.scid  }
0x8b: {  	s0 =	sand.u32 $0x1, s1  }
0x8c: {  	s16 =	sshll.u32 s0, $0xA;
	s2 =	sadd.s32 s3, s2  }
0x8d: {  	s2 =	sadd.s32 s2, s16  }
0x8e: {  	[smem:$0x3FB5] =	sst s2  }
0x8f: {  	_ = 	snop  }
0x90: {  	(tm) =	ssettm $0x1  }
0x91: {  	s17 =	sld [smem:$0x3FFB];
	_ =	sdelay $0x3  }
0x92: {  	_ =	strace s17  }
0x93: {  	s2 =	sld [smem:$0x3FFC];
	_ =	sdelay $0x3  }
0x94: {  	_ =	strace s2  }
0x95: {  	s2 =	sld [smem:$0x3FFD];
	_ =	sdelay $0x3  }
0x96: {  	_ =	strace s2  }
0x97: {  	_ =	strace $0x8FFFFFFF  }
0x98: {  	s18 =	sld [smem:$0x3FDB];
	_ =	sdelay $0x1  }
0x99: {  	s19 =	simm.s32 $_scs_section_size  }
0x9a: {  	s4 =	simm.s32 $_size__tile_overlayer_lowered;
	s5 =	simm.s32 $_tile_overlayer_lowered  }
0x9b: {  	s22 =	simm.s32 $0x1BFF;
	s21 =	sshll.u32 s5, $0x1;
	s2 =	sadd.s32 s19, s18  }
0x9c: {  	s6 =	simm.s32 $0x0;
	s20 =	sshll.u32 s4, $0x1;
	s4 =	sadd.s32 s21, s2  }
0x9d: {  	[timem:s6], [sflag:s22] =	dma.local [hbm:s4], s20  }
0x9e: {  	_ =	swait.ge [sflag:s22], s20  }
0x9f: {  	s3 =	ssub.s32 $0x0, s20;
	[sflag:s22] =	ssyncset.done $0x0  }
0xa0: {  	[sflag:s22] =	ssyncadd.s32 s3;
	_ =	sdelay $0x1  }
0xa1: {  	s23 =	simm.s32 $0x1B8B  }
0xa2: {  	_ =	swait.ge [sflag:s23], $0x1  }
0xa3: {  	[sflag:s23] =	ssyncset.done $0x0  }
0xa4: {  	s25 =	simm.s32 $0x1B8E;
	s24 =	sld [smem:$0x3FFE];
	[sflag:s23] =	ssyncadd.s32 $0xFFFFFFFF  }
0xa5: {  	s26 =	simm.s32 $execute0_lowered;
	[smem:$0x3FD2] =	sst s25  }
0xa6: {  	s4 =	sshll.u32 s26, $0x1;
	_ =	strace $0x80000049;
	[dreg:$0x1] =	wrdreg $0xFFFFFFFF  }
0xa7: {  	s28 =	simm.s32 $_size_execute0_lowered;
	s2 =	sadd.s32 s2, s4;
	[dreg:$0x0] =	wrdreg $0x0  }
0xa8: {  	s4 =	sshll.u32 s28, $0x1;
	[dreg:$0x2] =	wrdreg s2  }
0xa9: {  	[dreg:$0x3] =	wrdreg s4  }
0xaa: {  	[dreg:$0x4] =	wrdreg $0xC0  }
0xab: {  	_ =	task [dreg:s6], $0x5FFFF  }
0xac: {  	[dreg:$0x1] =	wrdreg $0xFFFFFFFF  }
0xad: {  	[dreg:$0x0] =	wrdreg $0x60  }
0xae: {  	[dreg:$0x2] =	wrdreg s24  }
0xaf: {  	[dreg:$0x3] =	wrdreg $0xE0000  }
0xb0: {  	[dreg:$0x4] =	wrdreg $0x9  }
0xb1: {  	_ =	task.clear_ibuf [dreg:s6], $0x5FFFF;
	_ =	strace $0x90000049  }
0xb2: {  	s29 =	simm.s32 $0x9;
	_ =	strace $0x8000004B  }
0xb3: {  	_ =	swait.ge [sflag:s29], $0x1  }
0xb4: {  	[sflag:s29] =	ssyncadd.s32 $0xFFFFFFFF  }
0xb5: {  	_ =	strace $0x9000004B  }
0xb6: {  	_ =	sfence  }
0xb7: {  	s30 =	sld [smem:$0x0];
	_ =	sdelay $0x2  }
0xb8: {  	s31 =	sshll.u32 s1, $0xD;
	s1 =	sshrl.u32 s1, $0x2  }
0xb9: {  	s3 =	sand.u32 $0x4000, s31;
	s1 =	sadd.s32 s1, s30  }
0xba: {  	s0 =	sor.u32 s3, s0;
	s1 =	sshll.u32 s1, $0x11  }
0xbb: {  	s0 =	sor.u32 s1, s0  }
0xbc: {  	s0 =	sadd.s32 $0x8F2B, s0  }
0xbd: {  	[sflag:s0] =	ssyncadd.remote.s32 $0x1  }
0xbe: {  	_ =	sfence.sel $0xFFFF  }
0xbf: {  	[dreg:$0x0] =	wrdreg $0xFFFFFFFF;
	(pc) =	sbr.abs _section_cstart, $3  }
0xc0: {  	[dreg:$0x1] =	wrdreg $0xFFFFFFFF  }
0xc1: {  	_ =	task.clear_ibuf [dreg:s6], $0x2FFFF;
	_ =	strace $0x9FFFFFFF  }
0xc2: {  	(tm) =	ssettm $0x7FFFFFFF  }
0xc3: {  	_ =	shalt  }
tec
execute0_lowered:
.L_overlay_start_1:
0x0: {  	(tag) =	ssettag $0x1  }
0x1: {  	s4 =	rddreg [dreg:$0x0]  }
0x2: {  	s1 =	rddreg [dreg:$0x1];
	s2 =	simm.s32 $0x0;
	s3 =	srdreg.scid  }
0x3: {  	s13 =	simm.s32 $0x5000;
	s14 =	simm.s32 $0xA000;
	s15 =	simm.s32 $0x4  }
0x4: {  	s16 =	simm.s32 $0x3;
	s17 =	simm.s32 $0x80;
	s5 =	sand.u32 $0x1, s3  }
0x5: {  	s18 =	simm.s32 $0xC000;
	s3 =	stileid.u32;
	s6 =	smul.u32 $0x13880, s5  }
0x6: {  	s19 =	simm.s32 $0x1;
	s20 =	simm.s32 $0x2;
	s7 =	smul.u32 $0xA00, s3  }
0x7: {  	s21 =	simm.s32 $0x4F80;
	s22 =	simm.s32 $0x9F00;
	s29 =	smul.u32 $0x14000, s5  }
0x8: {  	s26 =	simm.s32 $0x0;
	[smem:$0x7FF] =	sst s2;
	s10 =	smul.u32 $0x28000, s3  }
0x9: {  	_ =	strace $0x8000004A;
	s5 =	ssub.s32 $0x2, s5;
	s31 =	smul.u32 $0xA000, s3  }
0xa: {  	s9 =	sshrl.u32 s5, $0x1;
	s8 =	sadd.s32 s6, s4;
	s7 =	sadd.s32 s7, s4  }
0xb: {  	s11 =	sadd.s32 s29, s4;
	s9 =	ssub.s32 s5, s9;
	s30 =	sshrl.u32 s10, $0x2  }
0xc: {  	s24 =	sshrl.u32 s31, $0x3;
	s25 =	sadd.s32 s31, s1;
	s4 =	sadd.s32 $0x15000, s7  }
0xd: {  	s5 =	sadd.s32 $0x1000, s7;
	s6 =	sadd.s32 s30, s1;
	s7 =	sadd.s32 $0x1F000, s8  }
0xe: {  	s23 =	sadd.s32 $0x46200, s11;
	s8 =	smax.u32 s9, $0x1;
	s25 =	sshrl.u32 s25, $0x3  }
0xf: {  	s9 =	sadd.s32 $0x2000, s6;
	s10 =	sadd.s32 $0x4000, s6;
	s11 =	sadd.s32 $0x6000, s6  }
0x10: {  	v0 =	vimm.f32 $0.0e+00;
	s12 =	sadd.s32 $0x8000, s6;
	s23 =	sadd.s32 s24, s23;
	s24 =	simm.s32 $0x9F80  }
.LBB2_1:
0x11: {  	[tilespmem:s2], [sflag:$0x3] =	stream.linear.gather [hbm4b:s4+s2], $0x5000, $0x38;
	[tilespmem:$0x18000] =	vst v63  }
0x12: {  	s29 =	simm.s32 $0x100;
	s28 =	simm.s32 $0x0  }
0x13: {  	[tilespmem:s13], [sflag:$0x3] =	stream.linear.gather [hbm4b:s5+s2], $0x5000, $0x38;
	[tilespmem:$0x18000] =	vst v63  }
.LBB2_2:
0x14: {  	p0 =	sne.s32 s29, $0x7F00;
	[tilespmem:s28+$0xA030] =	vst v0;
	s30 =	smov.u32 s29;
	s29 =	sadd.s32 $0x100, s29  }
.Ltmp0:
0x15: {  	[tilespmem:s28+$0xA020] =	vst v0;
	(pc) =	sbr.rel @p0 .LBB2_2-.Ltmp0, $3  }
0x16: {  	[tilespmem:s28+$0xA000] =	vst v0  }
0x17: {  	[tilespmem:s28+$0xA010] =	vst v0;
	_ =	sdelay $0x1  }
0x18: {  	s28 =	sshra.s32 s30, $0x2  }
0x19: {  	[tilespmem:s28+$0xA030] =	vst v0  }
0x1a: {  	[tilespmem:s28+$0xA020] =	vst v0  }
0x1b: {  	[tilespmem:s28+$0xA000] =	vst v0  }
0x1c: {  	[tilespmem:s28+$0xA010] =	vst v0  }
0x1d: {  	[spmem:s6] =	stream.linear.scatter [tilespmem:s14], [sflag:$0x4], $0x2000, $0x38;
	[tilespmem:$0x18000] =	vst v63  }
0x1e: {  	_ =	swait.ge [sflag:s15], $0x2000  }
0x1f: {  	[sflag:s15] =	ssyncset.done $0x0  }
0x20: {  	[sflag:s15] =	ssyncadd.s32 $0xFFFFE000  }
0x21: {  	[spmem:s9] =	stream.linear.scatter [tilespmem:s14], [sflag:$0x4], $0x2000, $0x38;
	[tilespmem:$0x18000] =	vst v63  }
0x22: {  	_ =	swait.ge [sflag:s15], $0x2000  }
0x23: {  	[sflag:s15] =	ssyncset.done $0x0  }
0x24: {  	[sflag:s15] =	ssyncadd.s32 $0xFFFFE000  }
0x25: {  	[spmem:s10] =	stream.linear.scatter [tilespmem:s14], [sflag:$0x4], $0x2000, $0x38;
	[tilespmem:$0x18000] =	vst v63  }
0x26: {  	_ =	swait.ge [sflag:s15], $0x2000  }
0x27: {  	[sflag:s15] =	ssyncset.done $0x0  }
0x28: {  	[sflag:s15] =	ssyncadd.s32 $0xFFFFE000  }
0x29: {  	[spmem:s11] =	stream.linear.scatter [tilespmem:s14], [sflag:$0x4], $0x2000, $0x38;
	[tilespmem:$0x18000] =	vst v63  }
0x2a: {  	_ =	swait.ge [sflag:s15], $0x2000  }
0x2b: {  	[sflag:s15] =	ssyncset.done $0x0  }
0x2c: {  	[sflag:s15] =	ssyncadd.s32 $0xFFFFE000  }
0x2d: {  	[spmem:s12] =	stream.linear.scatter [tilespmem:s14], [sflag:$0x4], $0x2000, $0x38;
	[tilespmem:$0x18000] =	vst v63  }
0x2e: {  	_ =	swait.ge [sflag:s15], $0x2000  }
0x2f: {  	[sflag:s15] =	ssyncset.done $0x0  }
0x30: {  	[sflag:s15] =	ssyncadd.s32 $0xFFFFE000  }
0x31: {  	_ =	swait.ge [sflag:s16], $0x5000  }
0x32: {  	[sflag:s16] =	ssyncset.done $0x0  }
0x33: {  	[sflag:s16] =	ssyncadd.s32 $0xFFFFB000  }
0x34: {  	_ =	swait.ge [sflag:s16], $0x5000  }
0x35: {  	[sflag:s16] =	ssyncset.done $0x0  }
0x36: {  	[sflag:s16] =	ssyncadd.s32 $0xFFFFB000  }
0x37: {  	s28 =	simm.s32 $0x0;
	[bflag:$0x0] =	sbarrier.arrive $0xFFFF  }
0x38: {  	[tilespmem:s14], [sflag:$0x1] =	stream.indirect.gather [hbm4b:s7+s17], $0x40, s28, s17, $0xb8;
	[tilespmem:$0x18000] =	vst v63  }
0x39: {  	s28 =	simm.s32 $0x80  }
0x3a: {  	[tilespmem:s18], [sflag:$0x2] =	stream.indirect.gather [hbm4b:s7+s17], $0x40, s28, s17, $0xb8;
	[tilespmem:$0x18000] =	vst v63  }
0x3b: {  	_ =	swait.ge [sflag:s19], $0x2000  }
0x3c: {  	[sflag:s19] =	ssyncset.done $0x0  }
0x3d: {  	s28 =	simm.s32 $0x5000;
	[sflag:s19] =	ssyncadd.s32 $0xFFFFE000  }
0x3e: {  	[spmem:s1] =	stream.indirect.scatter.add.f32 [tilespmem:s14], [sflag:$0x4], $0x40, s28, s17, $0xb8;
	[tilespmem:$0x18000] =	vst v63  }
0x3f: {  	_ =	swait.ge [sflag:s15], $0x2000  }
0x40: {  	[sflag:s15] =	ssyncset.done $0x0  }
0x41: {  	s28 =	simm.s32 $0x100;
	[sflag:s15] =	ssyncadd.s32 $0xFFFFE000  }
0x42: {  	[tilespmem:s14], [sflag:$0x1] =	stream.indirect.gather [hbm4b:s7+s17], $0x40, s28, s17, $0xb8;
	[tilespmem:$0x18000] =	vst v63  }
0x43: {  	_ =	swait.ge [sflag:s20], $0x2000  }
0x44: {  	[sflag:s20] =	ssyncset.done $0x0  }
0x45: {  	s28 =	simm.s32 $0x5080;
	[sflag:s20] =	ssyncadd.s32 $0xFFFFE000  }
0x46: {  	[spmem:s1] =	stream.indirect.scatter.add.f32 [tilespmem:s18], [sflag:$0x4], $0x40, s28, s17, $0xb8;
	[tilespmem:$0x18000] =	vst v63  }
0x47: {  	_ =	swait.ge [sflag:s15], $0x2000  }
0x48: {  	s29 =	simm.s32 $0x800;
	s28 =	simm.s32 $0x100;
	[sflag:s15] =	ssyncset.done $0x0  }
.LBB2_4:
0x49: {  	s30 =	sadd.s32 $0x80, s28  }
0x4a: {  	[sflag:s15] =	ssyncadd.s32 $0xFFFFE000;
	s31 =	smov.u32 s29;
	s0 =	sadd.s32 $0x400, s29  }
0x4b: {  	[tilespmem:s18], [sflag:$0x2] =	stream.indirect.gather [hbm4b:s7+s17], $0x40, s30, s17, $0xb8;
	[tilespmem:$0x18000] =	vst v63  }
0x4c: {  	p0 =	sne.s32 s29, $0x13800;
	_ =	swait.ge [sflag:s19], $0x2000  }
0x4d: {  	[sflag:s19] =	ssyncset.done $0x0  }
0x4e: {  	s29 =	sadd.s32 $0x5000, s28;
	[sflag:s19] =	ssyncadd.s32 $0xFFFFE000  }
0x4f: {  	[spmem:s1] =	stream.indirect.scatter.add.f32 [tilespmem:s14], [sflag:$0x4], $0x40, s29, s17, $0xb8;
	[tilespmem:$0x18000] =	vst v63  }
0x50: {  	_ =	swait.ge [sflag:s15], $0x2000  }
0x51: {  	[sflag:s15] =	ssyncset.done $0x0  }
0x52: {  	s29 =	sadd.s32 $0x100, s28;
	[sflag:s15] =	ssyncadd.s32 $0xFFFFE000  }
0x53: {  	[tilespmem:s14], [sflag:$0x1] =	stream.indirect.gather [hbm4b:s7+s17], $0x40, s29, s17, $0xb8;
	[tilespmem:$0x18000] =	vst v63  }
0x54: {  	_ =	swait.ge [sflag:s20], $0x2000  }
.Ltmp1:
0x55: {  	[sflag:s20] =	ssyncset.done $0x0;
	(pc) =	sbr.rel @p0 .LBB2_4-.Ltmp1, $4  }
0x56: {  	s28 =	sadd.s32 $0x5080, s28;
	[sflag:s20] =	ssyncadd.s32 $0xFFFFE000  }
0x57: {  	[spmem:s1] =	stream.indirect.scatter.add.f32 [tilespmem:s18], [sflag:$0x4], $0x40, s28, s17, $0xb8;
	[tilespmem:$0x18000] =	vst v63  }
0x58: {  	_ =	swait.ge [sflag:s15], $0x2000  }
0x59: {  	s29 =	smov.u32 s0;
	s28 =	sshra.s32 s31, $0x2;
	[sflag:s15] =	ssyncset.done $0x0  }
0x5a: {  	s0 =	sadd.s32 $0x80, s28;
	[sflag:s15] =	ssyncadd.s32 $0xFFFFE000  }
0x5b: {  	[tilespmem:s18], [sflag:$0x2] =	stream.indirect.gather [hbm4b:s7+s17], $0x40, s0, s17, $0xb8;
	[tilespmem:$0x18000] =	vst v63  }
0x5c: {  	_ =	swait.ge [sflag:s19], $0x2000  }
0x5d: {  	[sflag:s19] =	ssyncset.done $0x0  }
0x5e: {  	s31 =	sadd.s32 $0x5000, s28;
	[sflag:s19] =	ssyncadd.s32 $0xFFFFE000  }
0x5f: {  	[spmem:s1] =	stream.indirect.scatter.add.f32 [tilespmem:s14], [sflag:$0x4], $0x40, s31, s17, $0xb8;
	[tilespmem:$0x18000] =	vst v63  }
0x60: {  	_ =	swait.ge [sflag:s15], $0x2000  }
0x61: {  	[sflag:s15] =	ssyncset.done $0x0  }
0x62: {  	s29 =	sadd.s32 $0x100, s28;
	[sflag:s15] =	ssyncadd.s32 $0xFFFFE000  }
0x63: {  	[tilespmem:s14], [sflag:$0x1] =	stream.indirect.gather [hbm4b:s7+s17], $0x40, s29, s17, $0xb8;
	[tilespmem:$0x18000] =	vst v63  }
0x64: {  	_ =	swait.ge [sflag:s20], $0x2000  }
0x65: {  	[sflag:s20] =	ssyncset.done $0x0  }
0x66: {  	s30 =	sadd.s32 $0x5080, s28;
	[sflag:s20] =	ssyncadd.s32 $0xFFFFE000  }
0x67: {  	[spmem:s1] =	stream.indirect.scatter.add.f32 [tilespmem:s18], [sflag:$0x4], $0x40, s30, s17, $0xb8;
	[tilespmem:$0x18000] =	vst v63  }
0x68: {  	_ =	swait.ge [sflag:s15], $0x2000  }
0x69: {  	[sflag:s15] =	ssyncset.done $0x0  }
0x6a: {  	[sflag:s15] =	ssyncadd.s32 $0xFFFFE000  }
0x6b: {  	[tilespmem:s18], [sflag:$0x2] =	stream.indirect.gather [hbm4b:s7+s17], $0x40, s21, s17, $0xb8;
	[tilespmem:$0x18000] =	vst v63  }
0x6c: {  	_ =	swait.ge [sflag:s19], $0x2000  }
0x6d: {  	[sflag:s19] =	ssyncset.done $0x0  }
0x6e: {  	[sflag:s19] =	ssyncadd.s32 $0xFFFFE000  }
0x6f: {  	[spmem:s1] =	stream.indirect.scatter.add.f32 [tilespmem:s14], [sflag:$0x4], $0x40, s22, s17, $0xb8;
	[tilespmem:$0x18000] =	vst v63  }
0x70: {  	_ =	swait.ge [sflag:s15], $0x2000  }
0x71: {  	[sflag:s15] =	ssyncset.done $0x0  }
0x72: {  	[sflag:s15] =	ssyncadd.s32 $0xFFFFE000  }
0x73: {  	_ =	swait.ge [sflag:s20], $0x2000  }
0x74: {  	[sflag:s20] =	ssyncset.done $0x0  }
0x75: {  	[sflag:s20] =	ssyncadd.s32 $0xFFFFE000  }
0x76: {  	[spmem:s1] =	stream.indirect.scatter.add.f32 [tilespmem:s18], [sflag:$0x4], $0x40, s24, s17, $0xb8;
	[tilespmem:$0x18000] =	vst v63  }
0x77: {  	_ =	swait.ge [sflag:s15], $0x2000  }
0x78: {  	s26 =	sadd.s32 $0x1, s26;
	[sflag:s15] =	ssyncset.done $0x0  }
0x79: {  	p0 =	sne.s32 s26, s8;
	s31 =	sshll.u32 s3, $0x6;
	[sflag:s15] =	ssyncadd.s32 $0xFFFFE000  }
.Ltmp2:
0x7a: {  	s0 =	sor.u32 $0x1C04, s31;
	[bflag:$0x0] =	sbarrier.arrive $0xFFFF;
	(pc) =	sbr.rel @p0 .LBB2_1-.Ltmp2, $4  }
0x7b: {  	[hbm:s23], [sflag:s0] =	dma.local [spmem:s25], $0x1400  }
0x7c: {  	_ =	swait.ge [sflag:s15], $0x1400  }
0x7d: {  	[sflag:s15] =	ssyncset.done $0x0  }
0x7e: {  	[sflag:s15] =	ssyncadd.s32 $0xFFFFEC00  }
0x7f: {  	_ =	sfence.sel $0x180000  }
0x80: {  	[bflag:$0x0] =	sbarrier.arrive $0xFFFF  }
0x81: {  	_ =	strace $0x9000004A  }
0x82: {  	[bflag:$0x2] =	sbarrier.arrive $0xFFFF  }
0x83: {  	p0 =	sne.s32 s3, $0x0;
	s0 =	rddreg [dreg:$0x2]  }
0x84: {  	s0 =	sadd.s32 @!p0 $0x100000, s0  }
0x85: {  	[sflag:s0] =	ssyncadd.tile.s32 @!p0 $0x1;
	_ =	shalt  }
.Lfunc_end2:
_tile_overlayer_lowered:
.L_overlay_start_2:
0x86: {  	(tag) =	ssettag $0x2  }
0x87: {  	s0 =	rddreg [dreg:$0x0];
	s2 =	stileid.u32  }
0x88: {  	s1 =	rddreg [dreg:$0x1];
	p0 =	sne.s32 s2, $0x0  }
0x89: {  	s3 =	rddreg [dreg:$0x2];
	[bflag:$0x3] =	sbarrier.arrive $0xFFFF;
	s2 =	simm.s32 @!p0 $0x1C04  }
0x8a: {  	[timem:s3], [sflag:s2] =	dma.local @!p0 [hbm:s0], s1  }
0x8b: {  	s0 =	simm.s32 @!p0 $0x4  }
0x8c: {  	_ =	swait.ge @!p0 [sflag:s0], s1  }
0x8d: {  	s1 =	ssub.s32 @!p0 $0x0, s1;
	[sflag:s0] =	ssyncset.done @!p0 $0x0  }
0x8e: {  	[sflag:s0] =	ssyncadd.s32 @!p0 s1  }
0x8f: {  	[bflag:$0x3] =	sbarrier.arrive $0xFFFF  }
0x90: {  	_ =	shalt  }

// kernel: kernel.16.cloned.1.call-start
scs
__scs_entry_jumppad:
0x0: {  	(pc) =	sbr.rel $0x88, $3  }
0x1: {  	(tag) =	ssettag $0x0;
	lr =	simm.s32 $0x1  }
0x2: {  	[smem:$0x3F8E] =	sst lr;
	_ =	strace $0xD0000000  }
0x3: {  	_ = 	snop  }
0x4: {  	_ = 	snop  }
0x5: {  	_ = 	snop  }
0x6: {  	_ = 	snop  }
0x7: {  	_ = 	snop  }
__scs_overlays_trampoline_lowered:
0x8: {  	[smem:$0x3F9D] =	sst s0  }
0x9: {  	[smem:$0x3F9E] =	sst s1  }
0xa: {  	[smem:$0x3F9F] =	sst s2  }
0xb: {  	[smem:$0x3FA0] =	sst s3  }
0xc: {  	[smem:$0x3FA1] =	sst s4  }
0xd: {  	[smem:$0x3FA2] =	sst s5  }
0xe: {  	[smem:$0x3FA3] =	sst s6  }
0xf: {  	[smem:$0x3FA4] =	sst s7  }
0x10: {  	[smem:$0x3FA5] =	sst s8  }
0x11: {  	[smem:$0x3FA6] =	sst s9;
	s0 =	simm.s32 @!p0 $0x0  }
0x12: {  	s1 =	sld [smem:$0x3F8C];
	s0 =	simm.s32 @p0 $0x1  }
0x13: {  	[smem:$0x3FA7] =	sst s0;
	s0 =	simm.s32 @!p1 $0x0  }
0x14: {  	s2 =	sld [smem:$0x3F8B];
	s0 =	simm.s32 @p1 $0x1  }
0x15: {  	[smem:$0x3FA8] =	sst s0;
	s0 =	simm.s32 @!p2 $0x0  }
0x16: {  	s3 =	sld [smem:$0x3FDB];
	s0 =	simm.s32 @p2 $0x1  }
0x17: {  	s4 =	simm.s32 $0x1BF5;
	[smem:$0x3FAA] =	sst s0  }
0x18: {  	s0 =	sld [smem:$0x3F8D];
	_ =	swait.ge [sflag:s4], $0x0  }
0x19: {  	s7 =	sld [smem:$0x3F8E]  }
0x1a: {  	s8 =	sadd.s32 $0xFFFFE003, lr  }
0x1b: {  	s9 =	sadd.s32 $0xFFFFFEF7, lr;
	s5 =	simm.s32 $0xFFFFFFFF;
	p2 =	slt.u32 s8, $0xFFFFF086  }
0x1c: {  	p1 =	slt.u32 s9, $0xF7A;
	s5 =	simm.s32 @!p2 $0x0  }
0x1d: {  	s5 =	simm.s32 @p1 $0x1;
	p0 =	seq.s32 s7, s2  }
0x1e: {  	s7 =	smul.u32 @!p0 $0xF7A, s2;
	p2 =	seq.s32 @!p0 s5, $0x0  }
0x1f: {  	s9 =	smul.u32 $0xF7A, s1;
	s8 =	simm.s32 @!p0 $0x1BF5;
	p2 =	por !p2, p0  }
0x20: {  	[sflag:s8] =	ssyncset.s32 @!p0 $0xFFFFF086;
	s6 =	sadd.s32 @!p0 s3, s7;
	s7 =	simm.s32 @!p0 $0x108  }
0x21: {  	s3 =	sadd.s32 s3, s9;
	s6 =	sadd.s32 @!p0 $0x88, s6;
	s7 =	simm.s32 @p2 $0x1082  }
0x22: {  	[simem:s7], [sflag:s8] =	dma.local @!p0 [hbm:s6], $0xF7A  }
0x23: {  	s9 =	sor.u32 $0xD0000000, s2;
	s6 =	simm.s32 $0x108;
	_ =	swait.ge @!p0 [sflag:s8], $0x0  }
0x24: {  	s3 =	sadd.s32 $0x88, s3;
	s6 =	simm.s32 @!p1 $0x1082;
	[sflag:s4] =	ssyncset.s32 $0xFFFFF086  }
0x25: {  	[simem:s6], [sflag:s4] =	dma.local [hbm:s3], $0xF7A  }
0x26: {  	[smem:$0x3F8E] =	sst s1;
	(tag) =	ssettag s2;
	_ =	strace s9  }
0x27: {  	s1 =	sld [smem:$0x3F9E]  }
0x28: {  	s2 =	sld [smem:$0x3F9F]  }
0x29: {  	s4 =	sld [smem:$0x3FA1]  }
0x2a: {  	p0 =	seq.s32 s5, $0x0;
	s5 =	sld [smem:$0x3FA2]  }
0x2b: {  	s6 =	sld [smem:$0x3FA3]  }
0x2c: {  	s7 =	sld [smem:$0x3FA4]  }
0x2d: {  	s3 =	simm.s32 $0x108;
	s8 =	sld [smem:$0x3FA5]  }
0x2e: {  	s3 =	simm.s32 @!p0 $0x1082;
	s9 =	sld [smem:$0x3FA6]  }
0x2f: {  	lr =	sadd.s32 s0, s3;
	s0 =	sld [smem:$0x3F9D]  }
0x30: {  	s3 =	sld [smem:$0x3FA0]  }
0x31: {  	[smem:$0x3FA9] =	sst s10  }
0x32: {  	s10 =	sld [smem:$0x3FA7];
	_ =	sdelay $0x3  }
0x33: {  	p0 =	seq.s32 s10, $0x1;
	s10 =	sld [smem:$0x3FA9];
	_ =	sdelay $0x3  }
0x34: {  	[smem:$0x3FA9] =	sst s10  }
0x35: {  	s10 =	sld [smem:$0x3FA8];
	_ =	sdelay $0x3  }
0x36: {  	p1 =	seq.s32 s10, $0x1;
	s10 =	sld [smem:$0x3FA9];
	_ =	sdelay $0x3  }
0x37: {  	[smem:$0x3FA9] =	sst s10  }
0x38: {  	s10 =	sld [smem:$0x3FAA]  }
0x39: {  	_ = 	snop;
	(pc) =	sbr.ind lr, $3  }
0x3a: {  	_ = 	snop  }
0x3b: {  	_ = 	snop  }
0x3c: {  	p2 =	seq.s32 s10, $0x1;
	s10 =	sld [smem:$0x3FA9]  }
0x3d: {  	_ =	shalt  }
0x3e: {  	_ =	shalt  }
0x3f: {  	_ =	shalt  }
0x40: {  	_ =	shalt  }
0x41: {  	_ =	shalt  }
0x42: {  	_ =	shalt  }
0x43: {  	_ =	shalt  }
0x44: {  	_ =	shalt  }
0x45: {  	_ =	shalt  }
0x46: {  	_ =	shalt  }
0x47: {  	_ =	shalt  }
0x48: {  	_ =	shalt  }
0x49: {  	_ =	shalt  }
0x4a: {  	_ =	shalt  }
0x4b: {  	_ =	shalt  }
0x4c: {  	_ =	shalt  }
0x4d: {  	_ =	shalt  }
0x4e: {  	_ =	shalt  }
0x4f: {  	_ =	shalt  }
0x50: {  	_ =	shalt  }
0x51: {  	_ =	shalt  }
0x52: {  	_ =	shalt  }
0x53: {  	_ =	shalt  }
0x54: {  	_ =	shalt  }
0x55: {  	_ =	shalt  }
0x56: {  	_ =	shalt  }
0x57: {  	_ =	shalt  }
0x58: {  	_ =	shalt  }
0x59: {  	_ =	shalt  }
0x5a: {  	_ =	shalt  }
0x5b: {  	_ =	shalt  }
0x5c: {  	_ =	shalt  }
0x5d: {  	_ =	shalt  }
0x5e: {  	_ =	shalt  }
0x5f: {  	_ =	shalt  }
0x60: {  	_ =	shalt  }
0x61: {  	_ =	shalt  }
0x62: {  	_ =	shalt  }
0x63: {  	_ =	shalt  }
0x64: {  	_ =	shalt  }
0x65: {  	_ =	shalt  }
0x66: {  	_ =	shalt  }
0x67: {  	_ =	shalt  }
0x68: {  	_ =	shalt  }
0x69: {  	_ =	shalt  }
0x6a: {  	_ =	shalt  }
0x6b: {  	_ =	shalt  }
0x6c: {  	_ =	shalt  }
0x6d: {  	_ =	shalt  }
0x6e: {  	_ =	shalt  }
0x6f: {  	_ =	shalt  }
0x70: {  	_ =	shalt  }
0x71: {  	_ =	shalt  }
0x72: {  	_ =	shalt  }
0x73: {  	_ =	shalt  }
0x74: {  	_ =	shalt  }
0x75: {  	_ =	shalt  }
0x76: {  	_ =	shalt  }
0x77: {  	_ =	shalt  }
0x78: {  	_ =	shalt  }
0x79: {  	_ =	shalt  }
0x7a: {  	_ =	shalt  }
0x7b: {  	_ =	shalt  }
0x7c: {  	_ =	shalt  }
0x7d: {  	_ =	shalt  }
0x7e: {  	_ =	shalt  }
0x7f: {  	_ =	shalt  }
0x80: {  	_ =	shalt  }
0x81: {  	_ =	shalt  }
0x82: {  	_ =	shalt  }
0x83: {  	_ =	shalt  }
0x84: {  	_ =	shalt  }
0x85: {  	_ =	shalt  }
0x86: {  	_ =	shalt  }
0x87: {  	_ =	shalt  }
.Lfunc_end0:
.L_simem_size_0:
called_computation.2_lowered:
.L_overlay_start_0:
0x88: {  	s2 =	sld [smem:$0x3FD9]  }
0x89: {  	s3 =	sld [smem:$0x3FFE];
	_ =	sdelay $0x1  }
0x8a: {  	s1 =	srdreg.scid  }
0x8b: {  	s0 =	sand.u32 $0x1, s1  }
0x8c: {  	s16 =	sshll.u32 s0, $0xA;
	s2 =	sadd.s32 s3, s2  }
0x8d: {  	s2 =	sadd.s32 s2, s16  }
0x8e: {  	[smem:$0x3FB5] =	sst s2  }
0x8f: {  	_ = 	snop  }
0x90: {  	(tm) =	ssettm $0x1  }
0x91: {  	s17 =	sld [smem:$0x3FFB];
	_ =	sdelay $0x3  }
0x92: {  	_ =	strace s17  }
0x93: {  	s2 =	sld [smem:$0x3FFC];
	_ =	sdelay $0x3  }
0x94: {  	_ =	strace s2  }
0x95: {  	s2 =	sld [smem:$0x3FFD];
	_ =	sdelay $0x3  }
0x96: {  	_ =	strace s2  }
0x97: {  	_ =	strace $0x8FFFFFFF  }
0x98: {  	s18 =	sld [smem:$0x3FDB];
	_ =	sdelay $0x1  }
0x99: {  	s19 =	simm.s32 $_scs_section_size  }
0x9a: {  	s4 =	simm.s32 $_size__tile_overlayer_lowered;
	s5 =	simm.s32 $_tile_overlayer_lowered  }
0x9b: {  	s22 =	simm.s32 $0x1BFF;
	s21 =	sshll.u32 s5, $0x1;
	s2 =	sadd.s32 s19, s18  }
0x9c: {  	s6 =	simm.s32 $0x0;
	s20 =	sshll.u32 s4, $0x1;
	s4 =	sadd.s32 s21, s2  }
0x9d: {  	[timem:s6], [sflag:s22] =	dma.local [hbm:s4], s20  }
0x9e: {  	_ =	swait.ge [sflag:s22], s20  }
0x9f: {  	s3 =	ssub.s32 $0x0, s20;
	[sflag:s22] =	ssyncset.done $0x0  }
0xa0: {  	[sflag:s22] =	ssyncadd.s32 s3;
	_ =	sdelay $0x1  }
0xa1: {  	s23 =	simm.s32 $0x1B8B  }
0xa2: {  	_ =	swait.ge [sflag:s23], $0x1  }
0xa3: {  	[sflag:s23] =	ssyncset.done $0x0  }
0xa4: {  	s25 =	simm.s32 $0x1B8E;
	s24 =	sld [smem:$0x3FFE];
	[sflag:s23] =	ssyncadd.s32 $0xFFFFFFFF  }
0xa5: {  	s26 =	simm.s32 $execute0_lowered;
	[smem:$0x3FD2] =	sst s25  }
0xa6: {  	s4 =	sshll.u32 s26, $0x1;
	_ =	strace $0x8000004C;
	[dreg:$0x1] =	wrdreg $0xFFFFFFFF  }
0xa7: {  	s28 =	simm.s32 $_size_execute0_lowered;
	s2 =	sadd.s32 s2, s4;
	[dreg:$0x0] =	wrdreg $0x0  }
0xa8: {  	s4 =	sshll.u32 s28, $0x1;
	[dreg:$0x2] =	wrdreg s2  }
0xa9: {  	[dreg:$0x3] =	wrdreg s4  }
0xaa: {  	[dreg:$0x4] =	wrdreg $0xC0  }
0xab: {  	_ =	task [dreg:s6], $0x5FFFF  }
0xac: {  	[dreg:$0x1] =	wrdreg $0xFFFFFFFF  }
0xad: {  	[dreg:$0x0] =	wrdreg $0x60  }
0xae: {  	[dreg:$0x2] =	wrdreg s24  }
0xaf: {  	[dreg:$0x3] =	wrdreg $0xE0000  }
0xb0: {  	[dreg:$0x4] =	wrdreg $0x9  }
0xb1: {  	_ =	task.clear_ibuf [dreg:s6], $0x5FFFF;
	_ =	strace $0x9000004C  }
0xb2: {  	s29 =	simm.s32 $0x9;
	_ =	strace $0x8000004E  }
0xb3: {  	_ =	swait.ge [sflag:s29], $0x1  }
0xb4: {  	[sflag:s29] =	ssyncadd.s32 $0xFFFFFFFF  }
0xb5: {  	_ =	strace $0x9000004E  }
0xb6: {  	_ =	sfence  }
0xb7: {  	s30 =	sld [smem:$0x0];
	_ =	sdelay $0x2  }
0xb8: {  	s31 =	sshll.u32 s1, $0xD;
	s1 =	sshrl.u32 s1, $0x2  }
0xb9: {  	s3 =	sand.u32 $0x4000, s31;
	s1 =	sadd.s32 s1, s30  }
0xba: {  	s0 =	sor.u32 s3, s0;
	s1 =	sshll.u32 s1, $0x11  }
0xbb: {  	s0 =	sor.u32 s1, s0  }
0xbc: {  	s0 =	sadd.s32 $0x8F2B, s0  }
0xbd: {  	[sflag:s0] =	ssyncadd.remote.s32 $0x1  }
0xbe: {  	_ =	sfence.sel $0xFFFF  }
0xbf: {  	[dreg:$0x0] =	wrdreg $0xFFFFFFFF;
	(pc) =	sbr.abs _section_cstart, $3  }
0xc0: {  	[dreg:$0x1] =	wrdreg $0xFFFFFFFF  }
0xc1: {  	_ =	task.clear_ibuf [dreg:s6], $0x2FFFF;
	_ =	strace $0x9FFFFFFF  }
0xc2: {  	(tm) =	ssettm $0x7FFFFFFF  }
0xc3: {  	_ =	shalt  }
tec
execute0_lowered:
.L_overlay_start_1:
0x0: {  	(tag) =	ssettag $0x1  }
0x1: {  	s4 =	rddreg [dreg:$0x0]  }
0x2: {  	s1 =	rddreg [dreg:$0x1];
	s2 =	simm.s32 $0x0;
	s3 =	srdreg.scid  }
0x3: {  	s13 =	simm.s32 $0x5000;
	s14 =	simm.s32 $0xA000;
	s15 =	simm.s32 $0x4  }
0x4: {  	s16 =	simm.s32 $0x3;
	s17 =	simm.s32 $0x80;
	s5 =	sand.u32 $0x1, s3  }
0x5: {  	s18 =	simm.s32 $0xC000;
	s3 =	stileid.u32;
	s6 =	smul.u32 $0x13880, s5  }
0x6: {  	s19 =	simm.s32 $0x1;
	s20 =	simm.s32 $0x2;
	s7 =	smul.u32 $0xA00, s3  }
0x7: {  	s21 =	simm.s32 $0x4F80;
	s22 =	simm.s32 $0x9F00;
	s29 =	smul.u32 $0x14000, s5  }
0x8: {  	s26 =	simm.s32 $0x0;
	[smem:$0x7FF] =	sst s2;
	s10 =	smul.u32 $0x28000, s3  }
0x9: {  	_ =	strace $0x8000004D;
	s5 =	ssub.s32 $0x2, s5;
	s31 =	smul.u32 $0xA000, s3  }
0xa: {  	s9 =	sshrl.u32 s5, $0x1;
	s8 =	sadd.s32 s6, s4;
	s7 =	sadd.s32 s7, s4  }
0xb: {  	s11 =	sadd.s32 s29, s4;
	s9 =	ssub.s32 s5, s9;
	s30 =	sshrl.u32 s10, $0x2  }
0xc: {  	s24 =	sshrl.u32 s31, $0x3;
	s25 =	sadd.s32 s31, s1;
	s4 =	sadd.s32 $0x15000, s7  }
0xd: {  	s5 =	sadd.s32 $0x1000, s7;
	s6 =	sadd.s32 s30, s1;
	s7 =	sadd.s32 $0x6D200, s8  }
0xe: {  	s23 =	sadd.s32 $0x94400, s11;
	s8 =	smax.u32 s9, $0x1;
	s25 =	sshrl.u32 s25, $0x3  }
0xf: {  	s9 =	sadd.s32 $0x2000, s6;
	s10 =	sadd.s32 $0x4000, s6;
	s11 =	sadd.s32 $0x6000, s6  }
0x10: {  	v0 =	vimm.f32 $0.0e+00;
	s12 =	sadd.s32 $0x8000, s6;
	s23 =	sadd.s32 s24, s23;
	s24 =	simm.s32 $0x9F80  }
.LBB2_1:
0x11: {  	[tilespmem:s2], [sflag:$0x3] =	stream.linear.gather [hbm4b:s4+s2], $0x5000, $0x38;
	[tilespmem:$0x18000] =	vst v63  }
0x12: {  	s29 =	simm.s32 $0x100;
	s28 =	simm.s32 $0x0  }
0x13: {  	[tilespmem:s13], [sflag:$0x3] =	stream.linear.gather [hbm4b:s5+s2], $0x5000, $0x38;
	[tilespmem:$0x18000] =	vst v63  }
.LBB2_2:
0x14: {  	p0 =	sne.s32 s29, $0x7F00;
	[tilespmem:s28+$0xA030] =	vst v0;
	s30 =	smov.u32 s29;
	s29 =	sadd.s32 $0x100, s29  }
.Ltmp0:
0x15: {  	[tilespmem:s28+$0xA020] =	vst v0;
	(pc) =	sbr.rel @p0 .LBB2_2-.Ltmp0, $3  }
0x16: {  	[tilespmem:s28+$0xA000] =	vst v0  }
0x17: {  	[tilespmem:s28+$0xA010] =	vst v0;
	_ =	sdelay $0x1  }
0x18: {  	s28 =	sshra.s32 s30, $0x2  }
0x19: {  	[tilespmem:s28+$0xA030] =	vst v0  }
0x1a: {  	[tilespmem:s28+$0xA020] =	vst v0  }
0x1b: {  	[tilespmem:s28+$0xA000] =	vst v0  }
0x1c: {  	[tilespmem:s28+$0xA010] =	vst v0  }
0x1d: {  	[spmem:s6] =	stream.linear.scatter [tilespmem:s14], [sflag:$0x4], $0x2000, $0x38;
	[tilespmem:$0x18000] =	vst v63  }
0x1e: {  	_ =	swait.ge [sflag:s15], $0x2000  }
0x1f: {  	[sflag:s15] =	ssyncset.done $0x0  }
0x20: {  	[sflag:s15] =	ssyncadd.s32 $0xFFFFE000  }
0x21: {  	[spmem:s9] =	stream.linear.scatter [tilespmem:s14], [sflag:$0x4], $0x2000, $0x38;
	[tilespmem:$0x18000] =	vst v63  }
0x22: {  	_ =	swait.ge [sflag:s15], $0x2000  }
0x23: {  	[sflag:s15] =	ssyncset.done $0x0  }
0x24: {  	[sflag:s15] =	ssyncadd.s32 $0xFFFFE000  }
0x25: {  	[spmem:s10] =	stream.linear.scatter [tilespmem:s14], [sflag:$0x4], $0x2000, $0x38;
	[tilespmem:$0x18000] =	vst v63  }
0x26: {  	_ =	swait.ge [sflag:s15], $0x2000  }
0x27: {  	[sflag:s15] =	ssyncset.done $0x0  }
0x28: {  	[sflag:s15] =	ssyncadd.s32 $0xFFFFE000  }
0x29: {  	[spmem:s11] =	stream.linear.scatter [tilespmem:s14], [sflag:$0x4], $0x2000, $0x38;
	[tilespmem:$0x18000] =	vst v63  }
0x2a: {  	_ =	swait.ge [sflag:s15], $0x2000  }
0x2b: {  	[sflag:s15] =	ssyncset.done $0x0  }
0x2c: {  	[sflag:s15] =	ssyncadd.s32 $0xFFFFE000  }
0x2d: {  	[spmem:s12] =	stream.linear.scatter [tilespmem:s14], [sflag:$0x4], $0x2000, $0x38;
	[tilespmem:$0x18000] =	vst v63  }
0x2e: {  	_ =	swait.ge [sflag:s15], $0x2000  }
0x2f: {  	[sflag:s15] =	ssyncset.done $0x0  }
0x30: {  	[sflag:s15] =	ssyncadd.s32 $0xFFFFE000  }
0x31: {  	_ =	swait.ge [sflag:s16], $0x5000  }
0x32: {  	[sflag:s16] =	ssyncset.done $0x0  }
0x33: {  	[sflag:s16] =	ssyncadd.s32 $0xFFFFB000  }
0x34: {  	_ =	swait.ge [sflag:s16], $0x5000  }
0x35: {  	[sflag:s16] =	ssyncset.done $0x0  }
0x36: {  	[sflag:s16] =	ssyncadd.s32 $0xFFFFB000  }
0x37: {  	s28 =	simm.s32 $0x0;
	[bflag:$0x0] =	sbarrier.arrive $0xFFFF  }
0x38: {  	[tilespmem:s14], [sflag:$0x1] =	stream.indirect.gather [hbm4b:s7+s17], $0x40, s28, s17, $0xb8;
	[tilespmem:$0x18000] =	vst v63  }
0x39: {  	s28 =	simm.s32 $0x80  }
0x3a: {  	[tilespmem:s18], [sflag:$0x2] =	stream.indirect.gather [hbm4b:s7+s17], $0x40, s28, s17, $0xb8;
	[tilespmem:$0x18000] =	vst v63  }
0x3b: {  	_ =	swait.ge [sflag:s19], $0x2000  }
0x3c: {  	[sflag:s19] =	ssyncset.done $0x0  }
0x3d: {  	s28 =	simm.s32 $0x5000;
	[sflag:s19] =	ssyncadd.s32 $0xFFFFE000  }
0x3e: {  	[spmem:s1] =	stream.indirect.scatter.add.f32 [tilespmem:s14], [sflag:$0x4], $0x40, s28, s17, $0xb8;
	[tilespmem:$0x18000] =	vst v63  }
0x3f: {  	_ =	swait.ge [sflag:s15], $0x2000  }
0x40: {  	[sflag:s15] =	ssyncset.done $0x0  }
0x41: {  	s28 =	simm.s32 $0x100;
	[sflag:s15] =	ssyncadd.s32 $0xFFFFE000  }
0x42: {  	[tilespmem:s14], [sflag:$0x1] =	stream.indirect.gather [hbm4b:s7+s17], $0x40, s28, s17, $0xb8;
	[tilespmem:$0x18000] =	vst v63  }
0x43: {  	_ =	swait.ge [sflag:s20], $0x2000  }
0x44: {  	[sflag:s20] =	ssyncset.done $0x0  }
0x45: {  	s28 =	simm.s32 $0x5080;
	[sflag:s20] =	ssyncadd.s32 $0xFFFFE000  }
0x46: {  	[spmem:s1] =	stream.indirect.scatter.add.f32 [tilespmem:s18], [sflag:$0x4], $0x40, s28, s17, $0xb8;
	[tilespmem:$0x18000] =	vst v63  }
0x47: {  	_ =	swait.ge [sflag:s15], $0x2000  }
0x48: {  	s29 =	simm.s32 $0x800;
	s28 =	simm.s32 $0x100;
	[sflag:s15] =	ssyncset.done $0x0  }
.LBB2_4:
0x49: {  	s30 =	sadd.s32 $0x80, s28  }
0x4a: {  	[sflag:s15] =	ssyncadd.s32 $0xFFFFE000;
	s31 =	smov.u32 s29;
	s0 =	sadd.s32 $0x400, s29  }
0x4b: {  	[tilespmem:s18], [sflag:$0x2] =	stream.indirect.gather [hbm4b:s7+s17], $0x40, s30, s17, $0xb8;
	[tilespmem:$0x18000] =	vst v63  }
0x4c: {  	p0 =	sne.s32 s29, $0x13800;
	_ =	swait.ge [sflag:s19], $0x2000  }
0x4d: {  	[sflag:s19] =	ssyncset.done $0x0  }
0x4e: {  	s29 =	sadd.s32 $0x5000, s28;
	[sflag:s19] =	ssyncadd.s32 $0xFFFFE000  }
0x4f: {  	[spmem:s1] =	stream.indirect.scatter.add.f32 [tilespmem:s14], [sflag:$0x4], $0x40, s29, s17, $0xb8;
	[tilespmem:$0x18000] =	vst v63  }
0x50: {  	_ =	swait.ge [sflag:s15], $0x2000  }
0x51: {  	[sflag:s15] =	ssyncset.done $0x0  }
0x52: {  	s29 =	sadd.s32 $0x100, s28;
	[sflag:s15] =	ssyncadd.s32 $0xFFFFE000  }
0x53: {  	[tilespmem:s14], [sflag:$0x1] =	stream.indirect.gather [hbm4b:s7+s17], $0x40, s29, s17, $0xb8;
	[tilespmem:$0x18000] =	vst v63  }
0x54: {  	_ =	swait.ge [sflag:s20], $0x2000  }
.Ltmp1:
0x55: {  	[sflag:s20] =	ssyncset.done $0x0;
	(pc) =	sbr.rel @p0 .LBB2_4-.Ltmp1, $4  }
0x56: {  	s28 =	sadd.s32 $0x5080, s28;
	[sflag:s20] =	ssyncadd.s32 $0xFFFFE000  }
0x57: {  	[spmem:s1] =	stream.indirect.scatter.add.f32 [tilespmem:s18], [sflag:$0x4], $0x40, s28, s17, $0xb8;
	[tilespmem:$0x18000] =	vst v63  }
0x58: {  	_ =	swait.ge [sflag:s15], $0x2000  }
0x59: {  	s29 =	smov.u32 s0;
	s28 =	sshra.s32 s31, $0x2;
	[sflag:s15] =	ssyncset.done $0x0  }
0x5a: {  	s0 =	sadd.s32 $0x80, s28;
	[sflag:s15] =	ssyncadd.s32 $0xFFFFE000  }
0x5b: {  	[tilespmem:s18], [sflag:$0x2] =	stream.indirect.gather [hbm4b:s7+s17], $0x40, s0, s17, $0xb8;
	[tilespmem:$0x18000] =	vst v63  }
0x5c: {  	_ =	swait.ge [sflag:s19], $0x2000  }
0x5d: {  	[sflag:s19] =	ssyncset.done $0x0  }
0x5e: {  	s31 =	sadd.s32 $0x5000, s28;
	[sflag:s19] =	ssyncadd.s32 $0xFFFFE000  }
0x5f: {  	[spmem:s1] =	stream.indirect.scatter.add.f32 [tilespmem:s14], [sflag:$0x4], $0x40, s31, s17, $0xb8;
	[tilespmem:$0x18000] =	vst v63  }
0x60: {  	_ =	swait.ge [sflag:s15], $0x2000  }
0x61: {  	[sflag:s15] =	ssyncset.done $0x0  }
0x62: {  	s29 =	sadd.s32 $0x100, s28;
	[sflag:s15] =	ssyncadd.s32 $0xFFFFE000  }
0x63: {  	[tilespmem:s14], [sflag:$0x1] =	stream.indirect.gather [hbm4b:s7+s17], $0x40, s29, s17, $0xb8;
	[tilespmem:$0x18000] =	vst v63  }
0x64: {  	_ =	swait.ge [sflag:s20], $0x2000  }
0x65: {  	[sflag:s20] =	ssyncset.done $0x0  }
0x66: {  	s30 =	sadd.s32 $0x5080, s28;
	[sflag:s20] =	ssyncadd.s32 $0xFFFFE000  }
0x67: {  	[spmem:s1] =	stream.indirect.scatter.add.f32 [tilespmem:s18], [sflag:$0x4], $0x40, s30, s17, $0xb8;
	[tilespmem:$0x18000] =	vst v63  }
0x68: {  	_ =	swait.ge [sflag:s15], $0x2000  }
0x69: {  	[sflag:s15] =	ssyncset.done $0x0  }
0x6a: {  	[sflag:s15] =	ssyncadd.s32 $0xFFFFE000  }
0x6b: {  	[tilespmem:s18], [sflag:$0x2] =	stream.indirect.gather [hbm4b:s7+s17], $0x40, s21, s17, $0xb8;
	[tilespmem:$0x18000] =	vst v63  }
0x6c: {  	_ =	swait.ge [sflag:s19], $0x2000  }
0x6d: {  	[sflag:s19] =	ssyncset.done $0x0  }
0x6e: {  	[sflag:s19] =	ssyncadd.s32 $0xFFFFE000  }
0x6f: {  	[spmem:s1] =	stream.indirect.scatter.add.f32 [tilespmem:s14], [sflag:$0x4], $0x40, s22, s17, $0xb8;
	[tilespmem:$0x18000] =	vst v63  }
0x70: {  	_ =	swait.ge [sflag:s15], $0x2000  }
0x71: {  	[sflag:s15] =	ssyncset.done $0x0  }
0x72: {  	[sflag:s15] =	ssyncadd.s32 $0xFFFFE000  }
0x73: {  	_ =	swait.ge [sflag:s20], $0x2000  }
0x74: {  	[sflag:s20] =	ssyncset.done $0x0  }
0x75: {  	[sflag:s20] =	ssyncadd.s32 $0xFFFFE000  }
0x76: {  	[spmem:s1] =	stream.indirect.scatter.add.f32 [tilespmem:s18], [sflag:$0x4], $0x40, s24, s17, $0xb8;
	[tilespmem:$0x18000] =	vst v63  }
0x77: {  	_ =	swait.ge [sflag:s15], $0x2000  }
0x78: {  	s26 =	sadd.s32 $0x1, s26;
	[sflag:s15] =	ssyncset.done $0x0  }
0x79: {  	p0 =	sne.s32 s26, s8;
	s31 =	sshll.u32 s3, $0x6;
	[sflag:s15] =	ssyncadd.s32 $0xFFFFE000  }
.Ltmp2:
0x7a: {  	s0 =	sor.u32 $0x1C04, s31;
	[bflag:$0x0] =	sbarrier.arrive $0xFFFF;
	(pc) =	sbr.rel @p0 .LBB2_1-.Ltmp2, $4  }
0x7b: {  	[hbm:s23], [sflag:s0] =	dma.local [spmem:s25], $0x1400  }
0x7c: {  	_ =	swait.ge [sflag:s15], $0x1400  }
0x7d: {  	[sflag:s15] =	ssyncset.done $0x0  }
0x7e: {  	[sflag:s15] =	ssyncadd.s32 $0xFFFFEC00  }
0x7f: {  	_ =	sfence.sel $0x180000  }
0x80: {  	[bflag:$0x0] =	sbarrier.arrive $0xFFFF  }
0x81: {  	_ =	strace $0x9000004D  }
0x82: {  	[bflag:$0x2] =	sbarrier.arrive $0xFFFF  }
0x83: {  	p0 =	sne.s32 s3, $0x0;
	s0 =	rddreg [dreg:$0x2]  }
0x84: {  	s0 =	sadd.s32 @!p0 $0x100000, s0  }
0x85: {  	[sflag:s0] =	ssyncadd.tile.s32 @!p0 $0x1;
	_ =	shalt  }
.Lfunc_end2:
_tile_overlayer_lowered:
.L_overlay_start_2:
0x86: {  	(tag) =	ssettag $0x2  }
0x87: {  	s0 =	rddreg [dreg:$0x0];
	s2 =	stileid.u32  }
0x88: {  	s1 =	rddreg [dreg:$0x1];
	p0 =	sne.s32 s2, $0x0  }
0x89: {  	s3 =	rddreg [dreg:$0x2];
	[bflag:$0x3] =	sbarrier.arrive $0xFFFF;
	s2 =	simm.s32 @!p0 $0x1C04  }
0x8a: {  	[timem:s3], [sflag:s2] =	dma.local @!p0 [hbm:s0], s1  }
0x8b: {  	s0 =	simm.s32 @!p0 $0x4  }
0x8c: {  	_ =	swait.ge @!p0 [sflag:s0], s1  }
0x8d: {  	s1 =	ssub.s32 @!p0 $0x0, s1;
	[sflag:s0] =	ssyncset.done @!p0 $0x0  }
0x8e: {  	[sflag:s0] =	ssyncadd.s32 @!p0 s1  }
0x8f: {  	[bflag:$0x3] =	sbarrier.arrive $0xFFFF  }
0x90: {  	_ =	shalt  }

// kernel: kernel.19.cloned.1.call-start
scs
__scs_entry_jumppad:
0x0: {  	(pc) =	sbr.rel $0x88, $3  }
0x1: {  	(tag) =	ssettag $0x0;
	lr =	simm.s32 $0x1  }
0x2: {  	[smem:$0x3F8E] =	sst lr;
	_ =	strace $0xD0000000  }
0x3: {  	_ = 	snop  }
0x4: {  	_ = 	snop  }
0x5: {  	_ = 	snop  }
0x6: {  	_ = 	snop  }
0x7: {  	_ = 	snop  }
__scs_overlays_trampoline_lowered:
0x8: {  	[smem:$0x3F9D] =	sst s0  }
0x9: {  	[smem:$0x3F9E] =	sst s1  }
0xa: {  	[smem:$0x3F9F] =	sst s2  }
0xb: {  	[smem:$0x3FA0] =	sst s3  }
0xc: {  	[smem:$0x3FA1] =	sst s4  }
0xd: {  	[smem:$0x3FA2] =	sst s5  }
0xe: {  	[smem:$0x3FA3] =	sst s6  }
0xf: {  	[smem:$0x3FA4] =	sst s7  }
0x10: {  	[smem:$0x3FA5] =	sst s8  }
0x11: {  	[smem:$0x3FA6] =	sst s9;
	s0 =	simm.s32 @!p0 $0x0  }
0x12: {  	s1 =	sld [smem:$0x3F8C];
	s0 =	simm.s32 @p0 $0x1  }
0x13: {  	[smem:$0x3FA7] =	sst s0;
	s0 =	simm.s32 @!p1 $0x0  }
0x14: {  	s2 =	sld [smem:$0x3F8B];
	s0 =	simm.s32 @p1 $0x1  }
0x15: {  	[smem:$0x3FA8] =	sst s0;
	s0 =	simm.s32 @!p2 $0x0  }
0x16: {  	s3 =	sld [smem:$0x3FDB];
	s0 =	simm.s32 @p2 $0x1  }
0x17: {  	s4 =	simm.s32 $0x1BF5;
	[smem:$0x3FAA] =	sst s0  }
0x18: {  	s0 =	sld [smem:$0x3F8D];
	_ =	swait.ge [sflag:s4], $0x0  }
0x19: {  	s7 =	sld [smem:$0x3F8E]  }
0x1a: {  	s8 =	sadd.s32 $0xFFFFE003, lr  }
0x1b: {  	s9 =	sadd.s32 $0xFFFFFEF7, lr;
	s5 =	simm.s32 $0xFFFFFFFF;
	p2 =	slt.u32 s8, $0xFFFFF086  }
0x1c: {  	p1 =	slt.u32 s9, $0xF7A;
	s5 =	simm.s32 @!p2 $0x0  }
0x1d: {  	s5 =	simm.s32 @p1 $0x1;
	p0 =	seq.s32 s7, s2  }
0x1e: {  	s7 =	smul.u32 @!p0 $0xF7A, s2;
	p2 =	seq.s32 @!p0 s5, $0x0  }
0x1f: {  	s9 =	smul.u32 $0xF7A, s1;
	s8 =	simm.s32 @!p0 $0x1BF5;
	p2 =	por !p2, p0  }
0x20: {  	[sflag:s8] =	ssyncset.s32 @!p0 $0xFFFFF086;
	s6 =	sadd.s32 @!p0 s3, s7;
	s7 =	simm.s32 @!p0 $0x108  }
0x21: {  	s3 =	sadd.s32 s3, s9;
	s6 =	sadd.s32 @!p0 $0x88, s6;
	s7 =	simm.s32 @p2 $0x1082  }
0x22: {  	[simem:s7], [sflag:s8] =	dma.local @!p0 [hbm:s6], $0xF7A  }
0x23: {  	s9 =	sor.u32 $0xD0000000, s2;
	s6 =	simm.s32 $0x108;
	_ =	swait.ge @!p0 [sflag:s8], $0x0  }
0x24: {  	s3 =	sadd.s32 $0x88, s3;
	s6 =	simm.s32 @!p1 $0x1082;
	[sflag:s4] =	ssyncset.s32 $0xFFFFF086  }
0x25: {  	[simem:s6], [sflag:s4] =	dma.local [hbm:s3], $0xF7A  }
0x26: {  	[smem:$0x3F8E] =	sst s1;
	(tag) =	ssettag s2;
	_ =	strace s9  }
0x27: {  	s1 =	sld [smem:$0x3F9E]  }
0x28: {  	s2 =	sld [smem:$0x3F9F]  }
0x29: {  	s4 =	sld [smem:$0x3FA1]  }
0x2a: {  	p0 =	seq.s32 s5, $0x0;
	s5 =	sld [smem:$0x3FA2]  }
0x2b: {  	s6 =	sld [smem:$0x3FA3]  }
0x2c: {  	s7 =	sld [smem:$0x3FA4]  }
0x2d: {  	s3 =	simm.s32 $0x108;
	s8 =	sld [smem:$0x3FA5]  }
0x2e: {  	s3 =	simm.s32 @!p0 $0x1082;
	s9 =	sld [smem:$0x3FA6]  }
0x2f: {  	lr =	sadd.s32 s0, s3;
	s0 =	sld [smem:$0x3F9D]  }
0x30: {  	s3 =	sld [smem:$0x3FA0]  }
0x31: {  	[smem:$0x3FA9] =	sst s10  }
0x32: {  	s10 =	sld [smem:$0x3FA7];
	_ =	sdelay $0x3  }
0x33: {  	p0 =	seq.s32 s10, $0x1;
	s10 =	sld [smem:$0x3FA9];
	_ =	sdelay $0x3  }
0x34: {  	[smem:$0x3FA9] =	sst s10  }
0x35: {  	s10 =	sld [smem:$0x3FA8];
	_ =	sdelay $0x3  }
0x36: {  	p1 =	seq.s32 s10, $0x1;
	s10 =	sld [smem:$0x3FA9];
	_ =	sdelay $0x3  }
0x37: {  	[smem:$0x3FA9] =	sst s10  }
0x38: {  	s10 =	sld [smem:$0x3FAA]  }
0x39: {  	_ = 	snop;
	(pc) =	sbr.ind lr, $3  }
0x3a: {  	_ = 	snop  }
0x3b: {  	_ = 	snop  }
0x3c: {  	p2 =	seq.s32 s10, $0x1;
	s10 =	sld [smem:$0x3FA9]  }
0x3d: {  	_ =	shalt  }
0x3e: {  	_ =	shalt  }
0x3f: {  	_ =	shalt  }
0x40: {  	_ =	shalt  }
0x41: {  	_ =	shalt  }
0x42: {  	_ =	shalt  }
0x43: {  	_ =	shalt  }
0x44: {  	_ =	shalt  }
0x45: {  	_ =	shalt  }
0x46: {  	_ =	shalt  }
0x47: {  	_ =	shalt  }
0x48: {  	_ =	shalt  }
0x49: {  	_ =	shalt  }
0x4a: {  	_ =	shalt  }
0x4b: {  	_ =	shalt  }
0x4c: {  	_ =	shalt  }
0x4d: {  	_ =	shalt  }
0x4e: {  	_ =	shalt  }
0x4f: {  	_ =	shalt  }
0x50: {  	_ =	shalt  }
0x51: {  	_ =	shalt  }
0x52: {  	_ =	shalt  }
0x53: {  	_ =	shalt  }
0x54: {  	_ =	shalt  }
0x55: {  	_ =	shalt  }
0x56: {  	_ =	shalt  }
0x57: {  	_ =	shalt  }
0x58: {  	_ =	shalt  }
0x59: {  	_ =	shalt  }
0x5a: {  	_ =	shalt  }
0x5b: {  	_ =	shalt  }
0x5c: {  	_ =	shalt  }
0x5d: {  	_ =	shalt  }
0x5e: {  	_ =	shalt  }
0x5f: {  	_ =	shalt  }
0x60: {  	_ =	shalt  }
0x61: {  	_ =	shalt  }
0x62: {  	_ =	shalt  }
0x63: {  	_ =	shalt  }
0x64: {  	_ =	shalt  }
0x65: {  	_ =	shalt  }
0x66: {  	_ =	shalt  }
0x67: {  	_ =	shalt  }
0x68: {  	_ =	shalt  }
0x69: {  	_ =	shalt  }
0x6a: {  	_ =	shalt  }
0x6b: {  	_ =	shalt  }
0x6c: {  	_ =	shalt  }
0x6d: {  	_ =	shalt  }
0x6e: {  	_ =	shalt  }
0x6f: {  	_ =	shalt  }
0x70: {  	_ =	shalt  }
0x71: {  	_ =	shalt  }
0x72: {  	_ =	shalt  }
0x73: {  	_ =	shalt  }
0x74: {  	_ =	shalt  }
0x75: {  	_ =	shalt  }
0x76: {  	_ =	shalt  }
0x77: {  	_ =	shalt  }
0x78: {  	_ =	shalt  }
0x79: {  	_ =	shalt  }
0x7a: {  	_ =	shalt  }
0x7b: {  	_ =	shalt  }
0x7c: {  	_ =	shalt  }
0x7d: {  	_ =	shalt  }
0x7e: {  	_ =	shalt  }
0x7f: {  	_ =	shalt  }
0x80: {  	_ =	shalt  }
0x81: {  	_ =	shalt  }
0x82: {  	_ =	shalt  }
0x83: {  	_ =	shalt  }
0x84: {  	_ =	shalt  }
0x85: {  	_ =	shalt  }
0x86: {  	_ =	shalt  }
0x87: {  	_ =	shalt  }
.Lfunc_end0:
.L_simem_size_0:
called_computation.3_lowered:
.L_overlay_start_0:
0x88: {  	s2 =	sld [smem:$0x3FD9]  }
0x89: {  	s3 =	sld [smem:$0x3FFE];
	_ =	sdelay $0x1  }
0x8a: {  	s1 =	srdreg.scid  }
0x8b: {  	s0 =	sand.u32 $0x1, s1  }
0x8c: {  	s16 =	sshll.u32 s0, $0xA;
	s2 =	sadd.s32 s3, s2  }
0x8d: {  	s2 =	sadd.s32 s2, s16  }
0x8e: {  	[smem:$0x3FB5] =	sst s2  }
0x8f: {  	_ = 	snop  }
0x90: {  	(tm) =	ssettm $0x1  }
0x91: {  	s17 =	sld [smem:$0x3FFB];
	_ =	sdelay $0x3  }
0x92: {  	_ =	strace s17  }
0x93: {  	s2 =	sld [smem:$0x3FFC];
	_ =	sdelay $0x3  }
0x94: {  	_ =	strace s2  }
0x95: {  	s2 =	sld [smem:$0x3FFD];
	_ =	sdelay $0x3  }
0x96: {  	_ =	strace s2  }
0x97: {  	_ =	strace $0x8FFFFFFF  }
0x98: {  	s18 =	sld [smem:$0x3FDB];
	_ =	sdelay $0x1  }
0x99: {  	s19 =	simm.s32 $_scs_section_size  }
0x9a: {  	s4 =	simm.s32 $_size__tile_overlayer_lowered;
	s5 =	simm.s32 $_tile_overlayer_lowered  }
0x9b: {  	s22 =	simm.s32 $0x1BFF;
	s21 =	sshll.u32 s5, $0x1;
	s2 =	sadd.s32 s19, s18  }
0x9c: {  	s6 =	simm.s32 $0x0;
	s20 =	sshll.u32 s4, $0x1;
	s4 =	sadd.s32 s21, s2  }
0x9d: {  	[timem:s6], [sflag:s22] =	dma.local [hbm:s4], s20  }
0x9e: {  	_ =	swait.ge [sflag:s22], s20  }
0x9f: {  	s3 =	ssub.s32 $0x0, s20;
	[sflag:s22] =	ssyncset.done $0x0  }
0xa0: {  	[sflag:s22] =	ssyncadd.s32 s3;
	_ =	sdelay $0x1  }
0xa1: {  	s23 =	simm.s32 $0x1B8B  }
0xa2: {  	_ =	swait.ge [sflag:s23], $0x1  }
0xa3: {  	[sflag:s23] =	ssyncset.done $0x0  }
0xa4: {  	s25 =	simm.s32 $0x1B8E;
	s24 =	sld [smem:$0x3FFE];
	[sflag:s23] =	ssyncadd.s32 $0xFFFFFFFF  }
0xa5: {  	s26 =	simm.s32 $execute0_lowered;
	[smem:$0x3FD2] =	sst s25  }
0xa6: {  	s4 =	sshll.u32 s26, $0x1;
	_ =	strace $0x8000004F;
	[dreg:$0x1] =	wrdreg $0xFFFFFFFF  }
0xa7: {  	s28 =	simm.s32 $_size_execute0_lowered;
	s2 =	sadd.s32 s2, s4;
	[dreg:$0x0] =	wrdreg $0x0  }
0xa8: {  	s4 =	sshll.u32 s28, $0x1;
	[dreg:$0x2] =	wrdreg s2  }
0xa9: {  	[dreg:$0x3] =	wrdreg s4  }
0xaa: {  	[dreg:$0x4] =	wrdreg $0xC0  }
0xab: {  	_ =	task [dreg:s6], $0x5FFFF  }
0xac: {  	[dreg:$0x1] =	wrdreg $0xFFFFFFFF  }
0xad: {  	[dreg:$0x0] =	wrdreg $0x60  }
0xae: {  	[dreg:$0x2] =	wrdreg s24  }
0xaf: {  	[dreg:$0x3] =	wrdreg $0xE0000  }
0xb0: {  	[dreg:$0x4] =	wrdreg $0x9  }
0xb1: {  	_ =	task.clear_ibuf [dreg:s6], $0x5FFFF;
	_ =	strace $0x9000004F  }
0xb2: {  	s29 =	simm.s32 $0x9;
	_ =	strace $0x80000051  }
0xb3: {  	_ =	swait.ge [sflag:s29], $0x1  }
0xb4: {  	[sflag:s29] =	ssyncadd.s32 $0xFFFFFFFF  }
0xb5: {  	_ =	strace $0x90000051  }
0xb6: {  	_ =	sfence  }
0xb7: {  	s30 =	sld [smem:$0x0];
	_ =	sdelay $0x2  }
0xb8: {  	s31 =	sshll.u32 s1, $0xD;
	s1 =	sshrl.u32 s1, $0x2  }
0xb9: {  	s3 =	sand.u32 $0x4000, s31;
	s1 =	sadd.s32 s1, s30  }
0xba: {  	s0 =	sor.u32 s3, s0;
	s1 =	sshll.u32 s1, $0x11  }
0xbb: {  	s0 =	sor.u32 s1, s0  }
0xbc: {  	s0 =	sadd.s32 $0x8F2B, s0  }
0xbd: {  	[sflag:s0] =	ssyncadd.remote.s32 $0x1  }
0xbe: {  	_ =	sfence.sel $0xFFFF  }
0xbf: {  	[dreg:$0x0] =	wrdreg $0xFFFFFFFF;
	(pc) =	sbr.abs _section_cstart, $3  }
0xc0: {  	[dreg:$0x1] =	wrdreg $0xFFFFFFFF  }
0xc1: {  	_ =	task.clear_ibuf [dreg:s6], $0x2FFFF;
	_ =	strace $0x9FFFFFFF  }
0xc2: {  	(tm) =	ssettm $0x7FFFFFFF  }
0xc3: {  	_ =	shalt  }
tec
execute0_lowered:
.L_overlay_start_1:
0x0: {  	(tag) =	ssettag $0x1  }
0x1: {  	s4 =	rddreg [dreg:$0x0]  }
0x2: {  	s1 =	rddreg [dreg:$0x1];
	s2 =	simm.s32 $0x0;
	s3 =	srdreg.scid  }
0x3: {  	s13 =	simm.s32 $0x5000;
	s14 =	simm.s32 $0xA000;
	s15 =	simm.s32 $0x4  }
0x4: {  	s16 =	simm.s32 $0x3;
	s17 =	simm.s32 $0x80;
	s5 =	sand.u32 $0x1, s3  }
0x5: {  	s18 =	simm.s32 $0xC000;
	s3 =	stileid.u32;
	s6 =	smul.u32 $0x13880, s5  }
0x6: {  	s19 =	simm.s32 $0x1;
	s20 =	simm.s32 $0x2;
	s7 =	smul.u32 $0xA00, s3  }
0x7: {  	s21 =	simm.s32 $0x4F80;
	s22 =	simm.s32 $0x9F00;
	s29 =	smul.u32 $0x14000, s5  }
0x8: {  	s26 =	simm.s32 $0x0;
	[smem:$0x7FF] =	sst s2;
	s10 =	smul.u32 $0x28000, s3  }
0x9: {  	_ =	strace $0x80000050;
	s5 =	ssub.s32 $0x2, s5;
	s31 =	smul.u32 $0xA000, s3  }
0xa: {  	s9 =	sshrl.u32 s5, $0x1;
	s8 =	sadd.s32 s6, s4;
	s7 =	sadd.s32 s7, s4  }
0xb: {  	s11 =	sadd.s32 s29, s4;
	s9 =	ssub.s32 s5, s9;
	s30 =	sshrl.u32 s10, $0x2  }
0xc: {  	s24 =	sshrl.u32 s31, $0x3;
	s25 =	sadd.s32 s31, s1;
	s4 =	sadd.s32 $0x15000, s7  }
0xd: {  	s5 =	sadd.s32 $0x1000, s7;
	s6 =	sadd.s32 s30, s1;
	s7 =	sadd.s32 $0x1F000, s8  }
0xe: {  	s23 =	sadd.s32 $0xE4400, s11;
	s8 =	smax.u32 s9, $0x1;
	s25 =	sshrl.u32 s25, $0x3  }
0xf: {  	s9 =	sadd.s32 $0x2000, s6;
	s10 =	sadd.s32 $0x4000, s6;
	s11 =	sadd.s32 $0x6000, s6  }
0x10: {  	v0 =	vimm.f32 $0.0e+00;
	s12 =	sadd.s32 $0x8000, s6;
	s23 =	sadd.s32 s24, s23;
	s24 =	simm.s32 $0x9F80  }
.LBB2_1:
0x11: {  	[tilespmem:s2], [sflag:$0x3] =	stream.linear.gather [hbm4b:s4+s2], $0x5000, $0x38;
	[tilespmem:$0x18000] =	vst v63  }
0x12: {  	s29 =	simm.s32 $0x100;
	s28 =	simm.s32 $0x0  }
0x13: {  	[tilespmem:s13], [sflag:$0x3] =	stream.linear.gather [hbm4b:s5+s2], $0x5000, $0x38;
	[tilespmem:$0x18000] =	vst v63  }
.LBB2_2:
0x14: {  	p0 =	sne.s32 s29, $0x7F00;
	[tilespmem:s28+$0xA030] =	vst v0;
	s30 =	smov.u32 s29;
	s29 =	sadd.s32 $0x100, s29  }
.Ltmp0:
0x15: {  	[tilespmem:s28+$0xA020] =	vst v0;
	(pc) =	sbr.rel @p0 .LBB2_2-.Ltmp0, $3  }
0x16: {  	[tilespmem:s28+$0xA000] =	vst v0  }
0x17: {  	[tilespmem:s28+$0xA010] =	vst v0;
	_ =	sdelay $0x1  }
0x18: {  	s28 =	sshra.s32 s30, $0x2  }
0x19: {  	[tilespmem:s28+$0xA030] =	vst v0  }
0x1a: {  	[tilespmem:s28+$0xA020] =	vst v0  }
0x1b: {  	[tilespmem:s28+$0xA000] =	vst v0  }
0x1c: {  	[tilespmem:s28+$0xA010] =	vst v0  }
0x1d: {  	[spmem:s6] =	stream.linear.scatter [tilespmem:s14], [sflag:$0x4], $0x2000, $0x38;
	[tilespmem:$0x18000] =	vst v63  }
0x1e: {  	_ =	swait.ge [sflag:s15], $0x2000  }
0x1f: {  	[sflag:s15] =	ssyncset.done $0x0  }
0x20: {  	[sflag:s15] =	ssyncadd.s32 $0xFFFFE000  }
0x21: {  	[spmem:s9] =	stream.linear.scatter [tilespmem:s14], [sflag:$0x4], $0x2000, $0x38;
	[tilespmem:$0x18000] =	vst v63  }
0x22: {  	_ =	swait.ge [sflag:s15], $0x2000  }
0x23: {  	[sflag:s15] =	ssyncset.done $0x0  }
0x24: {  	[sflag:s15] =	ssyncadd.s32 $0xFFFFE000  }
0x25: {  	[spmem:s10] =	stream.linear.scatter [tilespmem:s14], [sflag:$0x4], $0x2000, $0x38;
	[tilespmem:$0x18000] =	vst v63  }
0x26: {  	_ =	swait.ge [sflag:s15], $0x2000  }
0x27: {  	[sflag:s15] =	ssyncset.done $0x0  }
0x28: {  	[sflag:s15] =	ssyncadd.s32 $0xFFFFE000  }
0x29: {  	[spmem:s11] =	stream.linear.scatter [tilespmem:s14], [sflag:$0x4], $0x2000, $0x38;
	[tilespmem:$0x18000] =	vst v63  }
0x2a: {  	_ =	swait.ge [sflag:s15], $0x2000  }
0x2b: {  	[sflag:s15] =	ssyncset.done $0x0  }
0x2c: {  	[sflag:s15] =	ssyncadd.s32 $0xFFFFE000  }
0x2d: {  	[spmem:s12] =	stream.linear.scatter [tilespmem:s14], [sflag:$0x4], $0x2000, $0x38;
	[tilespmem:$0x18000] =	vst v63  }
0x2e: {  	_ =	swait.ge [sflag:s15], $0x2000  }
0x2f: {  	[sflag:s15] =	ssyncset.done $0x0  }
0x30: {  	[sflag:s15] =	ssyncadd.s32 $0xFFFFE000  }
0x31: {  	_ =	swait.ge [sflag:s16], $0x5000  }
0x32: {  	[sflag:s16] =	ssyncset.done $0x0  }
0x33: {  	[sflag:s16] =	ssyncadd.s32 $0xFFFFB000  }
0x34: {  	_ =	swait.ge [sflag:s16], $0x5000  }
0x35: {  	[sflag:s16] =	ssyncset.done $0x0  }
0x36: {  	[sflag:s16] =	ssyncadd.s32 $0xFFFFB000  }
0x37: {  	s28 =	simm.s32 $0x0;
	[bflag:$0x0] =	sbarrier.arrive $0xFFFF  }
0x38: {  	[tilespmem:s14], [sflag:$0x1] =	stream.indirect.gather [hbm4b:s7+s17], $0x40, s28, s17, $0xb8;
	[tilespmem:$0x18000] =	vst v63  }
0x39: {  	s28 =	simm.s32 $0x80  }
0x3a: {  	[tilespmem:s18], [sflag:$0x2] =	stream.indirect.gather [hbm4b:s7+s17], $0x40, s28, s17, $0xb8;
	[tilespmem:$0x18000] =	vst v63  }
0x3b: {  	_ =	swait.ge [sflag:s19], $0x2000  }
0x3c: {  	[sflag:s19] =	ssyncset.done $0x0  }
0x3d: {  	s28 =	simm.s32 $0x5000;
	[sflag:s19] =	ssyncadd.s32 $0xFFFFE000  }
0x3e: {  	[spmem:s1] =	stream.indirect.scatter.add.f32 [tilespmem:s14], [sflag:$0x4], $0x40, s28, s17, $0xb8;
	[tilespmem:$0x18000] =	vst v63  }
0x3f: {  	_ =	swait.ge [sflag:s15], $0x2000  }
0x40: {  	[sflag:s15] =	ssyncset.done $0x0  }
0x41: {  	s28 =	simm.s32 $0x100;
	[sflag:s15] =	ssyncadd.s32 $0xFFFFE000  }
0x42: {  	[tilespmem:s14], [sflag:$0x1] =	stream.indirect.gather [hbm4b:s7+s17], $0x40, s28, s17, $0xb8;
	[tilespmem:$0x18000] =	vst v63  }
0x43: {  	_ =	swait.ge [sflag:s20], $0x2000  }
0x44: {  	[sflag:s20] =	ssyncset.done $0x0  }
0x45: {  	s28 =	simm.s32 $0x5080;
	[sflag:s20] =	ssyncadd.s32 $0xFFFFE000  }
0x46: {  	[spmem:s1] =	stream.indirect.scatter.add.f32 [tilespmem:s18], [sflag:$0x4], $0x40, s28, s17, $0xb8;
	[tilespmem:$0x18000] =	vst v63  }
0x47: {  	_ =	swait.ge [sflag:s15], $0x2000  }
0x48: {  	s29 =	simm.s32 $0x800;
	s28 =	simm.s32 $0x100;
	[sflag:s15] =	ssyncset.done $0x0  }
.LBB2_4:
0x49: {  	s30 =	sadd.s32 $0x80, s28  }
0x4a: {  	[sflag:s15] =	ssyncadd.s32 $0xFFFFE000;
	s31 =	smov.u32 s29;
	s0 =	sadd.s32 $0x400, s29  }
0x4b: {  	[tilespmem:s18], [sflag:$0x2] =	stream.indirect.gather [hbm4b:s7+s17], $0x40, s30, s17, $0xb8;
	[tilespmem:$0x18000] =	vst v63  }
0x4c: {  	p0 =	sne.s32 s29, $0x13800;
	_ =	swait.ge [sflag:s19], $0x2000  }
0x4d: {  	[sflag:s19] =	ssyncset.done $0x0  }
0x4e: {  	s29 =	sadd.s32 $0x5000, s28;
	[sflag:s19] =	ssyncadd.s32 $0xFFFFE000  }
0x4f: {  	[spmem:s1] =	stream.indirect.scatter.add.f32 [tilespmem:s14], [sflag:$0x4], $0x40, s29, s17, $0xb8;
	[tilespmem:$0x18000] =	vst v63  }
0x50: {  	_ =	swait.ge [sflag:s15], $0x2000  }
0x51: {  	[sflag:s15] =	ssyncset.done $0x0  }
0x52: {  	s29 =	sadd.s32 $0x100, s28;
	[sflag:s15] =	ssyncadd.s32 $0xFFFFE000  }
0x53: {  	[tilespmem:s14], [sflag:$0x1] =	stream.indirect.gather [hbm4b:s7+s17], $0x40, s29, s17, $0xb8;
	[tilespmem:$0x18000] =	vst v63  }
0x54: {  	_ =	swait.ge [sflag:s20], $0x2000  }
.Ltmp1:
0x55: {  	[sflag:s20] =	ssyncset.done $0x0;
	(pc) =	sbr.rel @p0 .LBB2_4-.Ltmp1, $4  }
0x56: {  	s28 =	sadd.s32 $0x5080, s28;
	[sflag:s20] =	ssyncadd.s32 $0xFFFFE000  }
0x57: {  	[spmem:s1] =	stream.indirect.scatter.add.f32 [tilespmem:s18], [sflag:$0x4], $0x40, s28, s17, $0xb8;
	[tilespmem:$0x18000] =	vst v63  }
0x58: {  	_ =	swait.ge [sflag:s15], $0x2000  }
0x59: {  	s29 =	smov.u32 s0;
	s28 =	sshra.s32 s31, $0x2;
	[sflag:s15] =	ssyncset.done $0x0  }
0x5a: {  	s0 =	sadd.s32 $0x80, s28;
	[sflag:s15] =	ssyncadd.s32 $0xFFFFE000  }
0x5b: {  	[tilespmem:s18], [sflag:$0x2] =	stream.indirect.gather [hbm4b:s7+s17], $0x40, s0, s17, $0xb8;
	[tilespmem:$0x18000] =	vst v63  }
0x5c: {  	_ =	swait.ge [sflag:s19], $0x2000  }
0x5d: {  	[sflag:s19] =	ssyncset.done $0x0  }
0x5e: {  	s31 =	sadd.s32 $0x5000, s28;
	[sflag:s19] =	ssyncadd.s32 $0xFFFFE000  }
0x5f: {  	[spmem:s1] =	stream.indirect.scatter.add.f32 [tilespmem:s14], [sflag:$0x4], $0x40, s31, s17, $0xb8;
	[tilespmem:$0x18000] =	vst v63  }
0x60: {  	_ =	swait.ge [sflag:s15], $0x2000  }
0x61: {  	[sflag:s15] =	ssyncset.done $0x0  }
0x62: {  	s29 =	sadd.s32 $0x100, s28;
	[sflag:s15] =	ssyncadd.s32 $0xFFFFE000  }
0x63: {  	[tilespmem:s14], [sflag:$0x1] =	stream.indirect.gather [hbm4b:s7+s17], $0x40, s29, s17, $0xb8;
	[tilespmem:$0x18000] =	vst v63  }
0x64: {  	_ =	swait.ge [sflag:s20], $0x2000  }
0x65: {  	[sflag:s20] =	ssyncset.done $0x0  }
0x66: {  	s30 =	sadd.s32 $0x5080, s28;
	[sflag:s20] =	ssyncadd.s32 $0xFFFFE000  }
0x67: {  	[spmem:s1] =	stream.indirect.scatter.add.f32 [tilespmem:s18], [sflag:$0x4], $0x40, s30, s17, $0xb8;
	[tilespmem:$0x18000] =	vst v63  }
0x68: {  	_ =	swait.ge [sflag:s15], $0x2000  }
0x69: {  	[sflag:s15] =	ssyncset.done $0x0  }
0x6a: {  	[sflag:s15] =	ssyncadd.s32 $0xFFFFE000  }
0x6b: {  	[tilespmem:s18], [sflag:$0x2] =	stream.indirect.gather [hbm4b:s7+s17], $0x40, s21, s17, $0xb8;
	[tilespmem:$0x18000] =	vst v63  }
0x6c: {  	_ =	swait.ge [sflag:s19], $0x2000  }
0x6d: {  	[sflag:s19] =	ssyncset.done $0x0  }
0x6e: {  	[sflag:s19] =	ssyncadd.s32 $0xFFFFE000  }
0x6f: {  	[spmem:s1] =	stream.indirect.scatter.add.f32 [tilespmem:s14], [sflag:$0x4], $0x40, s22, s17, $0xb8;
	[tilespmem:$0x18000] =	vst v63  }
0x70: {  	_ =	swait.ge [sflag:s15], $0x2000  }
0x71: {  	[sflag:s15] =	ssyncset.done $0x0  }
0x72: {  	[sflag:s15] =	ssyncadd.s32 $0xFFFFE000  }
0x73: {  	_ =	swait.ge [sflag:s20], $0x2000  }
0x74: {  	[sflag:s20] =	ssyncset.done $0x0  }
0x75: {  	[sflag:s20] =	ssyncadd.s32 $0xFFFFE000  }
0x76: {  	[spmem:s1] =	stream.indirect.scatter.add.f32 [tilespmem:s18], [sflag:$0x4], $0x40, s24, s17, $0xb8;
	[tilespmem:$0x18000] =	vst v63  }
0x77: {  	_ =	swait.ge [sflag:s15], $0x2000  }
0x78: {  	s26 =	sadd.s32 $0x1, s26;
	[sflag:s15] =	ssyncset.done $0x0  }
0x79: {  	p0 =	sne.s32 s26, s8;
	s31 =	sshll.u32 s3, $0x6;
	[sflag:s15] =	ssyncadd.s32 $0xFFFFE000  }
.Ltmp2:
0x7a: {  	s0 =	sor.u32 $0x1C04, s31;
	[bflag:$0x0] =	sbarrier.arrive $0xFFFF;
	(pc) =	sbr.rel @p0 .LBB2_1-.Ltmp2, $4  }
0x7b: {  	[hbm:s23], [sflag:s0] =	dma.local [spmem:s25], $0x1400  }
0x7c: {  	_ =	swait.ge [sflag:s15], $0x1400  }
0x7d: {  	[sflag:s15] =	ssyncset.done $0x0  }
0x7e: {  	[sflag:s15] =	ssyncadd.s32 $0xFFFFEC00  }
0x7f: {  	_ =	sfence.sel $0x180000  }
0x80: {  	[bflag:$0x0] =	sbarrier.arrive $0xFFFF  }
0x81: {  	_ =	strace $0x90000050  }
0x82: {  	[bflag:$0x2] =	sbarrier.arrive $0xFFFF  }
0x83: {  	p0 =	sne.s32 s3, $0x0;
	s0 =	rddreg [dreg:$0x2]  }
0x84: {  	s0 =	sadd.s32 @!p0 $0x100000, s0  }
0x85: {  	[sflag:s0] =	ssyncadd.tile.s32 @!p0 $0x1;
	_ =	shalt  }
.Lfunc_end2:
_tile_overlayer_lowered:
.L_overlay_start_2:
0x86: {  	(tag) =	ssettag $0x2  }
0x87: {  	s0 =	rddreg [dreg:$0x0];
	s2 =	stileid.u32  }
0x88: {  	s1 =	rddreg [dreg:$0x1];
	p0 =	sne.s32 s2, $0x0  }
0x89: {  	s3 =	rddreg [dreg:$0x2];
	[bflag:$0x3] =	sbarrier.arrive $0xFFFF;
	s2 =	simm.s32 @!p0 $0x1C04  }
0x8a: {  	[timem:s3], [sflag:s2] =	dma.local @!p0 [hbm:s0], s1  }
0x8b: {  	s0 =	simm.s32 @!p0 $0x4  }
0x8c: {  	_ =	swait.ge @!p0 [sflag:s0], s1  }
0x8d: {  	s1 =	ssub.s32 @!p0 $0x0, s1;
	[sflag:s0] =	ssyncset.done @!p0 $0x0  }
0x8e: {  	[sflag:s0] =	ssyncadd.s32 @!p0 s1  }
0x8f: {  	[bflag:$0x3] =	sbarrier.arrive $0xFFFF  }
0x90: {  	_ =	shalt  }

</sc_bundles>
